<compile_context>
chip_gen: v7x
topology: tpu7x:2x2x1
jax: 0.10.2.dev20260603
libtpu: 0.0.44.dev20260713+nightly
codegen_flags: <defaults>
</compile_context>

<pallas_src>
import jax
import jax.numpy as jnp
from jax import lax
from jax.experimental import pallas as pl
from jax.experimental.pallas import tpu as pltpu
from jax.experimental.pallas import tpu_sc as plsc

NC = 2
NS = 16
NW = NC * NS
L = 16

D = 64
T = 16384
SEG = 16
SEGLEN = 1024
V = 1000000

CH = 512
CH_SH = 9
NBUF = 3
TAIL_K = V // CH
TAIL_W = V - TAIL_K * CH
CH_PER_W = TAIL_K // NW + 1


def _body(textf_hbm, tabT_hbm, tail_hbm, out_hbm,
          locp_v, buf0_v, buf1_v, buf2_v, acc_v,
          scr_r, scr_s, row_v, red_v, shared_v, sem0, sem1, sem2):
    c = lax.axis_index("c")
    s = lax.axis_index("s")
    w = s * NC + c
    iota = lax.iota(jnp.int32, L)

    bufs = (buf0_v, buf1_v, buf2_v)
    sems = (sem0, sem1, sem2)

    def chunk_descr(idx, nb):
        k = w + NW * idx
        full = pltpu.make_async_copy(
            tabT_hbm.at[:, pl.ds(k * CH, CH)], bufs[nb], sems[nb])
        tail = pltpu.make_async_copy(
            tail_hbm, bufs[nb].at[:, pl.ds(0, 2 * D)], sems[nb])
        return k, full, tail

    def start_chunk(idx, nb):
        k, full, tail = chunk_descr(idx, nb)
        pl.when(k < TAIL_K)(full.start)
        pl.when(k == TAIL_K)(tail.start)

    def wait_chunk(idx, nb):
        k, full, tail = chunk_descr(idx, nb)
        pl.when(k < TAIL_K)(full.wait)
        pl.when(k == TAIL_K)(tail.wait)

    def process_chunk(idx, nb, cnt_):
        k = w + NW * idx
        buf = bufs[nb]

        @pl.when(k <= TAIL_K)
        def _():
            nstep = (cnt_ + (L - 1)) // L

            def per_vreg(m, _):
                pk = locp_v[pl.ds(m * L, L)]
                rv = pk & ((1 << 20) - 1)
                valid = (iota + m * L) < cnt_
                match = ((rv >> CH_SH) == k) & valid
                nm = jnp.sum(match.astype(jnp.int32))

                @pl.when(nm > 0)
                def _():
                    plsc.store_compressed(scr_r.at[pl.ds(0, L)], rv,
                                          mask=match)
                    plsc.store_compressed(scr_s.at[pl.ds(0, L)], pk >> 20,
                                          mask=match)

                    def per_tok(t, __):
                        tvec = jnp.full((L,), 0, jnp.int32) + t
                        cidx = plsc.load_gather(scr_r, [tvec]) & (CH - 1)
                        sgv = plsc.load_gather(scr_s, [tvec])
                        for g in range(D // L):
                            vals = plsc.load_gather(
                                buf, [iota + g * L, cidx])
                            plsc.addupdate_scatter(
                                acc_v, [sgv * D + g * L + iota], vals)
                        return 0

                    lax.fori_loop(0, nm, per_tok, 0)
                return 0

            lax.fori_loop(0, nstep, per_vreg, 0)

    for b in range(NBUF - 1):
        start_chunk(b, b)

    pltpu.sync_copy(textf_hbm, buf2_v.at[:, pl.ds(0, T // D)])

    def p0(i, cnt):
        rvf = buf2_v[i // L, pl.ds((i % L) * L, L)]
        rv = plsc.bitcast(rvf, jnp.int32)
        sv = (iota + i * L) >> 10
        mine = ((rv >> CH_SH) & (NW - 1)) == w
        plsc.store_compressed(locp_v.at[pl.ds(cnt, L)], rv | (sv << 20),
                              mask=mine)
        return cnt + jnp.sum(mine.astype(jnp.int32))

    cnt = lax.fori_loop(0, T // L, p0, jnp.int32(0))

    zero16 = jnp.zeros((L,), jnp.float32)
    for r in range(SEG * D // L):
        acc_v[pl.ds(r * L, L)] = zero16

    def per_group(i, cnt_):
        for b in range(NBUF):
            idx = i * NBUF + b
            wait_chunk(idx, b)
            start_chunk(idx + (NBUF - 1), (b + NBUF - 1) % NBUF)
            process_chunk(idx, b, cnt_)
        return cnt_

    lax.fori_loop(0, CH_PER_W // NBUF + 1, per_group, cnt)

    pltpu.sync_copy(acc_v, shared_v.at[s])
    plsc.subcore_barrier()
    scale = jnp.float32(1.0 / SEGLEN)

    @pl.when(s < SEG // 2)
    def _():
        pltpu.sync_copy(shared_v.at[:, pl.ds(s * 2 * D, 2 * D)], red_v)
        for half in range(2):
            for g in range(D // L):
                acc = zero16
                for ws in range(NS):
                    acc = acc + red_v[ws, pl.ds(half * D + g * L, L)]
                row_v[pl.ds(g * L, L)] = acc * scale
            pltpu.sync_copy(row_v, out_hbm.at[c, s * 2 + half])


@jax.jit
def _pooled(text, table):
    tabT = jnp.transpose(table, (1, 0))
    textf = lax.bitcast_convert_type(text, jnp.float32).reshape(D, T // D)
    tail = jnp.zeros((2 * D, D), jnp.float32).at[:TAIL_W, :].set(
        table[TAIL_K * CH:, :]).T
    kfn = pl.kernel(
        _body,
        out_type=jax.ShapeDtypeStruct((NC, SEG, D), jnp.float32),
        mesh=plsc.VectorSubcoreMesh(
            core_axis_name="c", subcore_axis_name="s",
            num_cores=NC, num_subcores=NS,
        ),
        scratch_types=[
            pltpu.VMEM((T + L,), jnp.int32),
            pltpu.VMEM((D, CH), jnp.float32),
            pltpu.VMEM((D, CH), jnp.float32),
            pltpu.VMEM((D, CH), jnp.float32),
            pltpu.VMEM((SEG * D,), jnp.float32),
            pltpu.VMEM((L,), jnp.int32),
            pltpu.VMEM((L,), jnp.int32),
            pltpu.VMEM((D,), jnp.float32),
            pltpu.VMEM((NS, 2 * D), jnp.float32),
            pltpu.VMEM_SHARED((NS, SEG * D), jnp.float32),
            pltpu.SemaphoreType.DMA,
            pltpu.SemaphoreType.DMA,
            pltpu.SemaphoreType.DMA,
        ],
        compiler_params=pltpu.CompilerParams(use_tc_tiling_on_sc=True, needs_layout_passes=False),
    )
    return kfn(textf, tabT, tail)


def kernel(text, emb_table):
    parts = _pooled(text, emb_table)
    pooled = parts[0] + parts[1]
    return jnp.transpose(pooled, (1, 0))[None]

# --- scband reference (transcript-rebuilt; emitter-appended) ---
"""Pipeline reference for scband-text-sentiment-25907242730039 (READ-ONLY COPY).

The authoritative reference and input builder live on the scoring server;
editing this copy changes nothing except your own understanding.
"""

import jax, jax.numpy as jnp
import numpy as np

VOCAB = 1000000
EMBED_DIM = 64
NUM_CLASS = 4
BATCH_SIZE = 16  # module-level constant `batch_size` in the original code
T = 16384


def setup_inputs(seed: int = 0) -> dict:
    key = jax.random.key(seed)
    k_text, k_emb = jax.random.split(key, 2)
    text = jax.random.randint(k_text, (T,), 0, VOCAB, dtype=jnp.int64 if jax.config.read('jax_enable_x64') else jnp.int32)
    # init_weights: embedding.weight.uniform_(-0.5, 0.5)
    emb_table = jax.random.uniform(k_emb, (VOCAB, EMBED_DIM), dtype=jnp.float32, minval=-0.5, maxval=0.5)
    return {"text": text, "emb_table": emb_table}


def reference(text, emb_table):
    # embedded = self.embedding(text)  -> [T, embed_dim]
    embedded = jnp.take(emb_table, text, axis=0)
    c = embedded.shape[0] // BATCH_SIZE
    embedded = embedded[: c * BATCH_SIZE]            # [c*16, d]
    embedded = jnp.transpose(embedded, (1, 0))       # [d, c*16]
    embedded = embedded[None, :, :]                  # [1, d, c*16]
    # F.avg_pool1d(embedded, kernel_size=c): stride defaults to kernel_size
    d = embedded.shape[1]
    pooled = embedded.reshape(1, d, BATCH_SIZE, c).mean(axis=-1)  # [1, d, 16]
    return pooled

if __name__ == "__main__":
    import jax
    _d = setup_inputs()
    print(jax.jit(kernel)(*tuple(_d.values())))

</pallas_src>

<mosaic_0001>
#map = affine_map<(d0, d1) -> (0, 0)>
#map1 = affine_map<(d0, d1) -> (0, 0, 0)>
module attributes {stable_mosaic.version = 14 : i64} {
  func.func @_body(%arg0: i32, %arg1: i32, %arg2: memref<64x256xf32, #tpu.memory_space<hbm>>, %arg3: memref<64x1000000xf32, #tpu.memory_space<hbm>>, %arg4: memref<64x128xf32, #tpu.memory_space<hbm>>, %arg5: memref<2x16x64xf32, #tpu.memory_space<hbm>>, %arg6: memref<16400xi32, #tpu.memory_space<vmem>>, %arg7: memref<64x512xf32, #tpu.memory_space<vmem>>, %arg8: memref<64x512xf32, #tpu.memory_space<vmem>>, %arg9: memref<64x512xf32, #tpu.memory_space<vmem>>, %arg10: memref<1024xf32, #tpu.memory_space<vmem>>, %arg11: memref<16xi32, #tpu.memory_space<vmem>>, %arg12: memref<16xi32, #tpu.memory_space<vmem>>, %arg13: memref<64xf32, #tpu.memory_space<vmem>>, %arg14: memref<16x128xf32, #tpu.memory_space<vmem>>, %arg15: memref<16x1024xf32, #tpu.memory_space<vmem_shared>>, %arg16: memref<!tpu.dma_semaphore, #tpu.memory_space<semaphore_mem>>, %arg17: memref<!tpu.dma_semaphore, #tpu.memory_space<semaphore_mem>>, %arg18: memref<!tpu.dma_semaphore, #tpu.memory_space<semaphore_mem>>) attributes {dimension_semantics = [#tpu.dimension_semantics<core_parallel>, #tpu.dimension_semantics<subcore_parallel>], iteration_bounds = array<i64: 2, 16>, scalar_prefetch = 0 : i64, scratch_operands = 13 : i64, tpu.core_type = #tpu.core_type<sc_vector_subcore>, window_params = [{transform_indices = #map}, {transform_indices = #map}, {transform_indices = #map}, {transform_indices = #map1}]} {
    %mul3A = arith.constant 2 : i32
    %mul3A_0 = arith.muli %arg1, %mul3A : i32
    %add3A = arith.addi %mul3A_0, %arg0 : i32
    %iota3A = tpu.iota {dimensions = array<i32: 0>} : vector<16xi32>
    %add3A_1 = arith.constant 0 : i32
    %add3A_2 = arith.addi %add3A, %add3A_1 : i32
    %mul3A_3 = arith.constant 512 : i32
    %mul3A_4 = arith.muli %add3A_2, %mul3A_3 : i32
    %lt3A = arith.constant 1953 : i32
    %lt3A_5 = arith.cmpi slt, %add3A_2, %lt3A : i32
    %convert_element_type3A = arith.extui %lt3A_5 : i1 to i32
    %cond3A = arith.constant 0 : i32
    %cond3A_6 = arith.cmpi ne, %convert_element_type3A, %cond3A : i32
    scf.if %cond3A_6 {
      %dma_start3A = arith.constant 0 : i32
      %dma_start3A_170 = tpu.memref_slice %arg3[%dma_start3A, %mul3A_4] : memref<64x1000000xf32, #tpu.memory_space<hbm>> -> memref<64x512xf32, #tpu.memory_space<hbm>>
      %dma_start3A_171 = arith.constant 0 : i32
      %dma_start3A_172 = tpu.memref_slice %arg3[%dma_start3A_171, %mul3A_4] : memref<64x1000000xf32, #tpu.memory_space<hbm>> -> memref<64x512xf32, #tpu.memory_space<hbm>>
      tpu.enqueue_dma source(%dma_start3A_172 : memref<64x512xf32, #tpu.memory_space<hbm>>) target(%arg7 : memref<64x512xf32, #tpu.memory_space<vmem>>) target_semaphore(%arg16 : memref<!tpu.dma_semaphore, #tpu.memory_space<semaphore_mem>>)
    } else {
    }
    %eq3A = arith.constant 1953 : i32
    %eq3A_7 = arith.cmpi eq, %add3A_2, %eq3A : i32
    %convert_element_type3A_8 = arith.extui %eq3A_7 : i1 to i32
    %cond3A_9 = arith.constant 0 : i32
    %cond3A_10 = arith.cmpi ne, %convert_element_type3A_8, %cond3A_9 : i32
    scf.if %cond3A_10 {
      %dma_start3A = arith.constant 0 : i32
      %dma_start3A_170 = arith.constant 0 : i32
      %dma_start3A_171 = tpu.memref_slice %arg7[%dma_start3A, %dma_start3A_170] : memref<64x512xf32, #tpu.memory_space<vmem>> -> memref<64x128xf32, #tpu.memory_space<vmem>>
      %dma_start3A_172 = arith.constant 0 : i32
      %dma_start3A_173 = arith.constant 0 : i32
      %dma_start3A_174 = tpu.memref_slice %arg7[%dma_start3A_172, %dma_start3A_173] : memref<64x512xf32, #tpu.memory_space<vmem>> -> memref<64x128xf32, #tpu.memory_space<vmem>>
      tpu.enqueue_dma source(%arg4 : memref<64x128xf32, #tpu.memory_space<hbm>>) target(%dma_start3A_174 : memref<64x128xf32, #tpu.memory_space<vmem>>) target_semaphore(%arg16 : memref<!tpu.dma_semaphore, #tpu.memory_space<semaphore_mem>>)
    } else {
    }
    %add3A_11 = arith.constant 32 : i32
    %add3A_12 = arith.addi %add3A, %add3A_11 : i32
    %mul3A_13 = arith.constant 512 : i32
    %mul3A_14 = arith.muli %add3A_12, %mul3A_13 : i32
    %lt3A_15 = arith.constant 1953 : i32
    %lt3A_16 = arith.cmpi slt, %add3A_12, %lt3A_15 : i32
    %convert_element_type3A_17 = arith.extui %lt3A_16 : i1 to i32
    %cond3A_18 = arith.constant 0 : i32
    %cond3A_19 = arith.cmpi ne, %convert_element_type3A_17, %cond3A_18 : i32
    scf.if %cond3A_19 {
      %dma_start3A = arith.constant 0 : i32
      %dma_start3A_170 = tpu.memref_slice %arg3[%dma_start3A, %mul3A_14] : memref<64x1000000xf32, #tpu.memory_space<hbm>> -> memref<64x512xf32, #tpu.memory_space<hbm>>
      %dma_start3A_171 = arith.constant 0 : i32
      %dma_start3A_172 = tpu.memref_slice %arg3[%dma_start3A_171, %mul3A_14] : memref<64x1000000xf32, #tpu.memory_space<hbm>> -> memref<64x512xf32, #tpu.memory_space<hbm>>
      tpu.enqueue_dma source(%dma_start3A_172 : memref<64x512xf32, #tpu.memory_space<hbm>>) target(%arg8 : memref<64x512xf32, #tpu.memory_space<vmem>>) target_semaphore(%arg17 : memref<!tpu.dma_semaphore, #tpu.memory_space<semaphore_mem>>)
    } else {
    }
    %eq3A_20 = arith.constant 1953 : i32
    %eq3A_21 = arith.cmpi eq, %add3A_12, %eq3A_20 : i32
    %convert_element_type3A_22 = arith.extui %eq3A_21 : i1 to i32
    %cond3A_23 = arith.constant 0 : i32
    %cond3A_24 = arith.cmpi ne, %convert_element_type3A_22, %cond3A_23 : i32
    scf.if %cond3A_24 {
      %dma_start3A = arith.constant 0 : i32
      %dma_start3A_170 = arith.constant 0 : i32
      %dma_start3A_171 = tpu.memref_slice %arg8[%dma_start3A, %dma_start3A_170] : memref<64x512xf32, #tpu.memory_space<vmem>> -> memref<64x128xf32, #tpu.memory_space<vmem>>
      %dma_start3A_172 = arith.constant 0 : i32
      %dma_start3A_173 = arith.constant 0 : i32
      %dma_start3A_174 = tpu.memref_slice %arg8[%dma_start3A_172, %dma_start3A_173] : memref<64x512xf32, #tpu.memory_space<vmem>> -> memref<64x128xf32, #tpu.memory_space<vmem>>
      tpu.enqueue_dma source(%arg4 : memref<64x128xf32, #tpu.memory_space<hbm>>) target(%dma_start3A_174 : memref<64x128xf32, #tpu.memory_space<vmem>>) target_semaphore(%arg17 : memref<!tpu.dma_semaphore, #tpu.memory_space<semaphore_mem>>)
    } else {
    }
    "tpu.region"() ({
      %run_scoped3A = tpu.sem_alloc : memref<!tpu.dma_semaphore, #tpu.memory_space<semaphore_mem>>
      %dma_start3A = arith.constant 0 : i32
      %dma_start3A_170 = arith.constant 0 : i32
      %dma_start3A_171 = tpu.memref_slice %arg9[%dma_start3A, %dma_start3A_170] : memref<64x512xf32, #tpu.memory_space<vmem>> -> memref<64x256xf32, #tpu.memory_space<vmem>>
      %dma_start3A_172 = arith.constant 0 : i32
      %dma_start3A_173 = arith.constant 0 : i32
      %dma_start3A_174 = tpu.memref_slice %arg9[%dma_start3A_172, %dma_start3A_173] : memref<64x512xf32, #tpu.memory_space<vmem>> -> memref<64x256xf32, #tpu.memory_space<vmem>>
      tpu.enqueue_dma source(%arg2 : memref<64x256xf32, #tpu.memory_space<hbm>>) target(%dma_start3A_174 : memref<64x256xf32, #tpu.memory_space<vmem>>) target_semaphore(%run_scoped3A : memref<!tpu.dma_semaphore, #tpu.memory_space<semaphore_mem>>)
      %dma_wait3A = arith.constant 0 : i32
      %dma_wait3A_175 = arith.constant 0 : i32
      %dma_wait3A_176 = tpu.memref_slice %arg9[%dma_wait3A, %dma_wait3A_175] : memref<64x512xf32, #tpu.memory_space<vmem>> -> memref<64x256xf32, #tpu.memory_space<vmem>>
      %dma_wait3A_177 = arith.constant 0 : i32
      %dma_wait3A_178 = arith.constant 0 : i32
      %dma_wait3A_179 = tpu.memref_slice %arg9[%dma_wait3A_177, %dma_wait3A_178] : memref<64x512xf32, #tpu.memory_space<vmem>> -> memref<64x256xf32, #tpu.memory_space<vmem>>
      tpu.wait_dma2 semaphore(%run_scoped3A : memref<!tpu.dma_semaphore, #tpu.memory_space<semaphore_mem>>) src(%arg2 : memref<64x256xf32, #tpu.memory_space<hbm>>) dst(%dma_wait3A_179 : memref<64x256xf32, #tpu.memory_space<vmem>>)
      tpu.yield
    }) : () -> ()
    %scan3A = arith.constant 0 : i32
    %scan3A_25 = arith.constant 0 : i32
    %scan3A_26 = arith.constant 1024 : i32
    %scan3A_27 = arith.addi %scan3A_25, %scan3A_26 : i32
    %scan3A_28 = arith.constant 1 : i32
    %scan3A_29 = scf.for %scan3A_170 = %scan3A_25 to %scan3A_27 step %scan3A_28 iter_args(%scan3A_171 = %scan3A) -> (i32)  : i32 {
      %jit3A = arith.constant 16 : i32
      %div3A = arith.divsi %scan3A_170, %jit3A : i32
      %sign3A = arith.constant 0 : i32
      %sign3A_172 = arith.cmpi sgt, %scan3A_170, %sign3A : i32
      %sign3A_173 = arith.extui %sign3A_172 : i1 to i32
      %sign3A_174 = arith.constant 0 : i32
      %sign3A_175 = arith.cmpi slt, %scan3A_170, %sign3A_174 : i32
      %sign3A_176 = arith.extui %sign3A_175 : i1 to i32
      %sign3A_177 = arith.subi %sign3A_173, %sign3A_176 : i32
      %sign3A_178 = arith.constant 0 : i32
      %sign3A_179 = arith.cmpi sgt, %jit3A, %sign3A_178 : i32
      %sign3A_180 = arith.extui %sign3A_179 : i1 to i32
      %sign3A_181 = arith.constant 0 : i32
      %sign3A_182 = arith.cmpi slt, %jit3A, %sign3A_181 : i32
      %sign3A_183 = arith.extui %sign3A_182 : i1 to i32
      %sign3A_184 = arith.subi %sign3A_180, %sign3A_183 : i32
      %ne3A = arith.cmpi ne, %sign3A_177, %sign3A_184 : i32
      %rem3A = arith.remsi %scan3A_170, %jit3A : i32
      %ne3A_185 = arith.constant 0 : i32
      %ne3A_186 = arith.cmpi ne, %rem3A, %ne3A_185 : i32
      %and3A = arith.andi %ne3A, %ne3A_186 : i1
      %sub3A = arith.constant 1 : i32
      %sub3A_187 = arith.subi %div3A, %sub3A : i32
      %select_n3A = arith.select %and3A, %sub3A_187, %div3A : i32
      %jit3A_188 = arith.constant 16 : i32
      %eq3A_189 = arith.constant 0 : i32
      %eq3A_190 = arith.cmpi eq, %jit3A_188, %eq3A_189 : i32
      %jit3A_191 = arith.constant 1 : i32
      %select_n3A_192 = arith.select %eq3A_190, %jit3A_191, %jit3A_188 : i32
      %rem3A_193 = arith.remsi %scan3A_170, %select_n3A_192 : i32
      %ne3A_194 = arith.constant 0 : i32
      %ne3A_195 = arith.cmpi ne, %rem3A_193, %ne3A_194 : i32
      %lt3A_196 = arith.constant 0 : i32
      %lt3A_197 = arith.cmpi slt, %rem3A_193, %lt3A_196 : i32
      %lt3A_198 = arith.constant 0 : i32
      %lt3A_199 = arith.cmpi slt, %select_n3A_192, %lt3A_198 : i32
      %ne3A_200 = arith.xori %lt3A_197, %lt3A_199 : i1
      %and3A_201 = arith.andi %ne3A_200, %ne3A_195 : i1
      %add3A_202 = arith.addi %rem3A_193, %select_n3A_192 : i32
      %select_n3A_203 = arith.select %and3A_201, %add3A_202, %rem3A_193 : i32
      %mul3A_204 = arith.constant 16 : i32
      %mul3A_205 = arith.muli %select_n3A_203, %mul3A_204 : i32
      %get3A = arith.index_cast %select_n3A : i32 to index
      %get3A_206 = arith.index_cast %mul3A_205 : i32 to index
      %get3A_207 = tpu.vector_load %arg9[%get3A, %get3A_206] {strides = array<i32>} : memref<64x512xf32, #tpu.memory_space<vmem>>, vector<16xf32>,
      %bitcast3A = vector.bitcast %get3A_207 : vector<16xf32> to vector<16xi32>
      %mul3A_208 = arith.constant 16 : i32
      %mul3A_209 = arith.muli %scan3A_170, %mul3A_208 : i32
      %add3A_210 = vector.broadcast %mul3A_209 : i32 to vector<16xi32>
      %add3A_211 = arith.addi %iota3A, %add3A_210 : vector<16xi32>
      %shift_right_arithmetic3A = arith.constant 10 : i32
      %shift_right_arithmetic3A_212 = vector.broadcast %shift_right_arithmetic3A : i32 to vector<16xi32>
      %shift_right_arithmetic3A_213 = arith.shrsi %add3A_211, %shift_right_arithmetic3A_212 : vector<16xi32>
      %shift_right_arithmetic3A_214 = arith.constant 9 : i32
      %shift_right_arithmetic3A_215 = vector.broadcast %shift_right_arithmetic3A_214 : i32 to vector<16xi32>
      %shift_right_arithmetic3A_216 = arith.shrsi %bitcast3A, %shift_right_arithmetic3A_215 : vector<16xi32>
      %and3A_217 = arith.constant 31 : i32
      %and3A_218 = vector.broadcast %and3A_217 : i32 to vector<16xi32>
      %and3A_219 = arith.andi %shift_right_arithmetic3A_216, %and3A_218 : vector<16xi32>
      %eq3A_220 = vector.broadcast %add3A : i32 to vector<16xi32>
      %eq3A_221 = arith.cmpi eq, %and3A_219, %eq3A_220 : vector<16xi32>
      %shift_left3A = arith.constant 20 : i32
      %shift_left3A_222 = vector.broadcast %shift_left3A : i32 to vector<16xi32>
      %shift_left3A_223 = arith.shli %shift_right_arithmetic3A_213, %shift_left3A_222 : vector<16xi32>
      %or3A = arith.ori %bitcast3A, %shift_left3A_223 : vector<16xi32>
      %swap3A_224 = arith.index_cast %scan3A_171 : i32 to index
      %swap3A_225 = tpu.vector_load %arg6[%swap3A_224] masked %eq3A_221 {strides = array<i32>} : memref<16400xi32, #tpu.memory_space<vmem>>, vector<16xi32>, vector<16xi1>
      tpu.vector_store %arg6[%swap3A_224], %or3A masked %eq3A_221 {strides = array<i32>} : memref<16400xi32, #tpu.memory_space<vmem>>, vector<16xi32>, vector<16xi1>
      %convert_element_type3A_226 = arith.extui %eq3A_221 : vector<16xi1> to vector<16xi32>
      %reduce_sum3A = arith.constant true
      %reduce_sum3A_227 = vector.broadcast %reduce_sum3A : i1 to vector<16xi1>
      %reduce_sum3A_228 = tpu.scan <sum>, %convert_element_type3A_226 masked %reduce_sum3A_227 : vector<16xi32>, vector<16xi1> -> vector<16xi32>
      %reduce_sum3A_229 = vector.extract %reduce_sum3A_228[15] : i32 from vector<16xi32>
      %add3A_230 = arith.addi %scan3A_171, %reduce_sum3A_229 : i32
      scf.yield %add3A_230 : i32
    }
    %scan3A_30 = arith.constant 1024 : i32
    %broadcast_in_dim3A = arith.constant 0.000000e+00 : f32
    %broadcast_in_dim3A_31 = vector.broadcast %broadcast_in_dim3A : f32 to vector<16xf32>
    %swap3A = arith.constant 0 : index
    %swap3A_32 = tpu.vector_load %arg10[%swap3A] {strides = array<i32>} : memref<1024xf32, #tpu.memory_space<vmem>>, vector<16xf32>,
    tpu.vector_store %arg10[%swap3A], %broadcast_in_dim3A_31 {strides = array<i32>} : memref<1024xf32, #tpu.memory_space<vmem>>, vector<16xf32>,
    %swap3A_33 = arith.constant 16 : index
    %swap3A_34 = tpu.vector_load %arg10[%swap3A_33] {strides = array<i32>} : memref<1024xf32, #tpu.memory_space<vmem>>, vector<16xf32>,
    tpu.vector_store %arg10[%swap3A_33], %broadcast_in_dim3A_31 {strides = array<i32>} : memref<1024xf32, #tpu.memory_space<vmem>>, vector<16xf32>,
    %swap3A_35 = arith.constant 32 : index
    %swap3A_36 = tpu.vector_load %arg10[%swap3A_35] {strides = array<i32>} : memref<1024xf32, #tpu.memory_space<vmem>>, vector<16xf32>,
    tpu.vector_store %arg10[%swap3A_35], %broadcast_in_dim3A_31 {strides = array<i32>} : memref<1024xf32, #tpu.memory_space<vmem>>, vector<16xf32>,
    %swap3A_37 = arith.constant 48 : index
    %swap3A_38 = tpu.vector_load %arg10[%swap3A_37] {strides = array<i32>} : memref<1024xf32, #tpu.memory_space<vmem>>, vector<16xf32>,
    tpu.vector_store %arg10[%swap3A_37], %broadcast_in_dim3A_31 {strides = array<i32>} : memref<1024xf32, #tpu.memory_space<vmem>>, vector<16xf32>,
    %swap3A_39 = arith.constant 64 : index
    %swap3A_40 = tpu.vector_load %arg10[%swap3A_39] {strides = array<i32>} : memref<1024xf32, #tpu.memory_space<vmem>>, vector<16xf32>,
    tpu.vector_store %arg10[%swap3A_39], %broadcast_in_dim3A_31 {strides = array<i32>} : memref<1024xf32, #tpu.memory_space<vmem>>, vector<16xf32>,
    %swap3A_41 = arith.constant 80 : index
    %swap3A_42 = tpu.vector_load %arg10[%swap3A_41] {strides = array<i32>} : memref<1024xf32, #tpu.memory_space<vmem>>, vector<16xf32>,
    tpu.vector_store %arg10[%swap3A_41], %broadcast_in_dim3A_31 {strides = array<i32>} : memref<1024xf32, #tpu.memory_space<vmem>>, vector<16xf32>,
    %swap3A_43 = arith.constant 96 : index
    %swap3A_44 = tpu.vector_load %arg10[%swap3A_43] {strides = array<i32>} : memref<1024xf32, #tpu.memory_space<vmem>>, vector<16xf32>,
    tpu.vector_store %arg10[%swap3A_43], %broadcast_in_dim3A_31 {strides = array<i32>} : memref<1024xf32, #tpu.memory_space<vmem>>, vector<16xf32>,
    %swap3A_45 = arith.constant 112 : index
    %swap3A_46 = tpu.vector_load %arg10[%swap3A_45] {strides = array<i32>} : memref<1024xf32, #tpu.memory_space<vmem>>, vector<16xf32>,
    tpu.vector_store %arg10[%swap3A_45], %broadcast_in_dim3A_31 {strides = array<i32>} : memref<1024xf32, #tpu.memory_space<vmem>>, vector<16xf32>,
    %swap3A_47 = arith.constant 128 : index
    %swap3A_48 = tpu.vector_load %arg10[%swap3A_47] {strides = array<i32>} : memref<1024xf32, #tpu.memory_space<vmem>>, vector<16xf32>,
    tpu.vector_store %arg10[%swap3A_47], %broadcast_in_dim3A_31 {strides = array<i32>} : memref<1024xf32, #tpu.memory_space<vmem>>, vector<16xf32>,
    %swap3A_49 = arith.constant 144 : index
    %swap3A_50 = tpu.vector_load %arg10[%swap3A_49] {strides = array<i32>} : memref<1024xf32, #tpu.memory_space<vmem>>, vector<16xf32>,
    tpu.vector_store %arg10[%swap3A_49], %broadcast_in_dim3A_31 {strides = array<i32>} : memref<1024xf32, #tpu.memory_space<vmem>>, vector<16xf32>,
    %swap3A_51 = arith.constant 160 : index
    %swap3A_52 = tpu.vector_load %arg10[%swap3A_51] {strides = array<i32>} : memref<1024xf32, #tpu.memory_space<vmem>>, vector<16xf32>,
    tpu.vector_store %arg10[%swap3A_51], %broadcast_in_dim3A_31 {strides = array<i32>} : memref<1024xf32, #tpu.memory_space<vmem>>, vector<16xf32>,
    %swap3A_53 = arith.constant 176 : index
    %swap3A_54 = tpu.vector_load %arg10[%swap3A_53] {strides = array<i32>} : memref<1024xf32, #tpu.memory_space<vmem>>, vector<16xf32>,
    tpu.vector_store %arg10[%swap3A_53], %broadcast_in_dim3A_31 {strides = array<i32>} : memref<1024xf32, #tpu.memory_space<vmem>>, vector<16xf32>,
    %swap3A_55 = arith.constant 192 : index
    %swap3A_56 = tpu.vector_load %arg10[%swap3A_55] {strides = array<i32>} : memref<1024xf32, #tpu.memory_space<vmem>>, vector<16xf32>,
    tpu.vector_store %arg10[%swap3A_55], %broadcast_in_dim3A_31 {strides = array<i32>} : memref<1024xf32, #tpu.memory_space<vmem>>, vector<16xf32>,
    %swap3A_57 = arith.constant 208 : index
    %swap3A_58 = tpu.vector_load %arg10[%swap3A_57] {strides = array<i32>} : memref<1024xf32, #tpu.memory_space<vmem>>, vector<16xf32>,
    tpu.vector_store %arg10[%swap3A_57], %broadcast_in_dim3A_31 {strides = array<i32>} : memref<1024xf32, #tpu.memory_space<vmem>>, vector<16xf32>,
    %swap3A_59 = arith.constant 224 : index
    %swap3A_60 = tpu.vector_load %arg10[%swap3A_59] {strides = array<i32>} : memref<1024xf32, #tpu.memory_space<vmem>>, vector<16xf32>,
    tpu.vector_store %arg10[%swap3A_59], %broadcast_in_dim3A_31 {strides = array<i32>} : memref<1024xf32, #tpu.memory_space<vmem>>, vector<16xf32>,
    %swap3A_61 = arith.constant 240 : index
    %swap3A_62 = tpu.vector_load %arg10[%swap3A_61] {strides = array<i32>} : memref<1024xf32, #tpu.memory_space<vmem>>, vector<16xf32>,
    tpu.vector_store %arg10[%swap3A_61], %broadcast_in_dim3A_31 {strides = array<i32>} : memref<1024xf32, #tpu.memory_space<vmem>>, vector<16xf32>,
    %swap3A_63 = arith.constant 256 : index
    %swap3A_64 = tpu.vector_load %arg10[%swap3A_63] {strides = array<i32>} : memref<1024xf32, #tpu.memory_space<vmem>>, vector<16xf32>,
    tpu.vector_store %arg10[%swap3A_63], %broadcast_in_dim3A_31 {strides = array<i32>} : memref<1024xf32, #tpu.memory_space<vmem>>, vector<16xf32>,
    %swap3A_65 = arith.constant 272 : index
    %swap3A_66 = tpu.vector_load %arg10[%swap3A_65] {strides = array<i32>} : memref<1024xf32, #tpu.memory_space<vmem>>, vector<16xf32>,
    tpu.vector_store %arg10[%swap3A_65], %broadcast_in_dim3A_31 {strides = array<i32>} : memref<1024xf32, #tpu.memory_space<vmem>>, vector<16xf32>,
    %swap3A_67 = arith.constant 288 : index
    %swap3A_68 = tpu.vector_load %arg10[%swap3A_67] {strides = array<i32>} : memref<1024xf32, #tpu.memory_space<vmem>>, vector<16xf32>,
    tpu.vector_store %arg10[%swap3A_67], %broadcast_in_dim3A_31 {strides = array<i32>} : memref<1024xf32, #tpu.memory_space<vmem>>, vector<16xf32>,
    %swap3A_69 = arith.constant 304 : index
    %swap3A_70 = tpu.vector_load %arg10[%swap3A_69] {strides = array<i32>} : memref<1024xf32, #tpu.memory_space<vmem>>, vector<16xf32>,
    tpu.vector_store %arg10[%swap3A_69], %broadcast_in_dim3A_31 {strides = array<i32>} : memref<1024xf32, #tpu.memory_space<vmem>>, vector<16xf32>,
    %swap3A_71 = arith.constant 320 : index
    %swap3A_72 = tpu.vector_load %arg10[%swap3A_71] {strides = array<i32>} : memref<1024xf32, #tpu.memory_space<vmem>>, vector<16xf32>,
    tpu.vector_store %arg10[%swap3A_71], %broadcast_in_dim3A_31 {strides = array<i32>} : memref<1024xf32, #tpu.memory_space<vmem>>, vector<16xf32>,
    %swap3A_73 = arith.constant 336 : index
    %swap3A_74 = tpu.vector_load %arg10[%swap3A_73] {strides = array<i32>} : memref<1024xf32, #tpu.memory_space<vmem>>, vector<16xf32>,
    tpu.vector_store %arg10[%swap3A_73], %broadcast_in_dim3A_31 {strides = array<i32>} : memref<1024xf32, #tpu.memory_space<vmem>>, vector<16xf32>,
    %swap3A_75 = arith.constant 352 : index
    %swap3A_76 = tpu.vector_load %arg10[%swap3A_75] {strides = array<i32>} : memref<1024xf32, #tpu.memory_space<vmem>>, vector<16xf32>,
    tpu.vector_store %arg10[%swap3A_75], %broadcast_in_dim3A_31 {strides = array<i32>} : memref<1024xf32, #tpu.memory_space<vmem>>, vector<16xf32>,
    %swap3A_77 = arith.constant 368 : index
    %swap3A_78 = tpu.vector_load %arg10[%swap3A_77] {strides = array<i32>} : memref<1024xf32, #tpu.memory_space<vmem>>, vector<16xf32>,
    tpu.vector_store %arg10[%swap3A_77], %broadcast_in_dim3A_31 {strides = array<i32>} : memref<1024xf32, #tpu.memory_space<vmem>>, vector<16xf32>,
    %swap3A_79 = arith.constant 384 : index
    %swap3A_80 = tpu.vector_load %arg10[%swap3A_79] {strides = array<i32>} : memref<1024xf32, #tpu.memory_space<vmem>>, vector<16xf32>,
    tpu.vector_store %arg10[%swap3A_79], %broadcast_in_dim3A_31 {strides = array<i32>} : memref<1024xf32, #tpu.memory_space<vmem>>, vector<16xf32>,
    %swap3A_81 = arith.constant 400 : index
    %swap3A_82 = tpu.vector_load %arg10[%swap3A_81] {strides = array<i32>} : memref<1024xf32, #tpu.memory_space<vmem>>, vector<16xf32>,
    tpu.vector_store %arg10[%swap3A_81], %broadcast_in_dim3A_31 {strides = array<i32>} : memref<1024xf32, #tpu.memory_space<vmem>>, vector<16xf32>,
    %swap3A_83 = arith.constant 416 : index
    %swap3A_84 = tpu.vector_load %arg10[%swap3A_83] {strides = array<i32>} : memref<1024xf32, #tpu.memory_space<vmem>>, vector<16xf32>,
    tpu.vector_store %arg10[%swap3A_83], %broadcast_in_dim3A_31 {strides = array<i32>} : memref<1024xf32, #tpu.memory_space<vmem>>, vector<16xf32>,
    %swap3A_85 = arith.constant 432 : index
    %swap3A_86 = tpu.vector_load %arg10[%swap3A_85] {strides = array<i32>} : memref<1024xf32, #tpu.memory_space<vmem>>, vector<16xf32>,
    tpu.vector_store %arg10[%swap3A_85], %broadcast_in_dim3A_31 {strides = array<i32>} : memref<1024xf32, #tpu.memory_space<vmem>>, vector<16xf32>,
    %swap3A_87 = arith.constant 448 : index
    %swap3A_88 = tpu.vector_load %arg10[%swap3A_87] {strides = array<i32>} : memref<1024xf32, #tpu.memory_space<vmem>>, vector<16xf32>,
    tpu.vector_store %arg10[%swap3A_87], %broadcast_in_dim3A_31 {strides = array<i32>} : memref<1024xf32, #tpu.memory_space<vmem>>, vector<16xf32>,
    %swap3A_89 = arith.constant 464 : index
    %swap3A_90 = tpu.vector_load %arg10[%swap3A_89] {strides = array<i32>} : memref<1024xf32, #tpu.memory_space<vmem>>, vector<16xf32>,
    tpu.vector_store %arg10[%swap3A_89], %broadcast_in_dim3A_31 {strides = array<i32>} : memref<1024xf32, #tpu.memory_space<vmem>>, vector<16xf32>,
    %swap3A_91 = arith.constant 480 : index
    %swap3A_92 = tpu.vector_load %arg10[%swap3A_91] {strides = array<i32>} : memref<1024xf32, #tpu.memory_space<vmem>>, vector<16xf32>,
    tpu.vector_store %arg10[%swap3A_91], %broadcast_in_dim3A_31 {strides = array<i32>} : memref<1024xf32, #tpu.memory_space<vmem>>, vector<16xf32>,
    %swap3A_93 = arith.constant 496 : index
    %swap3A_94 = tpu.vector_load %arg10[%swap3A_93] {strides = array<i32>} : memref<1024xf32, #tpu.memory_space<vmem>>, vector<16xf32>,
    tpu.vector_store %arg10[%swap3A_93], %broadcast_in_dim3A_31 {strides = array<i32>} : memref<1024xf32, #tpu.memory_space<vmem>>, vector<16xf32>,
    %swap3A_95 = arith.constant 512 : index
    %swap3A_96 = tpu.vector_load %arg10[%swap3A_95] {strides = array<i32>} : memref<1024xf32, #tpu.memory_space<vmem>>, vector<16xf32>,
    tpu.vector_store %arg10[%swap3A_95], %broadcast_in_dim3A_31 {strides = array<i32>} : memref<1024xf32, #tpu.memory_space<vmem>>, vector<16xf32>,
    %swap3A_97 = arith.constant 528 : index
    %swap3A_98 = tpu.vector_load %arg10[%swap3A_97] {strides = array<i32>} : memref<1024xf32, #tpu.memory_space<vmem>>, vector<16xf32>,
    tpu.vector_store %arg10[%swap3A_97], %broadcast_in_dim3A_31 {strides = array<i32>} : memref<1024xf32, #tpu.memory_space<vmem>>, vector<16xf32>,
    %swap3A_99 = arith.constant 544 : index
    %swap3A_100 = tpu.vector_load %arg10[%swap3A_99] {strides = array<i32>} : memref<1024xf32, #tpu.memory_space<vmem>>, vector<16xf32>,
    tpu.vector_store %arg10[%swap3A_99], %broadcast_in_dim3A_31 {strides = array<i32>} : memref<1024xf32, #tpu.memory_space<vmem>>, vector<16xf32>,
    %swap3A_101 = arith.constant 560 : index
    %swap3A_102 = tpu.vector_load %arg10[%swap3A_101] {strides = array<i32>} : memref<1024xf32, #tpu.memory_space<vmem>>, vector<16xf32>,
    tpu.vector_store %arg10[%swap3A_101], %broadcast_in_dim3A_31 {strides = array<i32>} : memref<1024xf32, #tpu.memory_space<vmem>>, vector<16xf32>,
    %swap3A_103 = arith.constant 576 : index
    %swap3A_104 = tpu.vector_load %arg10[%swap3A_103] {strides = array<i32>} : memref<1024xf32, #tpu.memory_space<vmem>>, vector<16xf32>,
    tpu.vector_store %arg10[%swap3A_103], %broadcast_in_dim3A_31 {strides = array<i32>} : memref<1024xf32, #tpu.memory_space<vmem>>, vector<16xf32>,
    %swap3A_105 = arith.constant 592 : index
    %swap3A_106 = tpu.vector_load %arg10[%swap3A_105] {strides = array<i32>} : memref<1024xf32, #tpu.memory_space<vmem>>, vector<16xf32>,
    tpu.vector_store %arg10[%swap3A_105], %broadcast_in_dim3A_31 {strides = array<i32>} : memref<1024xf32, #tpu.memory_space<vmem>>, vector<16xf32>,
    %swap3A_107 = arith.constant 608 : index
    %swap3A_108 = tpu.vector_load %arg10[%swap3A_107] {strides = array<i32>} : memref<1024xf32, #tpu.memory_space<vmem>>, vector<16xf32>,
    tpu.vector_store %arg10[%swap3A_107], %broadcast_in_dim3A_31 {strides = array<i32>} : memref<1024xf32, #tpu.memory_space<vmem>>, vector<16xf32>,
    %swap3A_109 = arith.constant 624 : index
    %swap3A_110 = tpu.vector_load %arg10[%swap3A_109] {strides = array<i32>} : memref<1024xf32, #tpu.memory_space<vmem>>, vector<16xf32>,
    tpu.vector_store %arg10[%swap3A_109], %broadcast_in_dim3A_31 {strides = array<i32>} : memref<1024xf32, #tpu.memory_space<vmem>>, vector<16xf32>,
    %swap3A_111 = arith.constant 640 : index
    %swap3A_112 = tpu.vector_load %arg10[%swap3A_111] {strides = array<i32>} : memref<1024xf32, #tpu.memory_space<vmem>>, vector<16xf32>,
    tpu.vector_store %arg10[%swap3A_111], %broadcast_in_dim3A_31 {strides = array<i32>} : memref<1024xf32, #tpu.memory_space<vmem>>, vector<16xf32>,
    %swap3A_113 = arith.constant 656 : index
    %swap3A_114 = tpu.vector_load %arg10[%swap3A_113] {strides = array<i32>} : memref<1024xf32, #tpu.memory_space<vmem>>, vector<16xf32>,
    tpu.vector_store %arg10[%swap3A_113], %broadcast_in_dim3A_31 {strides = array<i32>} : memref<1024xf32, #tpu.memory_space<vmem>>, vector<16xf32>,
    %swap3A_115 = arith.constant 672 : index
    %swap3A_116 = tpu.vector_load %arg10[%swap3A_115] {strides = array<i32>} : memref<1024xf32, #tpu.memory_space<vmem>>, vector<16xf32>,
    tpu.vector_store %arg10[%swap3A_115], %broadcast_in_dim3A_31 {strides = array<i32>} : memref<1024xf32, #tpu.memory_space<vmem>>, vector<16xf32>,
    %swap3A_117 = arith.constant 688 : index
    %swap3A_118 = tpu.vector_load %arg10[%swap3A_117] {strides = array<i32>} : memref<1024xf32, #tpu.memory_space<vmem>>, vector<16xf32>,
    tpu.vector_store %arg10[%swap3A_117], %broadcast_in_dim3A_31 {strides = array<i32>} : memref<1024xf32, #tpu.memory_space<vmem>>, vector<16xf32>,
    %swap3A_119 = arith.constant 704 : index
    %swap3A_120 = tpu.vector_load %arg10[%swap3A_119] {strides = array<i32>} : memref<1024xf32, #tpu.memory_space<vmem>>, vector<16xf32>,
    tpu.vector_store %arg10[%swap3A_119], %broadcast_in_dim3A_31 {strides = array<i32>} : memref<1024xf32, #tpu.memory_space<vmem>>, vector<16xf32>,
    %swap3A_121 = arith.constant 720 : index
    %swap3A_122 = tpu.vector_load %arg10[%swap3A_121] {strides = array<i32>} : memref<1024xf32, #tpu.memory_space<vmem>>, vector<16xf32>,
    tpu.vector_store %arg10[%swap3A_121], %broadcast_in_dim3A_31 {strides = array<i32>} : memref<1024xf32, #tpu.memory_space<vmem>>, vector<16xf32>,
    %swap3A_123 = arith.constant 736 : index
    %swap3A_124 = tpu.vector_load %arg10[%swap3A_123] {strides = array<i32>} : memref<1024xf32, #tpu.memory_space<vmem>>, vector<16xf32>,
    tpu.vector_store %arg10[%swap3A_123], %broadcast_in_dim3A_31 {strides = array<i32>} : memref<1024xf32, #tpu.memory_space<vmem>>, vector<16xf32>,
    %swap3A_125 = arith.constant 752 : index
    %swap3A_126 = tpu.vector_load %arg10[%swap3A_125] {strides = array<i32>} : memref<1024xf32, #tpu.memory_space<vmem>>, vector<16xf32>,
    tpu.vector_store %arg10[%swap3A_125], %broadcast_in_dim3A_31 {strides = array<i32>} : memref<1024xf32, #tpu.memory_space<vmem>>, vector<16xf32>,
    %swap3A_127 = arith.constant 768 : index
    %swap3A_128 = tpu.vector_load %arg10[%swap3A_127] {strides = array<i32>} : memref<1024xf32, #tpu.memory_space<vmem>>, vector<16xf32>,
    tpu.vector_store %arg10[%swap3A_127], %broadcast_in_dim3A_31 {strides = array<i32>} : memref<1024xf32, #tpu.memory_space<vmem>>, vector<16xf32>,
    %swap3A_129 = arith.constant 784 : index
    %swap3A_130 = tpu.vector_load %arg10[%swap3A_129] {strides = array<i32>} : memref<1024xf32, #tpu.memory_space<vmem>>, vector<16xf32>,
    tpu.vector_store %arg10[%swap3A_129], %broadcast_in_dim3A_31 {strides = array<i32>} : memref<1024xf32, #tpu.memory_space<vmem>>, vector<16xf32>,
    %swap3A_131 = arith.constant 800 : index
    %swap3A_132 = tpu.vector_load %arg10[%swap3A_131] {strides = array<i32>} : memref<1024xf32, #tpu.memory_space<vmem>>, vector<16xf32>,
    tpu.vector_store %arg10[%swap3A_131], %broadcast_in_dim3A_31 {strides = array<i32>} : memref<1024xf32, #tpu.memory_space<vmem>>, vector<16xf32>,
    %swap3A_133 = arith.constant 816 : index
    %swap3A_134 = tpu.vector_load %arg10[%swap3A_133] {strides = array<i32>} : memref<1024xf32, #tpu.memory_space<vmem>>, vector<16xf32>,
    tpu.vector_store %arg10[%swap3A_133], %broadcast_in_dim3A_31 {strides = array<i32>} : memref<1024xf32, #tpu.memory_space<vmem>>, vector<16xf32>,
    %swap3A_135 = arith.constant 832 : index
    %swap3A_136 = tpu.vector_load %arg10[%swap3A_135] {strides = array<i32>} : memref<1024xf32, #tpu.memory_space<vmem>>, vector<16xf32>,
    tpu.vector_store %arg10[%swap3A_135], %broadcast_in_dim3A_31 {strides = array<i32>} : memref<1024xf32, #tpu.memory_space<vmem>>, vector<16xf32>,
    %swap3A_137 = arith.constant 848 : index
    %swap3A_138 = tpu.vector_load %arg10[%swap3A_137] {strides = array<i32>} : memref<1024xf32, #tpu.memory_space<vmem>>, vector<16xf32>,
    tpu.vector_store %arg10[%swap3A_137], %broadcast_in_dim3A_31 {strides = array<i32>} : memref<1024xf32, #tpu.memory_space<vmem>>, vector<16xf32>,
    %swap3A_139 = arith.constant 864 : index
    %swap3A_140 = tpu.vector_load %arg10[%swap3A_139] {strides = array<i32>} : memref<1024xf32, #tpu.memory_space<vmem>>, vector<16xf32>,
    tpu.vector_store %arg10[%swap3A_139], %broadcast_in_dim3A_31 {strides = array<i32>} : memref<1024xf32, #tpu.memory_space<vmem>>, vector<16xf32>,
    %swap3A_141 = arith.constant 880 : index
    %swap3A_142 = tpu.vector_load %arg10[%swap3A_141] {strides = array<i32>} : memref<1024xf32, #tpu.memory_space<vmem>>, vector<16xf32>,
    tpu.vector_store %arg10[%swap3A_141], %broadcast_in_dim3A_31 {strides = array<i32>} : memref<1024xf32, #tpu.memory_space<vmem>>, vector<16xf32>,
    %swap3A_143 = arith.constant 896 : index
    %swap3A_144 = tpu.vector_load %arg10[%swap3A_143] {strides = array<i32>} : memref<1024xf32, #tpu.memory_space<vmem>>, vector<16xf32>,
    tpu.vector_store %arg10[%swap3A_143], %broadcast_in_dim3A_31 {strides = array<i32>} : memref<1024xf32, #tpu.memory_space<vmem>>, vector<16xf32>,
    %swap3A_145 = arith.constant 912 : index
    %swap3A_146 = tpu.vector_load %arg10[%swap3A_145] {strides = array<i32>} : memref<1024xf32, #tpu.memory_space<vmem>>, vector<16xf32>,
    tpu.vector_store %arg10[%swap3A_145], %broadcast_in_dim3A_31 {strides = array<i32>} : memref<1024xf32, #tpu.memory_space<vmem>>, vector<16xf32>,
    %swap3A_147 = arith.constant 928 : index
    %swap3A_148 = tpu.vector_load %arg10[%swap3A_147] {strides = array<i32>} : memref<1024xf32, #tpu.memory_space<vmem>>, vector<16xf32>,
    tpu.vector_store %arg10[%swap3A_147], %broadcast_in_dim3A_31 {strides = array<i32>} : memref<1024xf32, #tpu.memory_space<vmem>>, vector<16xf32>,
    %swap3A_149 = arith.constant 944 : index
    %swap3A_150 = tpu.vector_load %arg10[%swap3A_149] {strides = array<i32>} : memref<1024xf32, #tpu.memory_space<vmem>>, vector<16xf32>,
    tpu.vector_store %arg10[%swap3A_149], %broadcast_in_dim3A_31 {strides = array<i32>} : memref<1024xf32, #tpu.memory_space<vmem>>, vector<16xf32>,
    %swap3A_151 = arith.constant 960 : index
    %swap3A_152 = tpu.vector_load %arg10[%swap3A_151] {strides = array<i32>} : memref<1024xf32, #tpu.memory_space<vmem>>, vector<16xf32>,
    tpu.vector_store %arg10[%swap3A_151], %broadcast_in_dim3A_31 {strides = array<i32>} : memref<1024xf32, #tpu.memory_space<vmem>>, vector<16xf32>,
    %swap3A_153 = arith.constant 976 : index
    %swap3A_154 = tpu.vector_load %arg10[%swap3A_153] {strides = array<i32>} : memref<1024xf32, #tpu.memory_space<vmem>>, vector<16xf32>,
    tpu.vector_store %arg10[%swap3A_153], %broadcast_in_dim3A_31 {strides = array<i32>} : memref<1024xf32, #tpu.memory_space<vmem>>, vector<16xf32>,
    %swap3A_155 = arith.constant 992 : index
    %swap3A_156 = tpu.vector_load %arg10[%swap3A_155] {strides = array<i32>} : memref<1024xf32, #tpu.memory_space<vmem>>, vector<16xf32>,
    tpu.vector_store %arg10[%swap3A_155], %broadcast_in_dim3A_31 {strides = array<i32>} : memref<1024xf32, #tpu.memory_space<vmem>>, vector<16xf32>,
    %swap3A_157 = arith.constant 1008 : index
    %swap3A_158 = tpu.vector_load %arg10[%swap3A_157] {strides = array<i32>} : memref<1024xf32, #tpu.memory_space<vmem>>, vector<16xf32>,
    tpu.vector_store %arg10[%swap3A_157], %broadcast_in_dim3A_31 {strides = array<i32>} : memref<1024xf32, #tpu.memory_space<vmem>>, vector<16xf32>,
    %scan3A_159 = arith.constant 0 : i32
    %scan3A_160 = arith.constant 21 : i32
    %scan3A_161 = arith.addi %scan3A_159, %scan3A_160 : i32
    %scan3A_162 = arith.constant 1 : i32
    scf.for %scan3A_170 = %scan3A_159 to %scan3A_161 step %scan3A_162  : i32 {
      %mul3A_171 = arith.constant 3 : i32
      %mul3A_172 = arith.muli %scan3A_170, %mul3A_171 : i32
      %add3A_173 = arith.constant 0 : i32
      %add3A_174 = arith.addi %mul3A_172, %add3A_173 : i32
      %mul3A_175 = arith.constant 32 : i32
      %mul3A_176 = arith.muli %mul3A_175, %add3A_174 : i32
      %add3A_177 = arith.addi %add3A, %mul3A_176 : i32
      %mul3A_178 = arith.constant 512 : i32
      %mul3A_179 = arith.muli %add3A_177, %mul3A_178 : i32
      %lt3A_180 = arith.constant 1953 : i32
      %lt3A_181 = arith.cmpi slt, %add3A_177, %lt3A_180 : i32
      %convert_element_type3A_182 = arith.extui %lt3A_181 : i1 to i32
      %cond3A_183 = arith.constant 0 : i32
      %cond3A_184 = arith.cmpi ne, %convert_element_type3A_182, %cond3A_183 : i32
      scf.if %cond3A_184 {
        %dma_wait3A = arith.constant 0 : i32
        %dma_wait3A_302 = tpu.memref_slice %arg3[%dma_wait3A, %mul3A_179] : memref<64x1000000xf32, #tpu.memory_space<hbm>> -> memref<64x512xf32, #tpu.memory_space<hbm>>
        %dma_wait3A_303 = arith.constant 0 : i32
        %dma_wait3A_304 = tpu.memref_slice %arg3[%dma_wait3A_303, %mul3A_179] : memref<64x1000000xf32, #tpu.memory_space<hbm>> -> memref<64x512xf32, #tpu.memory_space<hbm>>
        tpu.wait_dma2 semaphore(%arg16 : memref<!tpu.dma_semaphore, #tpu.memory_space<semaphore_mem>>) src(%dma_wait3A_304 : memref<64x512xf32, #tpu.memory_space<hbm>>) dst(%arg7 : memref<64x512xf32, #tpu.memory_space<vmem>>)
      } else {
      }
      %eq3A_185 = arith.constant 1953 : i32
      %eq3A_186 = arith.cmpi eq, %add3A_177, %eq3A_185 : i32
      %convert_element_type3A_187 = arith.extui %eq3A_186 : i1 to i32
      %cond3A_188 = arith.constant 0 : i32
      %cond3A_189 = arith.cmpi ne, %convert_element_type3A_187, %cond3A_188 : i32
      scf.if %cond3A_189 {
        %dma_wait3A = arith.constant 0 : i32
        %dma_wait3A_302 = arith.constant 0 : i32
        %dma_wait3A_303 = tpu.memref_slice %arg7[%dma_wait3A, %dma_wait3A_302] : memref<64x512xf32, #tpu.memory_space<vmem>> -> memref<64x128xf32, #tpu.memory_space<vmem>>
        %dma_wait3A_304 = arith.constant 0 : i32
        %dma_wait3A_305 = arith.constant 0 : i32
        %dma_wait3A_306 = tpu.memref_slice %arg7[%dma_wait3A_304, %dma_wait3A_305] : memref<64x512xf32, #tpu.memory_space<vmem>> -> memref<64x128xf32, #tpu.memory_space<vmem>>
        tpu.wait_dma2 semaphore(%arg16 : memref<!tpu.dma_semaphore, #tpu.memory_space<semaphore_mem>>) src(%arg4 : memref<64x128xf32, #tpu.memory_space<hbm>>) dst(%dma_wait3A_306 : memref<64x128xf32, #tpu.memory_space<vmem>>)
      } else {
      }
      %add3A_190 = arith.constant 2 : i32
      %add3A_191 = arith.addi %add3A_174, %add3A_190 : i32
      %mul3A_192 = arith.constant 32 : i32
      %mul3A_193 = arith.muli %mul3A_192, %add3A_191 : i32
      %add3A_194 = arith.addi %add3A, %mul3A_193 : i32
      %mul3A_195 = arith.constant 512 : i32
      %mul3A_196 = arith.muli %add3A_194, %mul3A_195 : i32
      %lt3A_197 = arith.constant 1953 : i32
      %lt3A_198 = arith.cmpi slt, %add3A_194, %lt3A_197 : i32
      %convert_element_type3A_199 = arith.extui %lt3A_198 : i1 to i32
      %cond3A_200 = arith.constant 0 : i32
      %cond3A_201 = arith.cmpi ne, %convert_element_type3A_199, %cond3A_200 : i32
      scf.if %cond3A_201 {
        %dma_start3A = arith.constant 0 : i32
        %dma_start3A_302 = tpu.memref_slice %arg3[%dma_start3A, %mul3A_196] : memref<64x1000000xf32, #tpu.memory_space<hbm>> -> memref<64x512xf32, #tpu.memory_space<hbm>>
        %dma_start3A_303 = arith.constant 0 : i32
        %dma_start3A_304 = tpu.memref_slice %arg3[%dma_start3A_303, %mul3A_196] : memref<64x1000000xf32, #tpu.memory_space<hbm>> -> memref<64x512xf32, #tpu.memory_space<hbm>>
        tpu.enqueue_dma source(%dma_start3A_304 : memref<64x512xf32, #tpu.memory_space<hbm>>) target(%arg9 : memref<64x512xf32, #tpu.memory_space<vmem>>) target_semaphore(%arg18 : memref<!tpu.dma_semaphore, #tpu.memory_space<semaphore_mem>>)
      } else {
      }
      %eq3A_202 = arith.constant 1953 : i32
      %eq3A_203 = arith.cmpi eq, %add3A_194, %eq3A_202 : i32
      %convert_element_type3A_204 = arith.extui %eq3A_203 : i1 to i32
      %cond3A_205 = arith.constant 0 : i32
      %cond3A_206 = arith.cmpi ne, %convert_element_type3A_204, %cond3A_205 : i32
      scf.if %cond3A_206 {
        %dma_start3A = arith.constant 0 : i32
        %dma_start3A_302 = arith.constant 0 : i32
        %dma_start3A_303 = tpu.memref_slice %arg9[%dma_start3A, %dma_start3A_302] : memref<64x512xf32, #tpu.memory_space<vmem>> -> memref<64x128xf32, #tpu.memory_space<vmem>>
        %dma_start3A_304 = arith.constant 0 : i32
        %dma_start3A_305 = arith.constant 0 : i32
        %dma_start3A_306 = tpu.memref_slice %arg9[%dma_start3A_304, %dma_start3A_305] : memref<64x512xf32, #tpu.memory_space<vmem>> -> memref<64x128xf32, #tpu.memory_space<vmem>>
        tpu.enqueue_dma source(%arg4 : memref<64x128xf32, #tpu.memory_space<hbm>>) target(%dma_start3A_306 : memref<64x128xf32, #tpu.memory_space<vmem>>) target_semaphore(%arg18 : memref<!tpu.dma_semaphore, #tpu.memory_space<semaphore_mem>>)
      } else {
      }
      %mul3A_207 = arith.constant 32 : i32
      %mul3A_208 = arith.muli %mul3A_207, %add3A_174 : i32
      %add3A_209 = arith.addi %add3A, %mul3A_208 : i32
      %le3A = arith.constant 1953 : i32
      %le3A_210 = arith.cmpi sle, %add3A_209, %le3A : i32
      %convert_element_type3A_211 = arith.extui %le3A_210 : i1 to i32
      %cond3A_212 = arith.constant 0 : i32
      %cond3A_213 = arith.cmpi ne, %convert_element_type3A_211, %cond3A_212 : i32
      scf.if %cond3A_213 {
        %add3A_302 = arith.constant 15 : i32
        %add3A_303 = arith.addi %scan3A_29, %add3A_302 : i32
        %jit3A = arith.constant 16 : i32
        %div3A = arith.divsi %add3A_303, %jit3A : i32
        %sign3A = arith.constant 0 : i32
        %sign3A_304 = arith.cmpi sgt, %add3A_303, %sign3A : i32
        %sign3A_305 = arith.extui %sign3A_304 : i1 to i32
        %sign3A_306 = arith.constant 0 : i32
        %sign3A_307 = arith.cmpi slt, %add3A_303, %sign3A_306 : i32
        %sign3A_308 = arith.extui %sign3A_307 : i1 to i32
        %sign3A_309 = arith.subi %sign3A_305, %sign3A_308 : i32
        %sign3A_310 = arith.constant 0 : i32
        %sign3A_311 = arith.cmpi sgt, %jit3A, %sign3A_310 : i32
        %sign3A_312 = arith.extui %sign3A_311 : i1 to i32
        %sign3A_313 = arith.constant 0 : i32
        %sign3A_314 = arith.cmpi slt, %jit3A, %sign3A_313 : i32
        %sign3A_315 = arith.extui %sign3A_314 : i1 to i32
        %sign3A_316 = arith.subi %sign3A_312, %sign3A_315 : i32
        %ne3A = arith.cmpi ne, %sign3A_309, %sign3A_316 : i32
        %rem3A = arith.remsi %add3A_303, %jit3A : i32
        %ne3A_317 = arith.constant 0 : i32
        %ne3A_318 = arith.cmpi ne, %rem3A, %ne3A_317 : i32
        %and3A = arith.andi %ne3A, %ne3A_318 : i1
        %sub3A = arith.constant 1 : i32
        %sub3A_319 = arith.subi %div3A, %sub3A : i32
        %select_n3A = arith.select %and3A, %sub3A_319, %div3A : i32
        %while3A = arith.constant 0 : i32
        %while3A_320 = arith.constant 0 : i32
        %while3A_321 = arith.subi %select_n3A, %while3A : i32
        %while3A_322 = arith.addi %while3A, %while3A_321 : i32
        %while3A_323 = arith.constant 1 : i32
        %while3A_324 = arith.divsi %while3A_321, %while3A_323 : i32
        %while3A_325 = arith.muli %while3A_324, %while3A_323 : i32
        %while3A_326 = arith.addi %while3A, %while3A_325 : i32
        %while3A_327 = arith.constant 1 : i32
        %while3A_328 = scf.for %while3A_331 = %while3A to %while3A_326 step %while3A_327 iter_args(%while3A_332 = %while3A_320) -> (i32)  : i32 {
          %mul3A_333 = arith.constant 16 : i32
          %mul3A_334 = arith.muli %while3A_331, %mul3A_333 : i32
          %get3A = arith.index_cast %mul3A_334 : i32 to index
          %get3A_335 = tpu.vector_load %arg6[%get3A] {strides = array<i32>} : memref<16400xi32, #tpu.memory_space<vmem>>, vector<16xi32>,
          %and3A_336 = arith.constant 1048575 : i32
          %and3A_337 = vector.broadcast %and3A_336 : i32 to vector<16xi32>
          %and3A_338 = arith.andi %get3A_335, %and3A_337 : vector<16xi32>
          %mul3A_339 = arith.constant 16 : i32
          %mul3A_340 = arith.muli %while3A_331, %mul3A_339 : i32
          %add3A_341 = vector.broadcast %mul3A_340 : i32 to vector<16xi32>
          %add3A_342 = arith.addi %iota3A, %add3A_341 : vector<16xi32>
          %lt3A_343 = vector.broadcast %scan3A_29 : i32 to vector<16xi32>
          %lt3A_344 = arith.cmpi slt, %add3A_342, %lt3A_343 : vector<16xi32>
          %shift_right_arithmetic3A = arith.constant 9 : i32
          %shift_right_arithmetic3A_345 = vector.broadcast %shift_right_arithmetic3A : i32 to vector<16xi32>
          %shift_right_arithmetic3A_346 = arith.shrsi %and3A_338, %shift_right_arithmetic3A_345 : vector<16xi32>
          %eq3A_347 = vector.broadcast %add3A_209 : i32 to vector<16xi32>
          %eq3A_348 = arith.cmpi eq, %shift_right_arithmetic3A_346, %eq3A_347 : vector<16xi32>
          %and3A_349 = arith.andi %eq3A_348, %lt3A_344 : vector<16xi1>
          %convert_element_type3A_350 = arith.extui %and3A_349 : vector<16xi1> to vector<16xi32>
          %reduce_sum3A = arith.constant true
          %reduce_sum3A_351 = vector.broadcast %reduce_sum3A : i1 to vector<16xi1>
          %reduce_sum3A_352 = tpu.scan <sum>, %convert_element_type3A_350 masked %reduce_sum3A_351 : vector<16xi32>, vector<16xi1> -> vector<16xi32>
          %reduce_sum3A_353 = vector.extract %reduce_sum3A_352[15] : i32 from vector<16xi32>
          %gt3A = arith.constant 0 : i32
          %gt3A_354 = arith.cmpi sgt, %reduce_sum3A_353, %gt3A : i32
          %convert_element_type3A_355 = arith.extui %gt3A_354 : i1 to i32
          %cond3A_356 = arith.constant 0 : i32
          %cond3A_357 = arith.cmpi ne, %convert_element_type3A_355, %cond3A_356 : i32
          scf.if %cond3A_357 {
            %swap3A_359 = arith.constant 0 : index
            %swap3A_360 = tpu.vector_load %arg11[%swap3A_359] masked %and3A_349 {strides = array<i32>} : memref<16xi32, #tpu.memory_space<vmem>>, vector<16xi32>, vector<16xi1>
            tpu.vector_store %arg11[%swap3A_359], %and3A_338 masked %and3A_349 {strides = array<i32>} : memref<16xi32, #tpu.memory_space<vmem>>, vector<16xi32>, vector<16xi1>
            %shift_right_arithmetic3A_361 = arith.constant 20 : i32
            %shift_right_arithmetic3A_362 = vector.broadcast %shift_right_arithmetic3A_361 : i32 to vector<16xi32>
            %shift_right_arithmetic3A_363 = arith.shrsi %get3A_335, %shift_right_arithmetic3A_362 : vector<16xi32>
            %swap3A_364 = arith.constant 0 : index
            %swap3A_365 = tpu.vector_load %arg12[%swap3A_364] masked %and3A_349 {strides = array<i32>} : memref<16xi32, #tpu.memory_space<vmem>>, vector<16xi32>, vector<16xi1>
            tpu.vector_store %arg12[%swap3A_364], %shift_right_arithmetic3A_363 masked %and3A_349 {strides = array<i32>} : memref<16xi32, #tpu.memory_space<vmem>>, vector<16xi32>, vector<16xi1>
            %while3A_366 = arith.constant 0 : i32
            %while3A_367 = arith.constant 0 : i32
            %while3A_368 = arith.subi %reduce_sum3A_353, %while3A_366 : i32
            %while3A_369 = arith.addi %while3A_366, %while3A_368 : i32
            %while3A_370 = arith.constant 1 : i32
            %while3A_371 = arith.divsi %while3A_368, %while3A_370 : i32
            %while3A_372 = arith.muli %while3A_371, %while3A_370 : i32
            %while3A_373 = arith.addi %while3A_366, %while3A_372 : i32
            %while3A_374 = arith.constant 1 : i32
            %while3A_375 = scf.for %while3A_378 = %while3A_366 to %while3A_373 step %while3A_374 iter_args(%while3A_379 = %while3A_367) -> (i32)  : i32 {
              %broadcast_in_dim3A_380 = arith.constant 0 : i32
              %broadcast_in_dim3A_381 = vector.broadcast %broadcast_in_dim3A_380 : i32 to vector<16xi32>
              %add3A_382 = vector.broadcast %while3A_378 : i32 to vector<16xi32>
              %add3A_383 = arith.addi %broadcast_in_dim3A_381, %add3A_382 : vector<16xi32>
              %gather3A = tpu.vector_load_idx %arg11[%add3A_383] : memref<16xi32, #tpu.memory_space<vmem>>[vector<16xi32>], vector<16xi32>,
              %and3A_384 = arith.constant 511 : i32
              %and3A_385 = vector.broadcast %and3A_384 : i32 to vector<16xi32>
              %and3A_386 = arith.andi %gather3A, %and3A_385 : vector<16xi32>
              %gather3A_387 = tpu.vector_load_idx %arg12[%add3A_383] : memref<16xi32, #tpu.memory_space<vmem>>[vector<16xi32>], vector<16xi32>,
              %add3A_388 = arith.constant 0 : i32
              %add3A_389 = vector.broadcast %add3A_388 : i32 to vector<16xi32>
              %add3A_390 = arith.addi %iota3A, %add3A_389 : vector<16xi32>
              %gather3A_391 = tpu.vector_load_idx %arg7[%add3A_390, %and3A_386] : memref<64x512xf32, #tpu.memory_space<vmem>>[vector<16xi32>, vector<16xi32>], vector<16xf32>,
              %mul3A_392 = arith.constant 64 : i32
              %mul3A_393 = vector.broadcast %mul3A_392 : i32 to vector<16xi32>
              %mul3A_394 = arith.muli %gather3A_387, %mul3A_393 : vector<16xi32>
              %add3A_395 = arith.constant 0 : i32
              %add3A_396 = vector.broadcast %add3A_395 : i32 to vector<16xi32>
              %add3A_397 = arith.addi %mul3A_394, %add3A_396 : vector<16xi32>
              %add3A_398 = arith.addi %add3A_397, %iota3A : vector<16xi32>
              tpu.vector_store_idx %arg10[%add3A_398], %gather3A_391 {add = true} : memref<1024xf32, #tpu.memory_space<vmem>>[vector<16xi32>], vector<16xf32>,
              %add3A_399 = arith.constant 16 : i32
              %add3A_400 = vector.broadcast %add3A_399 : i32 to vector<16xi32>
              %add3A_401 = arith.addi %iota3A, %add3A_400 : vector<16xi32>
              %gather3A_402 = tpu.vector_load_idx %arg7[%add3A_401, %and3A_386] : memref<64x512xf32, #tpu.memory_space<vmem>>[vector<16xi32>, vector<16xi32>], vector<16xf32>,
              %mul3A_403 = arith.constant 64 : i32
              %mul3A_404 = vector.broadcast %mul3A_403 : i32 to vector<16xi32>
              %mul3A_405 = arith.muli %gather3A_387, %mul3A_404 : vector<16xi32>
              %add3A_406 = arith.constant 16 : i32
              %add3A_407 = vector.broadcast %add3A_406 : i32 to vector<16xi32>
              %add3A_408 = arith.addi %mul3A_405, %add3A_407 : vector<16xi32>
              %add3A_409 = arith.addi %add3A_408, %iota3A : vector<16xi32>
              tpu.vector_store_idx %arg10[%add3A_409], %gather3A_402 {add = true} : memref<1024xf32, #tpu.memory_space<vmem>>[vector<16xi32>], vector<16xf32>,
              %add3A_410 = arith.constant 32 : i32
              %add3A_411 = vector.broadcast %add3A_410 : i32 to vector<16xi32>
              %add3A_412 = arith.addi %iota3A, %add3A_411 : vector<16xi32>
              %gather3A_413 = tpu.vector_load_idx %arg7[%add3A_412, %and3A_386] : memref<64x512xf32, #tpu.memory_space<vmem>>[vector<16xi32>, vector<16xi32>], vector<16xf32>,
              %mul3A_414 = arith.constant 64 : i32
              %mul3A_415 = vector.broadcast %mul3A_414 : i32 to vector<16xi32>
              %mul3A_416 = arith.muli %gather3A_387, %mul3A_415 : vector<16xi32>
              %add3A_417 = arith.constant 32 : i32
              %add3A_418 = vector.broadcast %add3A_417 : i32 to vector<16xi32>
              %add3A_419 = arith.addi %mul3A_416, %add3A_418 : vector<16xi32>
              %add3A_420 = arith.addi %add3A_419, %iota3A : vector<16xi32>
              tpu.vector_store_idx %arg10[%add3A_420], %gather3A_413 {add = true} : memref<1024xf32, #tpu.memory_space<vmem>>[vector<16xi32>], vector<16xf32>,
              %add3A_421 = arith.constant 48 : i32
              %add3A_422 = vector.broadcast %add3A_421 : i32 to vector<16xi32>
              %add3A_423 = arith.addi %iota3A, %add3A_422 : vector<16xi32>
              %gather3A_424 = tpu.vector_load_idx %arg7[%add3A_423, %and3A_386] : memref<64x512xf32, #tpu.memory_space<vmem>>[vector<16xi32>, vector<16xi32>], vector<16xf32>,
              %mul3A_425 = arith.constant 64 : i32
              %mul3A_426 = vector.broadcast %mul3A_425 : i32 to vector<16xi32>
              %mul3A_427 = arith.muli %gather3A_387, %mul3A_426 : vector<16xi32>
              %add3A_428 = arith.constant 48 : i32
              %add3A_429 = vector.broadcast %add3A_428 : i32 to vector<16xi32>
              %add3A_430 = arith.addi %mul3A_427, %add3A_429 : vector<16xi32>
              %add3A_431 = arith.addi %add3A_430, %iota3A : vector<16xi32>
              tpu.vector_store_idx %arg10[%add3A_431], %gather3A_424 {add = true} : memref<1024xf32, #tpu.memory_space<vmem>>[vector<16xi32>], vector<16xf32>,
              %while3A_432 = arith.constant 0 : i32
              scf.yield %while3A_432 : i32
            }
            %while3A_376 = arith.constant 1 : i32
            %while3A_377 = scf.for %while3A_378 = %while3A_373 to %while3A_369 step %while3A_376 iter_args(%while3A_379 = %while3A_375) -> (i32)  : i32 {
              %broadcast_in_dim3A_380 = arith.constant 0 : i32
              %broadcast_in_dim3A_381 = vector.broadcast %broadcast_in_dim3A_380 : i32 to vector<16xi32>
              %add3A_382 = vector.broadcast %while3A_378 : i32 to vector<16xi32>
              %add3A_383 = arith.addi %broadcast_in_dim3A_381, %add3A_382 : vector<16xi32>
              %gather3A = tpu.vector_load_idx %arg11[%add3A_383] : memref<16xi32, #tpu.memory_space<vmem>>[vector<16xi32>], vector<16xi32>,
              %and3A_384 = arith.constant 511 : i32
              %and3A_385 = vector.broadcast %and3A_384 : i32 to vector<16xi32>
              %and3A_386 = arith.andi %gather3A, %and3A_385 : vector<16xi32>
              %gather3A_387 = tpu.vector_load_idx %arg12[%add3A_383] : memref<16xi32, #tpu.memory_space<vmem>>[vector<16xi32>], vector<16xi32>,
              %add3A_388 = arith.constant 0 : i32
              %add3A_389 = vector.broadcast %add3A_388 : i32 to vector<16xi32>
              %add3A_390 = arith.addi %iota3A, %add3A_389 : vector<16xi32>
              %gather3A_391 = tpu.vector_load_idx %arg7[%add3A_390, %and3A_386] : memref<64x512xf32, #tpu.memory_space<vmem>>[vector<16xi32>, vector<16xi32>], vector<16xf32>,
              %mul3A_392 = arith.constant 64 : i32
              %mul3A_393 = vector.broadcast %mul3A_392 : i32 to vector<16xi32>
              %mul3A_394 = arith.muli %gather3A_387, %mul3A_393 : vector<16xi32>
              %add3A_395 = arith.constant 0 : i32
              %add3A_396 = vector.broadcast %add3A_395 : i32 to vector<16xi32>
              %add3A_397 = arith.addi %mul3A_394, %add3A_396 : vector<16xi32>
              %add3A_398 = arith.addi %add3A_397, %iota3A : vector<16xi32>
              tpu.vector_store_idx %arg10[%add3A_398], %gather3A_391 {add = true} : memref<1024xf32, #tpu.memory_space<vmem>>[vector<16xi32>], vector<16xf32>,
              %add3A_399 = arith.constant 16 : i32
              %add3A_400 = vector.broadcast %add3A_399 : i32 to vector<16xi32>
              %add3A_401 = arith.addi %iota3A, %add3A_400 : vector<16xi32>
              %gather3A_402 = tpu.vector_load_idx %arg7[%add3A_401, %and3A_386] : memref<64x512xf32, #tpu.memory_space<vmem>>[vector<16xi32>, vector<16xi32>], vector<16xf32>,
              %mul3A_403 = arith.constant 64 : i32
              %mul3A_404 = vector.broadcast %mul3A_403 : i32 to vector<16xi32>
              %mul3A_405 = arith.muli %gather3A_387, %mul3A_404 : vector<16xi32>
              %add3A_406 = arith.constant 16 : i32
              %add3A_407 = vector.broadcast %add3A_406 : i32 to vector<16xi32>
              %add3A_408 = arith.addi %mul3A_405, %add3A_407 : vector<16xi32>
              %add3A_409 = arith.addi %add3A_408, %iota3A : vector<16xi32>
              tpu.vector_store_idx %arg10[%add3A_409], %gather3A_402 {add = true} : memref<1024xf32, #tpu.memory_space<vmem>>[vector<16xi32>], vector<16xf32>,
              %add3A_410 = arith.constant 32 : i32
              %add3A_411 = vector.broadcast %add3A_410 : i32 to vector<16xi32>
              %add3A_412 = arith.addi %iota3A, %add3A_411 : vector<16xi32>
              %gather3A_413 = tpu.vector_load_idx %arg7[%add3A_412, %and3A_386] : memref<64x512xf32, #tpu.memory_space<vmem>>[vector<16xi32>, vector<16xi32>], vector<16xf32>,
              %mul3A_414 = arith.constant 64 : i32
              %mul3A_415 = vector.broadcast %mul3A_414 : i32 to vector<16xi32>
              %mul3A_416 = arith.muli %gather3A_387, %mul3A_415 : vector<16xi32>
              %add3A_417 = arith.constant 32 : i32
              %add3A_418 = vector.broadcast %add3A_417 : i32 to vector<16xi32>
              %add3A_419 = arith.addi %mul3A_416, %add3A_418 : vector<16xi32>
              %add3A_420 = arith.addi %add3A_419, %iota3A : vector<16xi32>
              tpu.vector_store_idx %arg10[%add3A_420], %gather3A_413 {add = true} : memref<1024xf32, #tpu.memory_space<vmem>>[vector<16xi32>], vector<16xf32>,
              %add3A_421 = arith.constant 48 : i32
              %add3A_422 = vector.broadcast %add3A_421 : i32 to vector<16xi32>
              %add3A_423 = arith.addi %iota3A, %add3A_422 : vector<16xi32>
              %gather3A_424 = tpu.vector_load_idx %arg7[%add3A_423, %and3A_386] : memref<64x512xf32, #tpu.memory_space<vmem>>[vector<16xi32>, vector<16xi32>], vector<16xf32>,
              %mul3A_425 = arith.constant 64 : i32
              %mul3A_426 = vector.broadcast %mul3A_425 : i32 to vector<16xi32>
              %mul3A_427 = arith.muli %gather3A_387, %mul3A_426 : vector<16xi32>
              %add3A_428 = arith.constant 48 : i32
              %add3A_429 = vector.broadcast %add3A_428 : i32 to vector<16xi32>
              %add3A_430 = arith.addi %mul3A_427, %add3A_429 : vector<16xi32>
              %add3A_431 = arith.addi %add3A_430, %iota3A : vector<16xi32>
              tpu.vector_store_idx %arg10[%add3A_431], %gather3A_424 {add = true} : memref<1024xf32, #tpu.memory_space<vmem>>[vector<16xi32>], vector<16xf32>,
              %while3A_432 = arith.constant 0 : i32
              scf.yield %while3A_432 : i32
            }
          } else {
          }
          %while3A_358 = arith.constant 0 : i32
          scf.yield %while3A_358 : i32
        }
        %while3A_329 = arith.constant 1 : i32
        %while3A_330 = scf.for %while3A_331 = %while3A_326 to %while3A_322 step %while3A_329 iter_args(%while3A_332 = %while3A_328) -> (i32)  : i32 {
          %mul3A_333 = arith.constant 16 : i32
          %mul3A_334 = arith.muli %while3A_331, %mul3A_333 : i32
          %get3A = arith.index_cast %mul3A_334 : i32 to index
          %get3A_335 = tpu.vector_load %arg6[%get3A] {strides = array<i32>} : memref<16400xi32, #tpu.memory_space<vmem>>, vector<16xi32>,
          %and3A_336 = arith.constant 1048575 : i32
          %and3A_337 = vector.broadcast %and3A_336 : i32 to vector<16xi32>
          %and3A_338 = arith.andi %get3A_335, %and3A_337 : vector<16xi32>
          %mul3A_339 = arith.constant 16 : i32
          %mul3A_340 = arith.muli %while3A_331, %mul3A_339 : i32
          %add3A_341 = vector.broadcast %mul3A_340 : i32 to vector<16xi32>
          %add3A_342 = arith.addi %iota3A, %add3A_341 : vector<16xi32>
          %lt3A_343 = vector.broadcast %scan3A_29 : i32 to vector<16xi32>
          %lt3A_344 = arith.cmpi slt, %add3A_342, %lt3A_343 : vector<16xi32>
          %shift_right_arithmetic3A = arith.constant 9 : i32
          %shift_right_arithmetic3A_345 = vector.broadcast %shift_right_arithmetic3A : i32 to vector<16xi32>
          %shift_right_arithmetic3A_346 = arith.shrsi %and3A_338, %shift_right_arithmetic3A_345 : vector<16xi32>
          %eq3A_347 = vector.broadcast %add3A_209 : i32 to vector<16xi32>
          %eq3A_348 = arith.cmpi eq, %shift_right_arithmetic3A_346, %eq3A_347 : vector<16xi32>
          %and3A_349 = arith.andi %eq3A_348, %lt3A_344 : vector<16xi1>
          %convert_element_type3A_350 = arith.extui %and3A_349 : vector<16xi1> to vector<16xi32>
          %reduce_sum3A = arith.constant true
          %reduce_sum3A_351 = vector.broadcast %reduce_sum3A : i1 to vector<16xi1>
          %reduce_sum3A_352 = tpu.scan <sum>, %convert_element_type3A_350 masked %reduce_sum3A_351 : vector<16xi32>, vector<16xi1> -> vector<16xi32>
          %reduce_sum3A_353 = vector.extract %reduce_sum3A_352[15] : i32 from vector<16xi32>
          %gt3A = arith.constant 0 : i32
          %gt3A_354 = arith.cmpi sgt, %reduce_sum3A_353, %gt3A : i32
          %convert_element_type3A_355 = arith.extui %gt3A_354 : i1 to i32
          %cond3A_356 = arith.constant 0 : i32
          %cond3A_357 = arith.cmpi ne, %convert_element_type3A_355, %cond3A_356 : i32
          scf.if %cond3A_357 {
            %swap3A_359 = arith.constant 0 : index
            %swap3A_360 = tpu.vector_load %arg11[%swap3A_359] masked %and3A_349 {strides = array<i32>} : memref<16xi32, #tpu.memory_space<vmem>>, vector<16xi32>, vector<16xi1>
            tpu.vector_store %arg11[%swap3A_359], %and3A_338 masked %and3A_349 {strides = array<i32>} : memref<16xi32, #tpu.memory_space<vmem>>, vector<16xi32>, vector<16xi1>
            %shift_right_arithmetic3A_361 = arith.constant 20 : i32
            %shift_right_arithmetic3A_362 = vector.broadcast %shift_right_arithmetic3A_361 : i32 to vector<16xi32>
            %shift_right_arithmetic3A_363 = arith.shrsi %get3A_335, %shift_right_arithmetic3A_362 : vector<16xi32>
            %swap3A_364 = arith.constant 0 : index
            %swap3A_365 = tpu.vector_load %arg12[%swap3A_364] masked %and3A_349 {strides = array<i32>} : memref<16xi32, #tpu.memory_space<vmem>>, vector<16xi32>, vector<16xi1>
            tpu.vector_store %arg12[%swap3A_364], %shift_right_arithmetic3A_363 masked %and3A_349 {strides = array<i32>} : memref<16xi32, #tpu.memory_space<vmem>>, vector<16xi32>, vector<16xi1>
            %while3A_366 = arith.constant 0 : i32
            %while3A_367 = arith.constant 0 : i32
            %while3A_368 = arith.subi %reduce_sum3A_353, %while3A_366 : i32
            %while3A_369 = arith.addi %while3A_366, %while3A_368 : i32
            %while3A_370 = arith.constant 1 : i32
            %while3A_371 = arith.divsi %while3A_368, %while3A_370 : i32
            %while3A_372 = arith.muli %while3A_371, %while3A_370 : i32
            %while3A_373 = arith.addi %while3A_366, %while3A_372 : i32
            %while3A_374 = arith.constant 1 : i32
            %while3A_375 = scf.for %while3A_378 = %while3A_366 to %while3A_373 step %while3A_374 iter_args(%while3A_379 = %while3A_367) -> (i32)  : i32 {
              %broadcast_in_dim3A_380 = arith.constant 0 : i32
              %broadcast_in_dim3A_381 = vector.broadcast %broadcast_in_dim3A_380 : i32 to vector<16xi32>
              %add3A_382 = vector.broadcast %while3A_378 : i32 to vector<16xi32>
              %add3A_383 = arith.addi %broadcast_in_dim3A_381, %add3A_382 : vector<16xi32>
              %gather3A = tpu.vector_load_idx %arg11[%add3A_383] : memref<16xi32, #tpu.memory_space<vmem>>[vector<16xi32>], vector<16xi32>,
              %and3A_384 = arith.constant 511 : i32
              %and3A_385 = vector.broadcast %and3A_384 : i32 to vector<16xi32>
              %and3A_386 = arith.andi %gather3A, %and3A_385 : vector<16xi32>
              %gather3A_387 = tpu.vector_load_idx %arg12[%add3A_383] : memref<16xi32, #tpu.memory_space<vmem>>[vector<16xi32>], vector<16xi32>,
              %add3A_388 = arith.constant 0 : i32
              %add3A_389 = vector.broadcast %add3A_388 : i32 to vector<16xi32>
              %add3A_390 = arith.addi %iota3A, %add3A_389 : vector<16xi32>
              %gather3A_391 = tpu.vector_load_idx %arg7[%add3A_390, %and3A_386] : memref<64x512xf32, #tpu.memory_space<vmem>>[vector<16xi32>, vector<16xi32>], vector<16xf32>,
              %mul3A_392 = arith.constant 64 : i32
              %mul3A_393 = vector.broadcast %mul3A_392 : i32 to vector<16xi32>
              %mul3A_394 = arith.muli %gather3A_387, %mul3A_393 : vector<16xi32>
              %add3A_395 = arith.constant 0 : i32
              %add3A_396 = vector.broadcast %add3A_395 : i32 to vector<16xi32>
              %add3A_397 = arith.addi %mul3A_394, %add3A_396 : vector<16xi32>
              %add3A_398 = arith.addi %add3A_397, %iota3A : vector<16xi32>
              tpu.vector_store_idx %arg10[%add3A_398], %gather3A_391 {add = true} : memref<1024xf32, #tpu.memory_space<vmem>>[vector<16xi32>], vector<16xf32>,
              %add3A_399 = arith.constant 16 : i32
              %add3A_400 = vector.broadcast %add3A_399 : i32 to vector<16xi32>
              %add3A_401 = arith.addi %iota3A, %add3A_400 : vector<16xi32>
              %gather3A_402 = tpu.vector_load_idx %arg7[%add3A_401, %and3A_386] : memref<64x512xf32, #tpu.memory_space<vmem>>[vector<16xi32>, vector<16xi32>], vector<16xf32>,
              %mul3A_403 = arith.constant 64 : i32
              %mul3A_404 = vector.broadcast %mul3A_403 : i32 to vector<16xi32>
              %mul3A_405 = arith.muli %gather3A_387, %mul3A_404 : vector<16xi32>
              %add3A_406 = arith.constant 16 : i32
              %add3A_407 = vector.broadcast %add3A_406 : i32 to vector<16xi32>
              %add3A_408 = arith.addi %mul3A_405, %add3A_407 : vector<16xi32>
              %add3A_409 = arith.addi %add3A_408, %iota3A : vector<16xi32>
              tpu.vector_store_idx %arg10[%add3A_409], %gather3A_402 {add = true} : memref<1024xf32, #tpu.memory_space<vmem>>[vector<16xi32>], vector<16xf32>,
              %add3A_410 = arith.constant 32 : i32
              %add3A_411 = vector.broadcast %add3A_410 : i32 to vector<16xi32>
              %add3A_412 = arith.addi %iota3A, %add3A_411 : vector<16xi32>
              %gather3A_413 = tpu.vector_load_idx %arg7[%add3A_412, %and3A_386] : memref<64x512xf32, #tpu.memory_space<vmem>>[vector<16xi32>, vector<16xi32>], vector<16xf32>,
              %mul3A_414 = arith.constant 64 : i32
              %mul3A_415 = vector.broadcast %mul3A_414 : i32 to vector<16xi32>
              %mul3A_416 = arith.muli %gather3A_387, %mul3A_415 : vector<16xi32>
              %add3A_417 = arith.constant 32 : i32
              %add3A_418 = vector.broadcast %add3A_417 : i32 to vector<16xi32>
              %add3A_419 = arith.addi %mul3A_416, %add3A_418 : vector<16xi32>
              %add3A_420 = arith.addi %add3A_419, %iota3A : vector<16xi32>
              tpu.vector_store_idx %arg10[%add3A_420], %gather3A_413 {add = true} : memref<1024xf32, #tpu.memory_space<vmem>>[vector<16xi32>], vector<16xf32>,
              %add3A_421 = arith.constant 48 : i32
              %add3A_422 = vector.broadcast %add3A_421 : i32 to vector<16xi32>
              %add3A_423 = arith.addi %iota3A, %add3A_422 : vector<16xi32>
              %gather3A_424 = tpu.vector_load_idx %arg7[%add3A_423, %and3A_386] : memref<64x512xf32, #tpu.memory_space<vmem>>[vector<16xi32>, vector<16xi32>], vector<16xf32>,
              %mul3A_425 = arith.constant 64 : i32
              %mul3A_426 = vector.broadcast %mul3A_425 : i32 to vector<16xi32>
              %mul3A_427 = arith.muli %gather3A_387, %mul3A_426 : vector<16xi32>
              %add3A_428 = arith.constant 48 : i32
              %add3A_429 = vector.broadcast %add3A_428 : i32 to vector<16xi32>
              %add3A_430 = arith.addi %mul3A_427, %add3A_429 : vector<16xi32>
              %add3A_431 = arith.addi %add3A_430, %iota3A : vector<16xi32>
              tpu.vector_store_idx %arg10[%add3A_431], %gather3A_424 {add = true} : memref<1024xf32, #tpu.memory_space<vmem>>[vector<16xi32>], vector<16xf32>,
              %while3A_432 = arith.constant 0 : i32
              scf.yield %while3A_432 : i32
            }
            %while3A_376 = arith.constant 1 : i32
            %while3A_377 = scf.for %while3A_378 = %while3A_373 to %while3A_369 step %while3A_376 iter_args(%while3A_379 = %while3A_375) -> (i32)  : i32 {
              %broadcast_in_dim3A_380 = arith.constant 0 : i32
              %broadcast_in_dim3A_381 = vector.broadcast %broadcast_in_dim3A_380 : i32 to vector<16xi32>
              %add3A_382 = vector.broadcast %while3A_378 : i32 to vector<16xi32>
              %add3A_383 = arith.addi %broadcast_in_dim3A_381, %add3A_382 : vector<16xi32>
              %gather3A = tpu.vector_load_idx %arg11[%add3A_383] : memref<16xi32, #tpu.memory_space<vmem>>[vector<16xi32>], vector<16xi32>,
              %and3A_384 = arith.constant 511 : i32
              %and3A_385 = vector.broadcast %and3A_384 : i32 to vector<16xi32>
              %and3A_386 = arith.andi %gather3A, %and3A_385 : vector<16xi32>
              %gather3A_387 = tpu.vector_load_idx %arg12[%add3A_383] : memref<16xi32, #tpu.memory_space<vmem>>[vector<16xi32>], vector<16xi32>,
              %add3A_388 = arith.constant 0 : i32
              %add3A_389 = vector.broadcast %add3A_388 : i32 to vector<16xi32>
              %add3A_390 = arith.addi %iota3A, %add3A_389 : vector<16xi32>
              %gather3A_391 = tpu.vector_load_idx %arg7[%add3A_390, %and3A_386] : memref<64x512xf32, #tpu.memory_space<vmem>>[vector<16xi32>, vector<16xi32>], vector<16xf32>,
              %mul3A_392 = arith.constant 64 : i32
              %mul3A_393 = vector.broadcast %mul3A_392 : i32 to vector<16xi32>
              %mul3A_394 = arith.muli %gather3A_387, %mul3A_393 : vector<16xi32>
              %add3A_395 = arith.constant 0 : i32
              %add3A_396 = vector.broadcast %add3A_395 : i32 to vector<16xi32>
              %add3A_397 = arith.addi %mul3A_394, %add3A_396 : vector<16xi32>
              %add3A_398 = arith.addi %add3A_397, %iota3A : vector<16xi32>
              tpu.vector_store_idx %arg10[%add3A_398], %gather3A_391 {add = true} : memref<1024xf32, #tpu.memory_space<vmem>>[vector<16xi32>], vector<16xf32>,
              %add3A_399 = arith.constant 16 : i32
              %add3A_400 = vector.broadcast %add3A_399 : i32 to vector<16xi32>
              %add3A_401 = arith.addi %iota3A, %add3A_400 : vector<16xi32>
              %gather3A_402 = tpu.vector_load_idx %arg7[%add3A_401, %and3A_386] : memref<64x512xf32, #tpu.memory_space<vmem>>[vector<16xi32>, vector<16xi32>], vector<16xf32>,
              %mul3A_403 = arith.constant 64 : i32
              %mul3A_404 = vector.broadcast %mul3A_403 : i32 to vector<16xi32>
              %mul3A_405 = arith.muli %gather3A_387, %mul3A_404 : vector<16xi32>
              %add3A_406 = arith.constant 16 : i32
              %add3A_407 = vector.broadcast %add3A_406 : i32 to vector<16xi32>
              %add3A_408 = arith.addi %mul3A_405, %add3A_407 : vector<16xi32>
              %add3A_409 = arith.addi %add3A_408, %iota3A : vector<16xi32>
              tpu.vector_store_idx %arg10[%add3A_409], %gather3A_402 {add = true} : memref<1024xf32, #tpu.memory_space<vmem>>[vector<16xi32>], vector<16xf32>,
              %add3A_410 = arith.constant 32 : i32
              %add3A_411 = vector.broadcast %add3A_410 : i32 to vector<16xi32>
              %add3A_412 = arith.addi %iota3A, %add3A_411 : vector<16xi32>
              %gather3A_413 = tpu.vector_load_idx %arg7[%add3A_412, %and3A_386] : memref<64x512xf32, #tpu.memory_space<vmem>>[vector<16xi32>, vector<16xi32>], vector<16xf32>,
              %mul3A_414 = arith.constant 64 : i32
              %mul3A_415 = vector.broadcast %mul3A_414 : i32 to vector<16xi32>
              %mul3A_416 = arith.muli %gather3A_387, %mul3A_415 : vector<16xi32>
              %add3A_417 = arith.constant 32 : i32
              %add3A_418 = vector.broadcast %add3A_417 : i32 to vector<16xi32>
              %add3A_419 = arith.addi %mul3A_416, %add3A_418 : vector<16xi32>
              %add3A_420 = arith.addi %add3A_419, %iota3A : vector<16xi32>
              tpu.vector_store_idx %arg10[%add3A_420], %gather3A_413 {add = true} : memref<1024xf32, #tpu.memory_space<vmem>>[vector<16xi32>], vector<16xf32>,
              %add3A_421 = arith.constant 48 : i32
              %add3A_422 = vector.broadcast %add3A_421 : i32 to vector<16xi32>
              %add3A_423 = arith.addi %iota3A, %add3A_422 : vector<16xi32>
              %gather3A_424 = tpu.vector_load_idx %arg7[%add3A_423, %and3A_386] : memref<64x512xf32, #tpu.memory_space<vmem>>[vector<16xi32>, vector<16xi32>], vector<16xf32>,
              %mul3A_425 = arith.constant 64 : i32
              %mul3A_426 = vector.broadcast %mul3A_425 : i32 to vector<16xi32>
              %mul3A_427 = arith.muli %gather3A_387, %mul3A_426 : vector<16xi32>
              %add3A_428 = arith.constant 48 : i32
              %add3A_429 = vector.broadcast %add3A_428 : i32 to vector<16xi32>
              %add3A_430 = arith.addi %mul3A_427, %add3A_429 : vector<16xi32>
              %add3A_431 = arith.addi %add3A_430, %iota3A : vector<16xi32>
              tpu.vector_store_idx %arg10[%add3A_431], %gather3A_424 {add = true} : memref<1024xf32, #tpu.memory_space<vmem>>[vector<16xi32>], vector<16xf32>,
              %while3A_432 = arith.constant 0 : i32
              scf.yield %while3A_432 : i32
            }
          } else {
          }
          %while3A_358 = arith.constant 0 : i32
          scf.yield %while3A_358 : i32
        }
      } else {
      }
      %mul3A_214 = arith.constant 3 : i32
      %mul3A_215 = arith.muli %scan3A_170, %mul3A_214 : i32
      %add3A_216 = arith.constant 1 : i32
      %add3A_217 = arith.addi %mul3A_215, %add3A_216 : i32
      %mul3A_218 = arith.constant 32 : i32
      %mul3A_219 = arith.muli %mul3A_218, %add3A_217 : i32
      %add3A_220 = arith.addi %add3A, %mul3A_219 : i32
      %mul3A_221 = arith.constant 512 : i32
      %mul3A_222 = arith.muli %add3A_220, %mul3A_221 : i32
      %lt3A_223 = arith.constant 1953 : i32
      %lt3A_224 = arith.cmpi slt, %add3A_220, %lt3A_223 : i32
      %convert_element_type3A_225 = arith.extui %lt3A_224 : i1 to i32
      %cond3A_226 = arith.constant 0 : i32
      %cond3A_227 = arith.cmpi ne, %convert_element_type3A_225, %cond3A_226 : i32
      scf.if %cond3A_227 {
        %dma_wait3A = arith.constant 0 : i32
        %dma_wait3A_302 = tpu.memref_slice %arg3[%dma_wait3A, %mul3A_222] : memref<64x1000000xf32, #tpu.memory_space<hbm>> -> memref<64x512xf32, #tpu.memory_space<hbm>>
        %dma_wait3A_303 = arith.constant 0 : i32
        %dma_wait3A_304 = tpu.memref_slice %arg3[%dma_wait3A_303, %mul3A_222] : memref<64x1000000xf32, #tpu.memory_space<hbm>> -> memref<64x512xf32, #tpu.memory_space<hbm>>
        tpu.wait_dma2 semaphore(%arg17 : memref<!tpu.dma_semaphore, #tpu.memory_space<semaphore_mem>>) src(%dma_wait3A_304 : memref<64x512xf32, #tpu.memory_space<hbm>>) dst(%arg8 : memref<64x512xf32, #tpu.memory_space<vmem>>)
      } else {
      }
      %eq3A_228 = arith.constant 1953 : i32
      %eq3A_229 = arith.cmpi eq, %add3A_220, %eq3A_228 : i32
      %convert_element_type3A_230 = arith.extui %eq3A_229 : i1 to i32
      %cond3A_231 = arith.constant 0 : i32
      %cond3A_232 = arith.cmpi ne, %convert_element_type3A_230, %cond3A_231 : i32
      scf.if %cond3A_232 {
        %dma_wait3A = arith.constant 0 : i32
        %dma_wait3A_302 = arith.constant 0 : i32
        %dma_wait3A_303 = tpu.memref_slice %arg8[%dma_wait3A, %dma_wait3A_302] : memref<64x512xf32, #tpu.memory_space<vmem>> -> memref<64x128xf32, #tpu.memory_space<vmem>>
        %dma_wait3A_304 = arith.constant 0 : i32
        %dma_wait3A_305 = arith.constant 0 : i32
        %dma_wait3A_306 = tpu.memref_slice %arg8[%dma_wait3A_304, %dma_wait3A_305] : memref<64x512xf32, #tpu.memory_space<vmem>> -> memref<64x128xf32, #tpu.memory_space<vmem>>
        tpu.wait_dma2 semaphore(%arg17 : memref<!tpu.dma_semaphore, #tpu.memory_space<semaphore_mem>>) src(%arg4 : memref<64x128xf32, #tpu.memory_space<hbm>>) dst(%dma_wait3A_306 : memref<64x128xf32, #tpu.memory_space<vmem>>)
      } else {
      }
      %add3A_233 = arith.constant 2 : i32
      %add3A_234 = arith.addi %add3A_217, %add3A_233 : i32
      %mul3A_235 = arith.constant 32 : i32
      %mul3A_236 = arith.muli %mul3A_235, %add3A_234 : i32
      %add3A_237 = arith.addi %add3A, %mul3A_236 : i32
      %mul3A_238 = arith.constant 512 : i32
      %mul3A_239 = arith.muli %add3A_237, %mul3A_238 : i32
      %lt3A_240 = arith.constant 1953 : i32
      %lt3A_241 = arith.cmpi slt, %add3A_237, %lt3A_240 : i32
      %convert_element_type3A_242 = arith.extui %lt3A_241 : i1 to i32
      %cond3A_243 = arith.constant 0 : i32
      %cond3A_244 = arith.cmpi ne, %convert_element_type3A_242, %cond3A_243 : i32
      scf.if %cond3A_244 {
        %dma_start3A = arith.constant 0 : i32
        %dma_start3A_302 = tpu.memref_slice %arg3[%dma_start3A, %mul3A_239] : memref<64x1000000xf32, #tpu.memory_space<hbm>> -> memref<64x512xf32, #tpu.memory_space<hbm>>
        %dma_start3A_303 = arith.constant 0 : i32
        %dma_start3A_304 = tpu.memref_slice %arg3[%dma_start3A_303, %mul3A_239] : memref<64x1000000xf32, #tpu.memory_space<hbm>> -> memref<64x512xf32, #tpu.memory_space<hbm>>
        tpu.enqueue_dma source(%dma_start3A_304 : memref<64x512xf32, #tpu.memory_space<hbm>>) target(%arg7 : memref<64x512xf32, #tpu.memory_space<vmem>>) target_semaphore(%arg16 : memref<!tpu.dma_semaphore, #tpu.memory_space<semaphore_mem>>)
      } else {
      }
      %eq3A_245 = arith.constant 1953 : i32
      %eq3A_246 = arith.cmpi eq, %add3A_237, %eq3A_245 : i32
      %convert_element_type3A_247 = arith.extui %eq3A_246 : i1 to i32
      %cond3A_248 = arith.constant 0 : i32
      %cond3A_249 = arith.cmpi ne, %convert_element_type3A_247, %cond3A_248 : i32
      scf.if %cond3A_249 {
        %dma_start3A = arith.constant 0 : i32
        %dma_start3A_302 = arith.constant 0 : i32
        %dma_start3A_303 = tpu.memref_slice %arg7[%dma_start3A, %dma_start3A_302] : memref<64x512xf32, #tpu.memory_space<vmem>> -> memref<64x128xf32, #tpu.memory_space<vmem>>
        %dma_start3A_304 = arith.constant 0 : i32
        %dma_start3A_305 = arith.constant 0 : i32
        %dma_start3A_306 = tpu.memref_slice %arg7[%dma_start3A_304, %dma_start3A_305] : memref<64x512xf32, #tpu.memory_space<vmem>> -> memref<64x128xf32, #tpu.memory_space<vmem>>
        tpu.enqueue_dma source(%arg4 : memref<64x128xf32, #tpu.memory_space<hbm>>) target(%dma_start3A_306 : memref<64x128xf32, #tpu.memory_space<vmem>>) target_semaphore(%arg16 : memref<!tpu.dma_semaphore, #tpu.memory_space<semaphore_mem>>)
      } else {
      }
      %mul3A_250 = arith.constant 32 : i32
      %mul3A_251 = arith.muli %mul3A_250, %add3A_217 : i32
      %add3A_252 = arith.addi %add3A, %mul3A_251 : i32
      %le3A_253 = arith.constant 1953 : i32
      %le3A_254 = arith.cmpi sle, %add3A_252, %le3A_253 : i32
      %convert_element_type3A_255 = arith.extui %le3A_254 : i1 to i32
      %cond3A_256 = arith.constant 0 : i32
      %cond3A_257 = arith.cmpi ne, %convert_element_type3A_255, %cond3A_256 : i32
      scf.if %cond3A_257 {
        %add3A_302 = arith.constant 15 : i32
        %add3A_303 = arith.addi %scan3A_29, %add3A_302 : i32
        %jit3A = arith.constant 16 : i32
        %div3A = arith.divsi %add3A_303, %jit3A : i32
        %sign3A = arith.constant 0 : i32
        %sign3A_304 = arith.cmpi sgt, %add3A_303, %sign3A : i32
        %sign3A_305 = arith.extui %sign3A_304 : i1 to i32
        %sign3A_306 = arith.constant 0 : i32
        %sign3A_307 = arith.cmpi slt, %add3A_303, %sign3A_306 : i32
        %sign3A_308 = arith.extui %sign3A_307 : i1 to i32
        %sign3A_309 = arith.subi %sign3A_305, %sign3A_308 : i32
        %sign3A_310 = arith.constant 0 : i32
        %sign3A_311 = arith.cmpi sgt, %jit3A, %sign3A_310 : i32
        %sign3A_312 = arith.extui %sign3A_311 : i1 to i32
        %sign3A_313 = arith.constant 0 : i32
        %sign3A_314 = arith.cmpi slt, %jit3A, %sign3A_313 : i32
        %sign3A_315 = arith.extui %sign3A_314 : i1 to i32
        %sign3A_316 = arith.subi %sign3A_312, %sign3A_315 : i32
        %ne3A = arith.cmpi ne, %sign3A_309, %sign3A_316 : i32
        %rem3A = arith.remsi %add3A_303, %jit3A : i32
        %ne3A_317 = arith.constant 0 : i32
        %ne3A_318 = arith.cmpi ne, %rem3A, %ne3A_317 : i32
        %and3A = arith.andi %ne3A, %ne3A_318 : i1
        %sub3A = arith.constant 1 : i32
        %sub3A_319 = arith.subi %div3A, %sub3A : i32
        %select_n3A = arith.select %and3A, %sub3A_319, %div3A : i32
        %while3A = arith.constant 0 : i32
        %while3A_320 = arith.constant 0 : i32
        %while3A_321 = arith.subi %select_n3A, %while3A : i32
        %while3A_322 = arith.addi %while3A, %while3A_321 : i32
        %while3A_323 = arith.constant 1 : i32
        %while3A_324 = arith.divsi %while3A_321, %while3A_323 : i32
        %while3A_325 = arith.muli %while3A_324, %while3A_323 : i32
        %while3A_326 = arith.addi %while3A, %while3A_325 : i32
        %while3A_327 = arith.constant 1 : i32
        %while3A_328 = scf.for %while3A_331 = %while3A to %while3A_326 step %while3A_327 iter_args(%while3A_332 = %while3A_320) -> (i32)  : i32 {
          %mul3A_333 = arith.constant 16 : i32
          %mul3A_334 = arith.muli %while3A_331, %mul3A_333 : i32
          %get3A = arith.index_cast %mul3A_334 : i32 to index
          %get3A_335 = tpu.vector_load %arg6[%get3A] {strides = array<i32>} : memref<16400xi32, #tpu.memory_space<vmem>>, vector<16xi32>,
          %and3A_336 = arith.constant 1048575 : i32
          %and3A_337 = vector.broadcast %and3A_336 : i32 to vector<16xi32>
          %and3A_338 = arith.andi %get3A_335, %and3A_337 : vector<16xi32>
          %mul3A_339 = arith.constant 16 : i32
          %mul3A_340 = arith.muli %while3A_331, %mul3A_339 : i32
          %add3A_341 = vector.broadcast %mul3A_340 : i32 to vector<16xi32>
          %add3A_342 = arith.addi %iota3A, %add3A_341 : vector<16xi32>
          %lt3A_343 = vector.broadcast %scan3A_29 : i32 to vector<16xi32>
          %lt3A_344 = arith.cmpi slt, %add3A_342, %lt3A_343 : vector<16xi32>
          %shift_right_arithmetic3A = arith.constant 9 : i32
          %shift_right_arithmetic3A_345 = vector.broadcast %shift_right_arithmetic3A : i32 to vector<16xi32>
          %shift_right_arithmetic3A_346 = arith.shrsi %and3A_338, %shift_right_arithmetic3A_345 : vector<16xi32>
          %eq3A_347 = vector.broadcast %add3A_252 : i32 to vector<16xi32>
          %eq3A_348 = arith.cmpi eq, %shift_right_arithmetic3A_346, %eq3A_347 : vector<16xi32>
          %and3A_349 = arith.andi %eq3A_348, %lt3A_344 : vector<16xi1>
          %convert_element_type3A_350 = arith.extui %and3A_349 : vector<16xi1> to vector<16xi32>
          %reduce_sum3A = arith.constant true
          %reduce_sum3A_351 = vector.broadcast %reduce_sum3A : i1 to vector<16xi1>
          %reduce_sum3A_352 = tpu.scan <sum>, %convert_element_type3A_350 masked %reduce_sum3A_351 : vector<16xi32>, vector<16xi1> -> vector<16xi32>
          %reduce_sum3A_353 = vector.extract %reduce_sum3A_352[15] : i32 from vector<16xi32>
          %gt3A = arith.constant 0 : i32
          %gt3A_354 = arith.cmpi sgt, %reduce_sum3A_353, %gt3A : i32
          %convert_element_type3A_355 = arith.extui %gt3A_354 : i1 to i32
          %cond3A_356 = arith.constant 0 : i32
          %cond3A_357 = arith.cmpi ne, %convert_element_type3A_355, %cond3A_356 : i32
          scf.if %cond3A_357 {
            %swap3A_359 = arith.constant 0 : index
            %swap3A_360 = tpu.vector_load %arg11[%swap3A_359] masked %and3A_349 {strides = array<i32>} : memref<16xi32, #tpu.memory_space<vmem>>, vector<16xi32>, vector<16xi1>
            tpu.vector_store %arg11[%swap3A_359], %and3A_338 masked %and3A_349 {strides = array<i32>} : memref<16xi32, #tpu.memory_space<vmem>>, vector<16xi32>, vector<16xi1>
            %shift_right_arithmetic3A_361 = arith.constant 20 : i32
            %shift_right_arithmetic3A_362 = vector.broadcast %shift_right_arithmetic3A_361 : i32 to vector<16xi32>
            %shift_right_arithmetic3A_363 = arith.shrsi %get3A_335, %shift_right_arithmetic3A_362 : vector<16xi32>
            %swap3A_364 = arith.constant 0 : index
            %swap3A_365 = tpu.vector_load %arg12[%swap3A_364] masked %and3A_349 {strides = array<i32>} : memref<16xi32, #tpu.memory_space<vmem>>, vector<16xi32>, vector<16xi1>
            tpu.vector_store %arg12[%swap3A_364], %shift_right_arithmetic3A_363 masked %and3A_349 {strides = array<i32>} : memref<16xi32, #tpu.memory_space<vmem>>, vector<16xi32>, vector<16xi1>
            %while3A_366 = arith.constant 0 : i32
            %while3A_367 = arith.constant 0 : i32
            %while3A_368 = arith.subi %reduce_sum3A_353, %while3A_366 : i32
            %while3A_369 = arith.addi %while3A_366, %while3A_368 : i32
            %while3A_370 = arith.constant 1 : i32
            %while3A_371 = arith.divsi %while3A_368, %while3A_370 : i32
            %while3A_372 = arith.muli %while3A_371, %while3A_370 : i32
            %while3A_373 = arith.addi %while3A_366, %while3A_372 : i32
            %while3A_374 = arith.constant 1 : i32
            %while3A_375 = scf.for %while3A_378 = %while3A_366 to %while3A_373 step %while3A_374 iter_args(%while3A_379 = %while3A_367) -> (i32)  : i32 {
              %broadcast_in_dim3A_380 = arith.constant 0 : i32
              %broadcast_in_dim3A_381 = vector.broadcast %broadcast_in_dim3A_380 : i32 to vector<16xi32>
              %add3A_382 = vector.broadcast %while3A_378 : i32 to vector<16xi32>
              %add3A_383 = arith.addi %broadcast_in_dim3A_381, %add3A_382 : vector<16xi32>
              %gather3A = tpu.vector_load_idx %arg11[%add3A_383] : memref<16xi32, #tpu.memory_space<vmem>>[vector<16xi32>], vector<16xi32>,
              %and3A_384 = arith.constant 511 : i32
              %and3A_385 = vector.broadcast %and3A_384 : i32 to vector<16xi32>
              %and3A_386 = arith.andi %gather3A, %and3A_385 : vector<16xi32>
              %gather3A_387 = tpu.vector_load_idx %arg12[%add3A_383] : memref<16xi32, #tpu.memory_space<vmem>>[vector<16xi32>], vector<16xi32>,
              %add3A_388 = arith.constant 0 : i32
              %add3A_389 = vector.broadcast %add3A_388 : i32 to vector<16xi32>
              %add3A_390 = arith.addi %iota3A, %add3A_389 : vector<16xi32>
              %gather3A_391 = tpu.vector_load_idx %arg8[%add3A_390, %and3A_386] : memref<64x512xf32, #tpu.memory_space<vmem>>[vector<16xi32>, vector<16xi32>], vector<16xf32>,
              %mul3A_392 = arith.constant 64 : i32
              %mul3A_393 = vector.broadcast %mul3A_392 : i32 to vector<16xi32>
              %mul3A_394 = arith.muli %gather3A_387, %mul3A_393 : vector<16xi32>
              %add3A_395 = arith.constant 0 : i32
              %add3A_396 = vector.broadcast %add3A_395 : i32 to vector<16xi32>
              %add3A_397 = arith.addi %mul3A_394, %add3A_396 : vector<16xi32>
              %add3A_398 = arith.addi %add3A_397, %iota3A : vector<16xi32>
              tpu.vector_store_idx %arg10[%add3A_398], %gather3A_391 {add = true} : memref<1024xf32, #tpu.memory_space<vmem>>[vector<16xi32>], vector<16xf32>,
              %add3A_399 = arith.constant 16 : i32
              %add3A_400 = vector.broadcast %add3A_399 : i32 to vector<16xi32>
              %add3A_401 = arith.addi %iota3A, %add3A_400 : vector<16xi32>
              %gather3A_402 = tpu.vector_load_idx %arg8[%add3A_401, %and3A_386] : memref<64x512xf32, #tpu.memory_space<vmem>>[vector<16xi32>, vector<16xi32>], vector<16xf32>,
              %mul3A_403 = arith.constant 64 : i32
              %mul3A_404 = vector.broadcast %mul3A_403 : i32 to vector<16xi32>
              %mul3A_405 = arith.muli %gather3A_387, %mul3A_404 : vector<16xi32>
              %add3A_406 = arith.constant 16 : i32
              %add3A_407 = vector.broadcast %add3A_406 : i32 to vector<16xi32>
              %add3A_408 = arith.addi %mul3A_405, %add3A_407 : vector<16xi32>
              %add3A_409 = arith.addi %add3A_408, %iota3A : vector<16xi32>
              tpu.vector_store_idx %arg10[%add3A_409], %gather3A_402 {add = true} : memref<1024xf32, #tpu.memory_space<vmem>>[vector<16xi32>], vector<16xf32>,
              %add3A_410 = arith.constant 32 : i32
              %add3A_411 = vector.broadcast %add3A_410 : i32 to vector<16xi32>
              %add3A_412 = arith.addi %iota3A, %add3A_411 : vector<16xi32>
              %gather3A_413 = tpu.vector_load_idx %arg8[%add3A_412, %and3A_386] : memref<64x512xf32, #tpu.memory_space<vmem>>[vector<16xi32>, vector<16xi32>], vector<16xf32>,
              %mul3A_414 = arith.constant 64 : i32
              %mul3A_415 = vector.broadcast %mul3A_414 : i32 to vector<16xi32>
              %mul3A_416 = arith.muli %gather3A_387, %mul3A_415 : vector<16xi32>
              %add3A_417 = arith.constant 32 : i32
              %add3A_418 = vector.broadcast %add3A_417 : i32 to vector<16xi32>
              %add3A_419 = arith.addi %mul3A_416, %add3A_418 : vector<16xi32>
              %add3A_420 = arith.addi %add3A_419, %iota3A : vector<16xi32>
              tpu.vector_store_idx %arg10[%add3A_420], %gather3A_413 {add = true} : memref<1024xf32, #tpu.memory_space<vmem>>[vector<16xi32>], vector<16xf32>,
              %add3A_421 = arith.constant 48 : i32
              %add3A_422 = vector.broadcast %add3A_421 : i32 to vector<16xi32>
              %add3A_423 = arith.addi %iota3A, %add3A_422 : vector<16xi32>
              %gather3A_424 = tpu.vector_load_idx %arg8[%add3A_423, %and3A_386] : memref<64x512xf32, #tpu.memory_space<vmem>>[vector<16xi32>, vector<16xi32>], vector<16xf32>,
              %mul3A_425 = arith.constant 64 : i32
              %mul3A_426 = vector.broadcast %mul3A_425 : i32 to vector<16xi32>
              %mul3A_427 = arith.muli %gather3A_387, %mul3A_426 : vector<16xi32>
              %add3A_428 = arith.constant 48 : i32
              %add3A_429 = vector.broadcast %add3A_428 : i32 to vector<16xi32>
              %add3A_430 = arith.addi %mul3A_427, %add3A_429 : vector<16xi32>
              %add3A_431 = arith.addi %add3A_430, %iota3A : vector<16xi32>
              tpu.vector_store_idx %arg10[%add3A_431], %gather3A_424 {add = true} : memref<1024xf32, #tpu.memory_space<vmem>>[vector<16xi32>], vector<16xf32>,
              %while3A_432 = arith.constant 0 : i32
              scf.yield %while3A_432 : i32
            }
            %while3A_376 = arith.constant 1 : i32
            %while3A_377 = scf.for %while3A_378 = %while3A_373 to %while3A_369 step %while3A_376 iter_args(%while3A_379 = %while3A_375) -> (i32)  : i32 {
              %broadcast_in_dim3A_380 = arith.constant 0 : i32
              %broadcast_in_dim3A_381 = vector.broadcast %broadcast_in_dim3A_380 : i32 to vector<16xi32>
              %add3A_382 = vector.broadcast %while3A_378 : i32 to vector<16xi32>
              %add3A_383 = arith.addi %broadcast_in_dim3A_381, %add3A_382 : vector<16xi32>
              %gather3A = tpu.vector_load_idx %arg11[%add3A_383] : memref<16xi32, #tpu.memory_space<vmem>>[vector<16xi32>], vector<16xi32>,
              %and3A_384 = arith.constant 511 : i32
              %and3A_385 = vector.broadcast %and3A_384 : i32 to vector<16xi32>
              %and3A_386 = arith.andi %gather3A, %and3A_385 : vector<16xi32>
              %gather3A_387 = tpu.vector_load_idx %arg12[%add3A_383] : memref<16xi32, #tpu.memory_space<vmem>>[vector<16xi32>], vector<16xi32>,
              %add3A_388 = arith.constant 0 : i32
              %add3A_389 = vector.broadcast %add3A_388 : i32 to vector<16xi32>
              %add3A_390 = arith.addi %iota3A, %add3A_389 : vector<16xi32>
              %gather3A_391 = tpu.vector_load_idx %arg8[%add3A_390, %and3A_386] : memref<64x512xf32, #tpu.memory_space<vmem>>[vector<16xi32>, vector<16xi32>], vector<16xf32>,
              %mul3A_392 = arith.constant 64 : i32
              %mul3A_393 = vector.broadcast %mul3A_392 : i32 to vector<16xi32>
              %mul3A_394 = arith.muli %gather3A_387, %mul3A_393 : vector<16xi32>
              %add3A_395 = arith.constant 0 : i32
              %add3A_396 = vector.broadcast %add3A_395 : i32 to vector<16xi32>
              %add3A_397 = arith.addi %mul3A_394, %add3A_396 : vector<16xi32>
              %add3A_398 = arith.addi %add3A_397, %iota3A : vector<16xi32>
              tpu.vector_store_idx %arg10[%add3A_398], %gather3A_391 {add = true} : memref<1024xf32, #tpu.memory_space<vmem>>[vector<16xi32>], vector<16xf32>,
              %add3A_399 = arith.constant 16 : i32
              %add3A_400 = vector.broadcast %add3A_399 : i32 to vector<16xi32>
              %add3A_401 = arith.addi %iota3A, %add3A_400 : vector<16xi32>
              %gather3A_402 = tpu.vector_load_idx %arg8[%add3A_401, %and3A_386] : memref<64x512xf32, #tpu.memory_space<vmem>>[vector<16xi32>, vector<16xi32>], vector<16xf32>,
              %mul3A_403 = arith.constant 64 : i32
              %mul3A_404 = vector.broadcast %mul3A_403 : i32 to vector<16xi32>
              %mul3A_405 = arith.muli %gather3A_387, %mul3A_404 : vector<16xi32>
              %add3A_406 = arith.constant 16 : i32
              %add3A_407 = vector.broadcast %add3A_406 : i32 to vector<16xi32>
              %add3A_408 = arith.addi %mul3A_405, %add3A_407 : vector<16xi32>
              %add3A_409 = arith.addi %add3A_408, %iota3A : vector<16xi32>
              tpu.vector_store_idx %arg10[%add3A_409], %gather3A_402 {add = true} : memref<1024xf32, #tpu.memory_space<vmem>>[vector<16xi32>], vector<16xf32>,
              %add3A_410 = arith.constant 32 : i32
              %add3A_411 = vector.broadcast %add3A_410 : i32 to vector<16xi32>
              %add3A_412 = arith.addi %iota3A, %add3A_411 : vector<16xi32>
              %gather3A_413 = tpu.vector_load_idx %arg8[%add3A_412, %and3A_386] : memref<64x512xf32, #tpu.memory_space<vmem>>[vector<16xi32>, vector<16xi32>], vector<16xf32>,
              %mul3A_414 = arith.constant 64 : i32
              %mul3A_415 = vector.broadcast %mul3A_414 : i32 to vector<16xi32>
              %mul3A_416 = arith.muli %gather3A_387, %mul3A_415 : vector<16xi32>
              %add3A_417 = arith.constant 32 : i32
              %add3A_418 = vector.broadcast %add3A_417 : i32 to vector<16xi32>
              %add3A_419 = arith.addi %mul3A_416, %add3A_418 : vector<16xi32>
              %add3A_420 = arith.addi %add3A_419, %iota3A : vector<16xi32>
              tpu.vector_store_idx %arg10[%add3A_420], %gather3A_413 {add = true} : memref<1024xf32, #tpu.memory_space<vmem>>[vector<16xi32>], vector<16xf32>,
              %add3A_421 = arith.constant 48 : i32
              %add3A_422 = vector.broadcast %add3A_421 : i32 to vector<16xi32>
              %add3A_423 = arith.addi %iota3A, %add3A_422 : vector<16xi32>
              %gather3A_424 = tpu.vector_load_idx %arg8[%add3A_423, %and3A_386] : memref<64x512xf32, #tpu.memory_space<vmem>>[vector<16xi32>, vector<16xi32>], vector<16xf32>,
              %mul3A_425 = arith.constant 64 : i32
              %mul3A_426 = vector.broadcast %mul3A_425 : i32 to vector<16xi32>
              %mul3A_427 = arith.muli %gather3A_387, %mul3A_426 : vector<16xi32>
              %add3A_428 = arith.constant 48 : i32
              %add3A_429 = vector.broadcast %add3A_428 : i32 to vector<16xi32>
              %add3A_430 = arith.addi %mul3A_427, %add3A_429 : vector<16xi32>
              %add3A_431 = arith.addi %add3A_430, %iota3A : vector<16xi32>
              tpu.vector_store_idx %arg10[%add3A_431], %gather3A_424 {add = true} : memref<1024xf32, #tpu.memory_space<vmem>>[vector<16xi32>], vector<16xf32>,
              %while3A_432 = arith.constant 0 : i32
              scf.yield %while3A_432 : i32
            }
          } else {
          }
          %while3A_358 = arith.constant 0 : i32
          scf.yield %while3A_358 : i32
        }
        %while3A_329 = arith.constant 1 : i32
        %while3A_330 = scf.for %while3A_331 = %while3A_326 to %while3A_322 step %while3A_329 iter_args(%while3A_332 = %while3A_328) -> (i32)  : i32 {
          %mul3A_333 = arith.constant 16 : i32
          %mul3A_334 = arith.muli %while3A_331, %mul3A_333 : i32
          %get3A = arith.index_cast %mul3A_334 : i32 to index
          %get3A_335 = tpu.vector_load %arg6[%get3A] {strides = array<i32>} : memref<16400xi32, #tpu.memory_space<vmem>>, vector<16xi32>,
          %and3A_336 = arith.constant 1048575 : i32
          %and3A_337 = vector.broadcast %and3A_336 : i32 to vector<16xi32>
          %and3A_338 = arith.andi %get3A_335, %and3A_337 : vector<16xi32>
          %mul3A_339 = arith.constant 16 : i32
          %mul3A_340 = arith.muli %while3A_331, %mul3A_339 : i32
          %add3A_341 = vector.broadcast %mul3A_340 : i32 to vector<16xi32>
          %add3A_342 = arith.addi %iota3A, %add3A_341 : vector<16xi32>
          %lt3A_343 = vector.broadcast %scan3A_29 : i32 to vector<16xi32>
          %lt3A_344 = arith.cmpi slt, %add3A_342, %lt3A_343 : vector<16xi32>
          %shift_right_arithmetic3A = arith.constant 9 : i32
          %shift_right_arithmetic3A_345 = vector.broadcast %shift_right_arithmetic3A : i32 to vector<16xi32>
          %shift_right_arithmetic3A_346 = arith.shrsi %and3A_338, %shift_right_arithmetic3A_345 : vector<16xi32>
          %eq3A_347 = vector.broadcast %add3A_252 : i32 to vector<16xi32>
          %eq3A_348 = arith.cmpi eq, %shift_right_arithmetic3A_346, %eq3A_347 : vector<16xi32>
          %and3A_349 = arith.andi %eq3A_348, %lt3A_344 : vector<16xi1>
          %convert_element_type3A_350 = arith.extui %and3A_349 : vector<16xi1> to vector<16xi32>
          %reduce_sum3A = arith.constant true
          %reduce_sum3A_351 = vector.broadcast %reduce_sum3A : i1 to vector<16xi1>
          %reduce_sum3A_352 = tpu.scan <sum>, %convert_element_type3A_350 masked %reduce_sum3A_351 : vector<16xi32>, vector<16xi1> -> vector<16xi32>
          %reduce_sum3A_353 = vector.extract %reduce_sum3A_352[15] : i32 from vector<16xi32>
          %gt3A = arith.constant 0 : i32
          %gt3A_354 = arith.cmpi sgt, %reduce_sum3A_353, %gt3A : i32
          %convert_element_type3A_355 = arith.extui %gt3A_354 : i1 to i32
          %cond3A_356 = arith.constant 0 : i32
          %cond3A_357 = arith.cmpi ne, %convert_element_type3A_355, %cond3A_356 : i32
          scf.if %cond3A_357 {
            %swap3A_359 = arith.constant 0 : index
            %swap3A_360 = tpu.vector_load %arg11[%swap3A_359] masked %and3A_349 {strides = array<i32>} : memref<16xi32, #tpu.memory_space<vmem>>, vector<16xi32>, vector<16xi1>
            tpu.vector_store %arg11[%swap3A_359], %and3A_338 masked %and3A_349 {strides = array<i32>} : memref<16xi32, #tpu.memory_space<vmem>>, vector<16xi32>, vector<16xi1>
            %shift_right_arithmetic3A_361 = arith.constant 20 : i32
            %shift_right_arithmetic3A_362 = vector.broadcast %shift_right_arithmetic3A_361 : i32 to vector<16xi32>
            %shift_right_arithmetic3A_363 = arith.shrsi %get3A_335, %shift_right_arithmetic3A_362 : vector<16xi32>
            %swap3A_364 = arith.constant 0 : index
            %swap3A_365 = tpu.vector_load %arg12[%swap3A_364] masked %and3A_349 {strides = array<i32>} : memref<16xi32, #tpu.memory_space<vmem>>, vector<16xi32>, vector<16xi1>
            tpu.vector_store %arg12[%swap3A_364], %shift_right_arithmetic3A_363 masked %and3A_349 {strides = array<i32>} : memref<16xi32, #tpu.memory_space<vmem>>, vector<16xi32>, vector<16xi1>
            %while3A_366 = arith.constant 0 : i32
            %while3A_367 = arith.constant 0 : i32
            %while3A_368 = arith.subi %reduce_sum3A_353, %while3A_366 : i32
            %while3A_369 = arith.addi %while3A_366, %while3A_368 : i32
            %while3A_370 = arith.constant 1 : i32
            %while3A_371 = arith.divsi %while3A_368, %while3A_370 : i32
            %while3A_372 = arith.muli %while3A_371, %while3A_370 : i32
            %while3A_373 = arith.addi %while3A_366, %while3A_372 : i32
            %while3A_374 = arith.constant 1 : i32
            %while3A_375 = scf.for %while3A_378 = %while3A_366 to %while3A_373 step %while3A_374 iter_args(%while3A_379 = %while3A_367) -> (i32)  : i32 {
              %broadcast_in_dim3A_380 = arith.constant 0 : i32
              %broadcast_in_dim3A_381 = vector.broadcast %broadcast_in_dim3A_380 : i32 to vector<16xi32>
              %add3A_382 = vector.broadcast %while3A_378 : i32 to vector<16xi32>
              %add3A_383 = arith.addi %broadcast_in_dim3A_381, %add3A_382 : vector<16xi32>
              %gather3A = tpu.vector_load_idx %arg11[%add3A_383] : memref<16xi32, #tpu.memory_space<vmem>>[vector<16xi32>], vector<16xi32>,
              %and3A_384 = arith.constant 511 : i32
              %and3A_385 = vector.broadcast %and3A_384 : i32 to vector<16xi32>
              %and3A_386 = arith.andi %gather3A, %and3A_385 : vector<16xi32>
              %gather3A_387 = tpu.vector_load_idx %arg12[%add3A_383] : memref<16xi32, #tpu.memory_space<vmem>>[vector<16xi32>], vector<16xi32>,
              %add3A_388 = arith.constant 0 : i32
              %add3A_389 = vector.broadcast %add3A_388 : i32 to vector<16xi32>
              %add3A_390 = arith.addi %iota3A, %add3A_389 : vector<16xi32>
              %gather3A_391 = tpu.vector_load_idx %arg8[%add3A_390, %and3A_386] : memref<64x512xf32, #tpu.memory_space<vmem>>[vector<16xi32>, vector<16xi32>], vector<16xf32>,
              %mul3A_392 = arith.constant 64 : i32
              %mul3A_393 = vector.broadcast %mul3A_392 : i32 to vector<16xi32>
              %mul3A_394 = arith.muli %gather3A_387, %mul3A_393 : vector<16xi32>
              %add3A_395 = arith.constant 0 : i32
              %add3A_396 = vector.broadcast %add3A_395 : i32 to vector<16xi32>
              %add3A_397 = arith.addi %mul3A_394, %add3A_396 : vector<16xi32>
              %add3A_398 = arith.addi %add3A_397, %iota3A : vector<16xi32>
              tpu.vector_store_idx %arg10[%add3A_398], %gather3A_391 {add = true} : memref<1024xf32, #tpu.memory_space<vmem>>[vector<16xi32>], vector<16xf32>,
              %add3A_399 = arith.constant 16 : i32
              %add3A_400 = vector.broadcast %add3A_399 : i32 to vector<16xi32>
              %add3A_401 = arith.addi %iota3A, %add3A_400 : vector<16xi32>
              %gather3A_402 = tpu.vector_load_idx %arg8[%add3A_401, %and3A_386] : memref<64x512xf32, #tpu.memory_space<vmem>>[vector<16xi32>, vector<16xi32>], vector<16xf32>,
              %mul3A_403 = arith.constant 64 : i32
              %mul3A_404 = vector.broadcast %mul3A_403 : i32 to vector<16xi32>
              %mul3A_405 = arith.muli %gather3A_387, %mul3A_404 : vector<16xi32>
              %add3A_406 = arith.constant 16 : i32
              %add3A_407 = vector.broadcast %add3A_406 : i32 to vector<16xi32>
              %add3A_408 = arith.addi %mul3A_405, %add3A_407 : vector<16xi32>
              %add3A_409 = arith.addi %add3A_408, %iota3A : vector<16xi32>
              tpu.vector_store_idx %arg10[%add3A_409], %gather3A_402 {add = true} : memref<1024xf32, #tpu.memory_space<vmem>>[vector<16xi32>], vector<16xf32>,
              %add3A_410 = arith.constant 32 : i32
              %add3A_411 = vector.broadcast %add3A_410 : i32 to vector<16xi32>
              %add3A_412 = arith.addi %iota3A, %add3A_411 : vector<16xi32>
              %gather3A_413 = tpu.vector_load_idx %arg8[%add3A_412, %and3A_386] : memref<64x512xf32, #tpu.memory_space<vmem>>[vector<16xi32>, vector<16xi32>], vector<16xf32>,
              %mul3A_414 = arith.constant 64 : i32
              %mul3A_415 = vector.broadcast %mul3A_414 : i32 to vector<16xi32>
              %mul3A_416 = arith.muli %gather3A_387, %mul3A_415 : vector<16xi32>
              %add3A_417 = arith.constant 32 : i32
              %add3A_418 = vector.broadcast %add3A_417 : i32 to vector<16xi32>
              %add3A_419 = arith.addi %mul3A_416, %add3A_418 : vector<16xi32>
              %add3A_420 = arith.addi %add3A_419, %iota3A : vector<16xi32>
              tpu.vector_store_idx %arg10[%add3A_420], %gather3A_413 {add = true} : memref<1024xf32, #tpu.memory_space<vmem>>[vector<16xi32>], vector<16xf32>,
              %add3A_421 = arith.constant 48 : i32
              %add3A_422 = vector.broadcast %add3A_421 : i32 to vector<16xi32>
              %add3A_423 = arith.addi %iota3A, %add3A_422 : vector<16xi32>
              %gather3A_424 = tpu.vector_load_idx %arg8[%add3A_423, %and3A_386] : memref<64x512xf32, #tpu.memory_space<vmem>>[vector<16xi32>, vector<16xi32>], vector<16xf32>,
              %mul3A_425 = arith.constant 64 : i32
              %mul3A_426 = vector.broadcast %mul3A_425 : i32 to vector<16xi32>
              %mul3A_427 = arith.muli %gather3A_387, %mul3A_426 : vector<16xi32>
              %add3A_428 = arith.constant 48 : i32
              %add3A_429 = vector.broadcast %add3A_428 : i32 to vector<16xi32>
              %add3A_430 = arith.addi %mul3A_427, %add3A_429 : vector<16xi32>
              %add3A_431 = arith.addi %add3A_430, %iota3A : vector<16xi32>
              tpu.vector_store_idx %arg10[%add3A_431], %gather3A_424 {add = true} : memref<1024xf32, #tpu.memory_space<vmem>>[vector<16xi32>], vector<16xf32>,
              %while3A_432 = arith.constant 0 : i32
              scf.yield %while3A_432 : i32
            }
            %while3A_376 = arith.constant 1 : i32
            %while3A_377 = scf.for %while3A_378 = %while3A_373 to %while3A_369 step %while3A_376 iter_args(%while3A_379 = %while3A_375) -> (i32)  : i32 {
              %broadcast_in_dim3A_380 = arith.constant 0 : i32
              %broadcast_in_dim3A_381 = vector.broadcast %broadcast_in_dim3A_380 : i32 to vector<16xi32>
              %add3A_382 = vector.broadcast %while3A_378 : i32 to vector<16xi32>
              %add3A_383 = arith.addi %broadcast_in_dim3A_381, %add3A_382 : vector<16xi32>
              %gather3A = tpu.vector_load_idx %arg11[%add3A_383] : memref<16xi32, #tpu.memory_space<vmem>>[vector<16xi32>], vector<16xi32>,
              %and3A_384 = arith.constant 511 : i32
              %and3A_385 = vector.broadcast %and3A_384 : i32 to vector<16xi32>
              %and3A_386 = arith.andi %gather3A, %and3A_385 : vector<16xi32>
              %gather3A_387 = tpu.vector_load_idx %arg12[%add3A_383] : memref<16xi32, #tpu.memory_space<vmem>>[vector<16xi32>], vector<16xi32>,
              %add3A_388 = arith.constant 0 : i32
              %add3A_389 = vector.broadcast %add3A_388 : i32 to vector<16xi32>
              %add3A_390 = arith.addi %iota3A, %add3A_389 : vector<16xi32>
              %gather3A_391 = tpu.vector_load_idx %arg8[%add3A_390, %and3A_386] : memref<64x512xf32, #tpu.memory_space<vmem>>[vector<16xi32>, vector<16xi32>], vector<16xf32>,
              %mul3A_392 = arith.constant 64 : i32
              %mul3A_393 = vector.broadcast %mul3A_392 : i32 to vector<16xi32>
              %mul3A_394 = arith.muli %gather3A_387, %mul3A_393 : vector<16xi32>
              %add3A_395 = arith.constant 0 : i32
              %add3A_396 = vector.broadcast %add3A_395 : i32 to vector<16xi32>
              %add3A_397 = arith.addi %mul3A_394, %add3A_396 : vector<16xi32>
              %add3A_398 = arith.addi %add3A_397, %iota3A : vector<16xi32>
              tpu.vector_store_idx %arg10[%add3A_398], %gather3A_391 {add = true} : memref<1024xf32, #tpu.memory_space<vmem>>[vector<16xi32>], vector<16xf32>,
              %add3A_399 = arith.constant 16 : i32
              %add3A_400 = vector.broadcast %add3A_399 : i32 to vector<16xi32>
              %add3A_401 = arith.addi %iota3A, %add3A_400 : vector<16xi32>
              %gather3A_402 = tpu.vector_load_idx %arg8[%add3A_401, %and3A_386] : memref<64x512xf32, #tpu.memory_space<vmem>>[vector<16xi32>, vector<16xi32>], vector<16xf32>,
              %mul3A_403 = arith.constant 64 : i32
              %mul3A_404 = vector.broadcast %mul3A_403 : i32 to vector<16xi32>
              %mul3A_405 = arith.muli %gather3A_387, %mul3A_404 : vector<16xi32>
              %add3A_406 = arith.constant 16 : i32
              %add3A_407 = vector.broadcast %add3A_406 : i32 to vector<16xi32>
              %add3A_408 = arith.addi %mul3A_405, %add3A_407 : vector<16xi32>
              %add3A_409 = arith.addi %add3A_408, %iota3A : vector<16xi32>
              tpu.vector_store_idx %arg10[%add3A_409], %gather3A_402 {add = true} : memref<1024xf32, #tpu.memory_space<vmem>>[vector<16xi32>], vector<16xf32>,
              %add3A_410 = arith.constant 32 : i32
              %add3A_411 = vector.broadcast %add3A_410 : i32 to vector<16xi32>
              %add3A_412 = arith.addi %iota3A, %add3A_411 : vector<16xi32>
              %gather3A_413 = tpu.vector_load_idx %arg8[%add3A_412, %and3A_386] : memref<64x512xf32, #tpu.memory_space<vmem>>[vector<16xi32>, vector<16xi32>], vector<16xf32>,
              %mul3A_414 = arith.constant 64 : i32
              %mul3A_415 = vector.broadcast %mul3A_414 : i32 to vector<16xi32>
              %mul3A_416 = arith.muli %gather3A_387, %mul3A_415 : vector<16xi32>
              %add3A_417 = arith.constant 32 : i32
              %add3A_418 = vector.broadcast %add3A_417 : i32 to vector<16xi32>
              %add3A_419 = arith.addi %mul3A_416, %add3A_418 : vector<16xi32>
              %add3A_420 = arith.addi %add3A_419, %iota3A : vector<16xi32>
              tpu.vector_store_idx %arg10[%add3A_420], %gather3A_413 {add = true} : memref<1024xf32, #tpu.memory_space<vmem>>[vector<16xi32>], vector<16xf32>,
              %add3A_421 = arith.constant 48 : i32
              %add3A_422 = vector.broadcast %add3A_421 : i32 to vector<16xi32>
              %add3A_423 = arith.addi %iota3A, %add3A_422 : vector<16xi32>
              %gather3A_424 = tpu.vector_load_idx %arg8[%add3A_423, %and3A_386] : memref<64x512xf32, #tpu.memory_space<vmem>>[vector<16xi32>, vector<16xi32>], vector<16xf32>,
              %mul3A_425 = arith.constant 64 : i32
              %mul3A_426 = vector.broadcast %mul3A_425 : i32 to vector<16xi32>
              %mul3A_427 = arith.muli %gather3A_387, %mul3A_426 : vector<16xi32>
              %add3A_428 = arith.constant 48 : i32
              %add3A_429 = vector.broadcast %add3A_428 : i32 to vector<16xi32>
              %add3A_430 = arith.addi %mul3A_427, %add3A_429 : vector<16xi32>
              %add3A_431 = arith.addi %add3A_430, %iota3A : vector<16xi32>
              tpu.vector_store_idx %arg10[%add3A_431], %gather3A_424 {add = true} : memref<1024xf32, #tpu.memory_space<vmem>>[vector<16xi32>], vector<16xf32>,
              %while3A_432 = arith.constant 0 : i32
              scf.yield %while3A_432 : i32
            }
          } else {
          }
          %while3A_358 = arith.constant 0 : i32
          scf.yield %while3A_358 : i32
        }
      } else {
      }
      %mul3A_258 = arith.constant 3 : i32
      %mul3A_259 = arith.muli %scan3A_170, %mul3A_258 : i32
      %add3A_260 = arith.constant 2 : i32
      %add3A_261 = arith.addi %mul3A_259, %add3A_260 : i32
      %mul3A_262 = arith.constant 32 : i32
      %mul3A_263 = arith.muli %mul3A_262, %add3A_261 : i32
      %add3A_264 = arith.addi %add3A, %mul3A_263 : i32
      %mul3A_265 = arith.constant 512 : i32
      %mul3A_266 = arith.muli %add3A_264, %mul3A_265 : i32
      %lt3A_267 = arith.constant 1953 : i32
      %lt3A_268 = arith.cmpi slt, %add3A_264, %lt3A_267 : i32
      %convert_element_type3A_269 = arith.extui %lt3A_268 : i1 to i32
      %cond3A_270 = arith.constant 0 : i32
      %cond3A_271 = arith.cmpi ne, %convert_element_type3A_269, %cond3A_270 : i32
      scf.if %cond3A_271 {
        %dma_wait3A = arith.constant 0 : i32
        %dma_wait3A_302 = tpu.memref_slice %arg3[%dma_wait3A, %mul3A_266] : memref<64x1000000xf32, #tpu.memory_space<hbm>> -> memref<64x512xf32, #tpu.memory_space<hbm>>
        %dma_wait3A_303 = arith.constant 0 : i32
        %dma_wait3A_304 = tpu.memref_slice %arg3[%dma_wait3A_303, %mul3A_266] : memref<64x1000000xf32, #tpu.memory_space<hbm>> -> memref<64x512xf32, #tpu.memory_space<hbm>>
        tpu.wait_dma2 semaphore(%arg18 : memref<!tpu.dma_semaphore, #tpu.memory_space<semaphore_mem>>) src(%dma_wait3A_304 : memref<64x512xf32, #tpu.memory_space<hbm>>) dst(%arg9 : memref<64x512xf32, #tpu.memory_space<vmem>>)
      } else {
      }
      %eq3A_272 = arith.constant 1953 : i32
      %eq3A_273 = arith.cmpi eq, %add3A_264, %eq3A_272 : i32
      %convert_element_type3A_274 = arith.extui %eq3A_273 : i1 to i32
      %cond3A_275 = arith.constant 0 : i32
      %cond3A_276 = arith.cmpi ne, %convert_element_type3A_274, %cond3A_275 : i32
      scf.if %cond3A_276 {
        %dma_wait3A = arith.constant 0 : i32
        %dma_wait3A_302 = arith.constant 0 : i32
        %dma_wait3A_303 = tpu.memref_slice %arg9[%dma_wait3A, %dma_wait3A_302] : memref<64x512xf32, #tpu.memory_space<vmem>> -> memref<64x128xf32, #tpu.memory_space<vmem>>
        %dma_wait3A_304 = arith.constant 0 : i32
        %dma_wait3A_305 = arith.constant 0 : i32
        %dma_wait3A_306 = tpu.memref_slice %arg9[%dma_wait3A_304, %dma_wait3A_305] : memref<64x512xf32, #tpu.memory_space<vmem>> -> memref<64x128xf32, #tpu.memory_space<vmem>>
        tpu.wait_dma2 semaphore(%arg18 : memref<!tpu.dma_semaphore, #tpu.memory_space<semaphore_mem>>) src(%arg4 : memref<64x128xf32, #tpu.memory_space<hbm>>) dst(%dma_wait3A_306 : memref<64x128xf32, #tpu.memory_space<vmem>>)
      } else {
      }
      %add3A_277 = arith.constant 2 : i32
      %add3A_278 = arith.addi %add3A_261, %add3A_277 : i32
      %mul3A_279 = arith.constant 32 : i32
      %mul3A_280 = arith.muli %mul3A_279, %add3A_278 : i32
      %add3A_281 = arith.addi %add3A, %mul3A_280 : i32
      %mul3A_282 = arith.constant 512 : i32
      %mul3A_283 = arith.muli %add3A_281, %mul3A_282 : i32
      %lt3A_284 = arith.constant 1953 : i32
      %lt3A_285 = arith.cmpi slt, %add3A_281, %lt3A_284 : i32
      %convert_element_type3A_286 = arith.extui %lt3A_285 : i1 to i32
      %cond3A_287 = arith.constant 0 : i32
      %cond3A_288 = arith.cmpi ne, %convert_element_type3A_286, %cond3A_287 : i32
      scf.if %cond3A_288 {
        %dma_start3A = arith.constant 0 : i32
        %dma_start3A_302 = tpu.memref_slice %arg3[%dma_start3A, %mul3A_283] : memref<64x1000000xf32, #tpu.memory_space<hbm>> -> memref<64x512xf32, #tpu.memory_space<hbm>>
        %dma_start3A_303 = arith.constant 0 : i32
        %dma_start3A_304 = tpu.memref_slice %arg3[%dma_start3A_303, %mul3A_283] : memref<64x1000000xf32, #tpu.memory_space<hbm>> -> memref<64x512xf32, #tpu.memory_space<hbm>>
        tpu.enqueue_dma source(%dma_start3A_304 : memref<64x512xf32, #tpu.memory_space<hbm>>) target(%arg8 : memref<64x512xf32, #tpu.memory_space<vmem>>) target_semaphore(%arg17 : memref<!tpu.dma_semaphore, #tpu.memory_space<semaphore_mem>>)
      } else {
      }
      %eq3A_289 = arith.constant 1953 : i32
      %eq3A_290 = arith.cmpi eq, %add3A_281, %eq3A_289 : i32
      %convert_element_type3A_291 = arith.extui %eq3A_290 : i1 to i32
      %cond3A_292 = arith.constant 0 : i32
      %cond3A_293 = arith.cmpi ne, %convert_element_type3A_291, %cond3A_292 : i32
      scf.if %cond3A_293 {
        %dma_start3A = arith.constant 0 : i32
        %dma_start3A_302 = arith.constant 0 : i32
        %dma_start3A_303 = tpu.memref_slice %arg8[%dma_start3A, %dma_start3A_302] : memref<64x512xf32, #tpu.memory_space<vmem>> -> memref<64x128xf32, #tpu.memory_space<vmem>>
        %dma_start3A_304 = arith.constant 0 : i32
        %dma_start3A_305 = arith.constant 0 : i32
        %dma_start3A_306 = tpu.memref_slice %arg8[%dma_start3A_304, %dma_start3A_305] : memref<64x512xf32, #tpu.memory_space<vmem>> -> memref<64x128xf32, #tpu.memory_space<vmem>>
        tpu.enqueue_dma source(%arg4 : memref<64x128xf32, #tpu.memory_space<hbm>>) target(%dma_start3A_306 : memref<64x128xf32, #tpu.memory_space<vmem>>) target_semaphore(%arg17 : memref<!tpu.dma_semaphore, #tpu.memory_space<semaphore_mem>>)
      } else {
      }
      %mul3A_294 = arith.constant 32 : i32
      %mul3A_295 = arith.muli %mul3A_294, %add3A_261 : i32
      %add3A_296 = arith.addi %add3A, %mul3A_295 : i32
      %le3A_297 = arith.constant 1953 : i32
      %le3A_298 = arith.cmpi sle, %add3A_296, %le3A_297 : i32
      %convert_element_type3A_299 = arith.extui %le3A_298 : i1 to i32
      %cond3A_300 = arith.constant 0 : i32
      %cond3A_301 = arith.cmpi ne, %convert_element_type3A_299, %cond3A_300 : i32
      scf.if %cond3A_301 {
        %add3A_302 = arith.constant 15 : i32
        %add3A_303 = arith.addi %scan3A_29, %add3A_302 : i32
        %jit3A = arith.constant 16 : i32
        %div3A = arith.divsi %add3A_303, %jit3A : i32
        %sign3A = arith.constant 0 : i32
        %sign3A_304 = arith.cmpi sgt, %add3A_303, %sign3A : i32
        %sign3A_305 = arith.extui %sign3A_304 : i1 to i32
        %sign3A_306 = arith.constant 0 : i32
        %sign3A_307 = arith.cmpi slt, %add3A_303, %sign3A_306 : i32
        %sign3A_308 = arith.extui %sign3A_307 : i1 to i32
        %sign3A_309 = arith.subi %sign3A_305, %sign3A_308 : i32
        %sign3A_310 = arith.constant 0 : i32
        %sign3A_311 = arith.cmpi sgt, %jit3A, %sign3A_310 : i32
        %sign3A_312 = arith.extui %sign3A_311 : i1 to i32
        %sign3A_313 = arith.constant 0 : i32
        %sign3A_314 = arith.cmpi slt, %jit3A, %sign3A_313 : i32
        %sign3A_315 = arith.extui %sign3A_314 : i1 to i32
        %sign3A_316 = arith.subi %sign3A_312, %sign3A_315 : i32
        %ne3A = arith.cmpi ne, %sign3A_309, %sign3A_316 : i32
        %rem3A = arith.remsi %add3A_303, %jit3A : i32
        %ne3A_317 = arith.constant 0 : i32
        %ne3A_318 = arith.cmpi ne, %rem3A, %ne3A_317 : i32
        %and3A = arith.andi %ne3A, %ne3A_318 : i1
        %sub3A = arith.constant 1 : i32
        %sub3A_319 = arith.subi %div3A, %sub3A : i32
        %select_n3A = arith.select %and3A, %sub3A_319, %div3A : i32
        %while3A = arith.constant 0 : i32
        %while3A_320 = arith.constant 0 : i32
        %while3A_321 = arith.subi %select_n3A, %while3A : i32
        %while3A_322 = arith.addi %while3A, %while3A_321 : i32
        %while3A_323 = arith.constant 1 : i32
        %while3A_324 = arith.divsi %while3A_321, %while3A_323 : i32
        %while3A_325 = arith.muli %while3A_324, %while3A_323 : i32
        %while3A_326 = arith.addi %while3A, %while3A_325 : i32
        %while3A_327 = arith.constant 1 : i32
        %while3A_328 = scf.for %while3A_331 = %while3A to %while3A_326 step %while3A_327 iter_args(%while3A_332 = %while3A_320) -> (i32)  : i32 {
          %mul3A_333 = arith.constant 16 : i32
          %mul3A_334 = arith.muli %while3A_331, %mul3A_333 : i32
          %get3A = arith.index_cast %mul3A_334 : i32 to index
          %get3A_335 = tpu.vector_load %arg6[%get3A] {strides = array<i32>} : memref<16400xi32, #tpu.memory_space<vmem>>, vector<16xi32>,
          %and3A_336 = arith.constant 1048575 : i32
          %and3A_337 = vector.broadcast %and3A_336 : i32 to vector<16xi32>
          %and3A_338 = arith.andi %get3A_335, %and3A_337 : vector<16xi32>
          %mul3A_339 = arith.constant 16 : i32
          %mul3A_340 = arith.muli %while3A_331, %mul3A_339 : i32
          %add3A_341 = vector.broadcast %mul3A_340 : i32 to vector<16xi32>
          %add3A_342 = arith.addi %iota3A, %add3A_341 : vector<16xi32>
          %lt3A_343 = vector.broadcast %scan3A_29 : i32 to vector<16xi32>
          %lt3A_344 = arith.cmpi slt, %add3A_342, %lt3A_343 : vector<16xi32>
          %shift_right_arithmetic3A = arith.constant 9 : i32
          %shift_right_arithmetic3A_345 = vector.broadcast %shift_right_arithmetic3A : i32 to vector<16xi32>
          %shift_right_arithmetic3A_346 = arith.shrsi %and3A_338, %shift_right_arithmetic3A_345 : vector<16xi32>
          %eq3A_347 = vector.broadcast %add3A_296 : i32 to vector<16xi32>
          %eq3A_348 = arith.cmpi eq, %shift_right_arithmetic3A_346, %eq3A_347 : vector<16xi32>
          %and3A_349 = arith.andi %eq3A_348, %lt3A_344 : vector<16xi1>
          %convert_element_type3A_350 = arith.extui %and3A_349 : vector<16xi1> to vector<16xi32>
          %reduce_sum3A = arith.constant true
          %reduce_sum3A_351 = vector.broadcast %reduce_sum3A : i1 to vector<16xi1>
          %reduce_sum3A_352 = tpu.scan <sum>, %convert_element_type3A_350 masked %reduce_sum3A_351 : vector<16xi32>, vector<16xi1> -> vector<16xi32>
          %reduce_sum3A_353 = vector.extract %reduce_sum3A_352[15] : i32 from vector<16xi32>
          %gt3A = arith.constant 0 : i32
          %gt3A_354 = arith.cmpi sgt, %reduce_sum3A_353, %gt3A : i32
          %convert_element_type3A_355 = arith.extui %gt3A_354 : i1 to i32
          %cond3A_356 = arith.constant 0 : i32
          %cond3A_357 = arith.cmpi ne, %convert_element_type3A_355, %cond3A_356 : i32
          scf.if %cond3A_357 {
            %swap3A_359 = arith.constant 0 : index
            %swap3A_360 = tpu.vector_load %arg11[%swap3A_359] masked %and3A_349 {strides = array<i32>} : memref<16xi32, #tpu.memory_space<vmem>>, vector<16xi32>, vector<16xi1>
            tpu.vector_store %arg11[%swap3A_359], %and3A_338 masked %and3A_349 {strides = array<i32>} : memref<16xi32, #tpu.memory_space<vmem>>, vector<16xi32>, vector<16xi1>
            %shift_right_arithmetic3A_361 = arith.constant 20 : i32
            %shift_right_arithmetic3A_362 = vector.broadcast %shift_right_arithmetic3A_361 : i32 to vector<16xi32>
            %shift_right_arithmetic3A_363 = arith.shrsi %get3A_335, %shift_right_arithmetic3A_362 : vector<16xi32>
            %swap3A_364 = arith.constant 0 : index
            %swap3A_365 = tpu.vector_load %arg12[%swap3A_364] masked %and3A_349 {strides = array<i32>} : memref<16xi32, #tpu.memory_space<vmem>>, vector<16xi32>, vector<16xi1>
            tpu.vector_store %arg12[%swap3A_364], %shift_right_arithmetic3A_363 masked %and3A_349 {strides = array<i32>} : memref<16xi32, #tpu.memory_space<vmem>>, vector<16xi32>, vector<16xi1>
            %while3A_366 = arith.constant 0 : i32
            %while3A_367 = arith.constant 0 : i32
            %while3A_368 = arith.subi %reduce_sum3A_353, %while3A_366 : i32
            %while3A_369 = arith.addi %while3A_366, %while3A_368 : i32
            %while3A_370 = arith.constant 1 : i32
            %while3A_371 = arith.divsi %while3A_368, %while3A_370 : i32
            %while3A_372 = arith.muli %while3A_371, %while3A_370 : i32
            %while3A_373 = arith.addi %while3A_366, %while3A_372 : i32
            %while3A_374 = arith.constant 1 : i32
            %while3A_375 = scf.for %while3A_378 = %while3A_366 to %while3A_373 step %while3A_374 iter_args(%while3A_379 = %while3A_367) -> (i32)  : i32 {
              %broadcast_in_dim3A_380 = arith.constant 0 : i32
              %broadcast_in_dim3A_381 = vector.broadcast %broadcast_in_dim3A_380 : i32 to vector<16xi32>
              %add3A_382 = vector.broadcast %while3A_378 : i32 to vector<16xi32>
              %add3A_383 = arith.addi %broadcast_in_dim3A_381, %add3A_382 : vector<16xi32>
              %gather3A = tpu.vector_load_idx %arg11[%add3A_383] : memref<16xi32, #tpu.memory_space<vmem>>[vector<16xi32>], vector<16xi32>,
              %and3A_384 = arith.constant 511 : i32
              %and3A_385 = vector.broadcast %and3A_384 : i32 to vector<16xi32>
              %and3A_386 = arith.andi %gather3A, %and3A_385 : vector<16xi32>
              %gather3A_387 = tpu.vector_load_idx %arg12[%add3A_383] : memref<16xi32, #tpu.memory_space<vmem>>[vector<16xi32>], vector<16xi32>,
              %add3A_388 = arith.constant 0 : i32
              %add3A_389 = vector.broadcast %add3A_388 : i32 to vector<16xi32>
              %add3A_390 = arith.addi %iota3A, %add3A_389 : vector<16xi32>
              %gather3A_391 = tpu.vector_load_idx %arg9[%add3A_390, %and3A_386] : memref<64x512xf32, #tpu.memory_space<vmem>>[vector<16xi32>, vector<16xi32>], vector<16xf32>,
              %mul3A_392 = arith.constant 64 : i32
              %mul3A_393 = vector.broadcast %mul3A_392 : i32 to vector<16xi32>
              %mul3A_394 = arith.muli %gather3A_387, %mul3A_393 : vector<16xi32>
              %add3A_395 = arith.constant 0 : i32
              %add3A_396 = vector.broadcast %add3A_395 : i32 to vector<16xi32>
              %add3A_397 = arith.addi %mul3A_394, %add3A_396 : vector<16xi32>
              %add3A_398 = arith.addi %add3A_397, %iota3A : vector<16xi32>
              tpu.vector_store_idx %arg10[%add3A_398], %gather3A_391 {add = true} : memref<1024xf32, #tpu.memory_space<vmem>>[vector<16xi32>], vector<16xf32>,
              %add3A_399 = arith.constant 16 : i32
              %add3A_400 = vector.broadcast %add3A_399 : i32 to vector<16xi32>
              %add3A_401 = arith.addi %iota3A, %add3A_400 : vector<16xi32>
              %gather3A_402 = tpu.vector_load_idx %arg9[%add3A_401, %and3A_386] : memref<64x512xf32, #tpu.memory_space<vmem>>[vector<16xi32>, vector<16xi32>], vector<16xf32>,
              %mul3A_403 = arith.constant 64 : i32
              %mul3A_404 = vector.broadcast %mul3A_403 : i32 to vector<16xi32>
              %mul3A_405 = arith.muli %gather3A_387, %mul3A_404 : vector<16xi32>
              %add3A_406 = arith.constant 16 : i32
              %add3A_407 = vector.broadcast %add3A_406 : i32 to vector<16xi32>
              %add3A_408 = arith.addi %mul3A_405, %add3A_407 : vector<16xi32>
              %add3A_409 = arith.addi %add3A_408, %iota3A : vector<16xi32>
              tpu.vector_store_idx %arg10[%add3A_409], %gather3A_402 {add = true} : memref<1024xf32, #tpu.memory_space<vmem>>[vector<16xi32>], vector<16xf32>,
              %add3A_410 = arith.constant 32 : i32
              %add3A_411 = vector.broadcast %add3A_410 : i32 to vector<16xi32>
              %add3A_412 = arith.addi %iota3A, %add3A_411 : vector<16xi32>
              %gather3A_413 = tpu.vector_load_idx %arg9[%add3A_412, %and3A_386] : memref<64x512xf32, #tpu.memory_space<vmem>>[vector<16xi32>, vector<16xi32>], vector<16xf32>,
              %mul3A_414 = arith.constant 64 : i32
              %mul3A_415 = vector.broadcast %mul3A_414 : i32 to vector<16xi32>
              %mul3A_416 = arith.muli %gather3A_387, %mul3A_415 : vector<16xi32>
              %add3A_417 = arith.constant 32 : i32
              %add3A_418 = vector.broadcast %add3A_417 : i32 to vector<16xi32>
              %add3A_419 = arith.addi %mul3A_416, %add3A_418 : vector<16xi32>
              %add3A_420 = arith.addi %add3A_419, %iota3A : vector<16xi32>
              tpu.vector_store_idx %arg10[%add3A_420], %gather3A_413 {add = true} : memref<1024xf32, #tpu.memory_space<vmem>>[vector<16xi32>], vector<16xf32>,
              %add3A_421 = arith.constant 48 : i32
              %add3A_422 = vector.broadcast %add3A_421 : i32 to vector<16xi32>
              %add3A_423 = arith.addi %iota3A, %add3A_422 : vector<16xi32>
              %gather3A_424 = tpu.vector_load_idx %arg9[%add3A_423, %and3A_386] : memref<64x512xf32, #tpu.memory_space<vmem>>[vector<16xi32>, vector<16xi32>], vector<16xf32>,
              %mul3A_425 = arith.constant 64 : i32
              %mul3A_426 = vector.broadcast %mul3A_425 : i32 to vector<16xi32>
              %mul3A_427 = arith.muli %gather3A_387, %mul3A_426 : vector<16xi32>
              %add3A_428 = arith.constant 48 : i32
              %add3A_429 = vector.broadcast %add3A_428 : i32 to vector<16xi32>
              %add3A_430 = arith.addi %mul3A_427, %add3A_429 : vector<16xi32>
              %add3A_431 = arith.addi %add3A_430, %iota3A : vector<16xi32>
              tpu.vector_store_idx %arg10[%add3A_431], %gather3A_424 {add = true} : memref<1024xf32, #tpu.memory_space<vmem>>[vector<16xi32>], vector<16xf32>,
              %while3A_432 = arith.constant 0 : i32
              scf.yield %while3A_432 : i32
            }
            %while3A_376 = arith.constant 1 : i32
            %while3A_377 = scf.for %while3A_378 = %while3A_373 to %while3A_369 step %while3A_376 iter_args(%while3A_379 = %while3A_375) -> (i32)  : i32 {
              %broadcast_in_dim3A_380 = arith.constant 0 : i32
              %broadcast_in_dim3A_381 = vector.broadcast %broadcast_in_dim3A_380 : i32 to vector<16xi32>
              %add3A_382 = vector.broadcast %while3A_378 : i32 to vector<16xi32>
              %add3A_383 = arith.addi %broadcast_in_dim3A_381, %add3A_382 : vector<16xi32>
              %gather3A = tpu.vector_load_idx %arg11[%add3A_383] : memref<16xi32, #tpu.memory_space<vmem>>[vector<16xi32>], vector<16xi32>,
              %and3A_384 = arith.constant 511 : i32
              %and3A_385 = vector.broadcast %and3A_384 : i32 to vector<16xi32>
              %and3A_386 = arith.andi %gather3A, %and3A_385 : vector<16xi32>
              %gather3A_387 = tpu.vector_load_idx %arg12[%add3A_383] : memref<16xi32, #tpu.memory_space<vmem>>[vector<16xi32>], vector<16xi32>,
              %add3A_388 = arith.constant 0 : i32
              %add3A_389 = vector.broadcast %add3A_388 : i32 to vector<16xi32>
              %add3A_390 = arith.addi %iota3A, %add3A_389 : vector<16xi32>
              %gather3A_391 = tpu.vector_load_idx %arg9[%add3A_390, %and3A_386] : memref<64x512xf32, #tpu.memory_space<vmem>>[vector<16xi32>, vector<16xi32>], vector<16xf32>,
              %mul3A_392 = arith.constant 64 : i32
              %mul3A_393 = vector.broadcast %mul3A_392 : i32 to vector<16xi32>
              %mul3A_394 = arith.muli %gather3A_387, %mul3A_393 : vector<16xi32>
              %add3A_395 = arith.constant 0 : i32
              %add3A_396 = vector.broadcast %add3A_395 : i32 to vector<16xi32>
              %add3A_397 = arith.addi %mul3A_394, %add3A_396 : vector<16xi32>
              %add3A_398 = arith.addi %add3A_397, %iota3A : vector<16xi32>
              tpu.vector_store_idx %arg10[%add3A_398], %gather3A_391 {add = true} : memref<1024xf32, #tpu.memory_space<vmem>>[vector<16xi32>], vector<16xf32>,
              %add3A_399 = arith.constant 16 : i32
              %add3A_400 = vector.broadcast %add3A_399 : i32 to vector<16xi32>
              %add3A_401 = arith.addi %iota3A, %add3A_400 : vector<16xi32>
              %gather3A_402 = tpu.vector_load_idx %arg9[%add3A_401, %and3A_386] : memref<64x512xf32, #tpu.memory_space<vmem>>[vector<16xi32>, vector<16xi32>], vector<16xf32>,
              %mul3A_403 = arith.constant 64 : i32
              %mul3A_404 = vector.broadcast %mul3A_403 : i32 to vector<16xi32>
              %mul3A_405 = arith.muli %gather3A_387, %mul3A_404 : vector<16xi32>
              %add3A_406 = arith.constant 16 : i32
              %add3A_407 = vector.broadcast %add3A_406 : i32 to vector<16xi32>
              %add3A_408 = arith.addi %mul3A_405, %add3A_407 : vector<16xi32>
              %add3A_409 = arith.addi %add3A_408, %iota3A : vector<16xi32>
              tpu.vector_store_idx %arg10[%add3A_409], %gather3A_402 {add = true} : memref<1024xf32, #tpu.memory_space<vmem>>[vector<16xi32>], vector<16xf32>,
              %add3A_410 = arith.constant 32 : i32
              %add3A_411 = vector.broadcast %add3A_410 : i32 to vector<16xi32>
              %add3A_412 = arith.addi %iota3A, %add3A_411 : vector<16xi32>
              %gather3A_413 = tpu.vector_load_idx %arg9[%add3A_412, %and3A_386] : memref<64x512xf32, #tpu.memory_space<vmem>>[vector<16xi32>, vector<16xi32>], vector<16xf32>,
              %mul3A_414 = arith.constant 64 : i32
              %mul3A_415 = vector.broadcast %mul3A_414 : i32 to vector<16xi32>
              %mul3A_416 = arith.muli %gather3A_387, %mul3A_415 : vector<16xi32>
              %add3A_417 = arith.constant 32 : i32
              %add3A_418 = vector.broadcast %add3A_417 : i32 to vector<16xi32>
              %add3A_419 = arith.addi %mul3A_416, %add3A_418 : vector<16xi32>
              %add3A_420 = arith.addi %add3A_419, %iota3A : vector<16xi32>
              tpu.vector_store_idx %arg10[%add3A_420], %gather3A_413 {add = true} : memref<1024xf32, #tpu.memory_space<vmem>>[vector<16xi32>], vector<16xf32>,
              %add3A_421 = arith.constant 48 : i32
              %add3A_422 = vector.broadcast %add3A_421 : i32 to vector<16xi32>
              %add3A_423 = arith.addi %iota3A, %add3A_422 : vector<16xi32>
              %gather3A_424 = tpu.vector_load_idx %arg9[%add3A_423, %and3A_386] : memref<64x512xf32, #tpu.memory_space<vmem>>[vector<16xi32>, vector<16xi32>], vector<16xf32>,
              %mul3A_425 = arith.constant 64 : i32
              %mul3A_426 = vector.broadcast %mul3A_425 : i32 to vector<16xi32>
              %mul3A_427 = arith.muli %gather3A_387, %mul3A_426 : vector<16xi32>
              %add3A_428 = arith.constant 48 : i32
              %add3A_429 = vector.broadcast %add3A_428 : i32 to vector<16xi32>
              %add3A_430 = arith.addi %mul3A_427, %add3A_429 : vector<16xi32>
              %add3A_431 = arith.addi %add3A_430, %iota3A : vector<16xi32>
              tpu.vector_store_idx %arg10[%add3A_431], %gather3A_424 {add = true} : memref<1024xf32, #tpu.memory_space<vmem>>[vector<16xi32>], vector<16xf32>,
              %while3A_432 = arith.constant 0 : i32
              scf.yield %while3A_432 : i32
            }
          } else {
          }
          %while3A_358 = arith.constant 0 : i32
          scf.yield %while3A_358 : i32
        }
        %while3A_329 = arith.constant 1 : i32
        %while3A_330 = scf.for %while3A_331 = %while3A_326 to %while3A_322 step %while3A_329 iter_args(%while3A_332 = %while3A_328) -> (i32)  : i32 {
          %mul3A_333 = arith.constant 16 : i32
          %mul3A_334 = arith.muli %while3A_331, %mul3A_333 : i32
          %get3A = arith.index_cast %mul3A_334 : i32 to index
          %get3A_335 = tpu.vector_load %arg6[%get3A] {strides = array<i32>} : memref<16400xi32, #tpu.memory_space<vmem>>, vector<16xi32>,
          %and3A_336 = arith.constant 1048575 : i32
          %and3A_337 = vector.broadcast %and3A_336 : i32 to vector<16xi32>
          %and3A_338 = arith.andi %get3A_335, %and3A_337 : vector<16xi32>
          %mul3A_339 = arith.constant 16 : i32
          %mul3A_340 = arith.muli %while3A_331, %mul3A_339 : i32
          %add3A_341 = vector.broadcast %mul3A_340 : i32 to vector<16xi32>
          %add3A_342 = arith.addi %iota3A, %add3A_341 : vector<16xi32>
          %lt3A_343 = vector.broadcast %scan3A_29 : i32 to vector<16xi32>
          %lt3A_344 = arith.cmpi slt, %add3A_342, %lt3A_343 : vector<16xi32>
          %shift_right_arithmetic3A = arith.constant 9 : i32
          %shift_right_arithmetic3A_345 = vector.broadcast %shift_right_arithmetic3A : i32 to vector<16xi32>
          %shift_right_arithmetic3A_346 = arith.shrsi %and3A_338, %shift_right_arithmetic3A_345 : vector<16xi32>
          %eq3A_347 = vector.broadcast %add3A_296 : i32 to vector<16xi32>
          %eq3A_348 = arith.cmpi eq, %shift_right_arithmetic3A_346, %eq3A_347 : vector<16xi32>
          %and3A_349 = arith.andi %eq3A_348, %lt3A_344 : vector<16xi1>
          %convert_element_type3A_350 = arith.extui %and3A_349 : vector<16xi1> to vector<16xi32>
          %reduce_sum3A = arith.constant true
          %reduce_sum3A_351 = vector.broadcast %reduce_sum3A : i1 to vector<16xi1>
          %reduce_sum3A_352 = tpu.scan <sum>, %convert_element_type3A_350 masked %reduce_sum3A_351 : vector<16xi32>, vector<16xi1> -> vector<16xi32>
          %reduce_sum3A_353 = vector.extract %reduce_sum3A_352[15] : i32 from vector<16xi32>
          %gt3A = arith.constant 0 : i32
          %gt3A_354 = arith.cmpi sgt, %reduce_sum3A_353, %gt3A : i32
          %convert_element_type3A_355 = arith.extui %gt3A_354 : i1 to i32
          %cond3A_356 = arith.constant 0 : i32
          %cond3A_357 = arith.cmpi ne, %convert_element_type3A_355, %cond3A_356 : i32
          scf.if %cond3A_357 {
            %swap3A_359 = arith.constant 0 : index
            %swap3A_360 = tpu.vector_load %arg11[%swap3A_359] masked %and3A_349 {strides = array<i32>} : memref<16xi32, #tpu.memory_space<vmem>>, vector<16xi32>, vector<16xi1>
            tpu.vector_store %arg11[%swap3A_359], %and3A_338 masked %and3A_349 {strides = array<i32>} : memref<16xi32, #tpu.memory_space<vmem>>, vector<16xi32>, vector<16xi1>
            %shift_right_arithmetic3A_361 = arith.constant 20 : i32
            %shift_right_arithmetic3A_362 = vector.broadcast %shift_right_arithmetic3A_361 : i32 to vector<16xi32>
            %shift_right_arithmetic3A_363 = arith.shrsi %get3A_335, %shift_right_arithmetic3A_362 : vector<16xi32>
            %swap3A_364 = arith.constant 0 : index
            %swap3A_365 = tpu.vector_load %arg12[%swap3A_364] masked %and3A_349 {strides = array<i32>} : memref<16xi32, #tpu.memory_space<vmem>>, vector<16xi32>, vector<16xi1>
            tpu.vector_store %arg12[%swap3A_364], %shift_right_arithmetic3A_363 masked %and3A_349 {strides = array<i32>} : memref<16xi32, #tpu.memory_space<vmem>>, vector<16xi32>, vector<16xi1>
            %while3A_366 = arith.constant 0 : i32
            %while3A_367 = arith.constant 0 : i32
            %while3A_368 = arith.subi %reduce_sum3A_353, %while3A_366 : i32
            %while3A_369 = arith.addi %while3A_366, %while3A_368 : i32
            %while3A_370 = arith.constant 1 : i32
            %while3A_371 = arith.divsi %while3A_368, %while3A_370 : i32
            %while3A_372 = arith.muli %while3A_371, %while3A_370 : i32
            %while3A_373 = arith.addi %while3A_366, %while3A_372 : i32
            %while3A_374 = arith.constant 1 : i32
            %while3A_375 = scf.for %while3A_378 = %while3A_366 to %while3A_373 step %while3A_374 iter_args(%while3A_379 = %while3A_367) -> (i32)  : i32 {
              %broadcast_in_dim3A_380 = arith.constant 0 : i32
              %broadcast_in_dim3A_381 = vector.broadcast %broadcast_in_dim3A_380 : i32 to vector<16xi32>
              %add3A_382 = vector.broadcast %while3A_378 : i32 to vector<16xi32>
              %add3A_383 = arith.addi %broadcast_in_dim3A_381, %add3A_382 : vector<16xi32>
              %gather3A = tpu.vector_load_idx %arg11[%add3A_383] : memref<16xi32, #tpu.memory_space<vmem>>[vector<16xi32>], vector<16xi32>,
              %and3A_384 = arith.constant 511 : i32
              %and3A_385 = vector.broadcast %and3A_384 : i32 to vector<16xi32>
              %and3A_386 = arith.andi %gather3A, %and3A_385 : vector<16xi32>
              %gather3A_387 = tpu.vector_load_idx %arg12[%add3A_383] : memref<16xi32, #tpu.memory_space<vmem>>[vector<16xi32>], vector<16xi32>,
              %add3A_388 = arith.constant 0 : i32
              %add3A_389 = vector.broadcast %add3A_388 : i32 to vector<16xi32>
              %add3A_390 = arith.addi %iota3A, %add3A_389 : vector<16xi32>
              %gather3A_391 = tpu.vector_load_idx %arg9[%add3A_390, %and3A_386] : memref<64x512xf32, #tpu.memory_space<vmem>>[vector<16xi32>, vector<16xi32>], vector<16xf32>,
              %mul3A_392 = arith.constant 64 : i32
              %mul3A_393 = vector.broadcast %mul3A_392 : i32 to vector<16xi32>
              %mul3A_394 = arith.muli %gather3A_387, %mul3A_393 : vector<16xi32>
              %add3A_395 = arith.constant 0 : i32
              %add3A_396 = vector.broadcast %add3A_395 : i32 to vector<16xi32>
              %add3A_397 = arith.addi %mul3A_394, %add3A_396 : vector<16xi32>
              %add3A_398 = arith.addi %add3A_397, %iota3A : vector<16xi32>
              tpu.vector_store_idx %arg10[%add3A_398], %gather3A_391 {add = true} : memref<1024xf32, #tpu.memory_space<vmem>>[vector<16xi32>], vector<16xf32>,
              %add3A_399 = arith.constant 16 : i32
              %add3A_400 = vector.broadcast %add3A_399 : i32 to vector<16xi32>
              %add3A_401 = arith.addi %iota3A, %add3A_400 : vector<16xi32>
              %gather3A_402 = tpu.vector_load_idx %arg9[%add3A_401, %and3A_386] : memref<64x512xf32, #tpu.memory_space<vmem>>[vector<16xi32>, vector<16xi32>], vector<16xf32>,
              %mul3A_403 = arith.constant 64 : i32
              %mul3A_404 = vector.broadcast %mul3A_403 : i32 to vector<16xi32>
              %mul3A_405 = arith.muli %gather3A_387, %mul3A_404 : vector<16xi32>
              %add3A_406 = arith.constant 16 : i32
              %add3A_407 = vector.broadcast %add3A_406 : i32 to vector<16xi32>
              %add3A_408 = arith.addi %mul3A_405, %add3A_407 : vector<16xi32>
              %add3A_409 = arith.addi %add3A_408, %iota3A : vector<16xi32>
              tpu.vector_store_idx %arg10[%add3A_409], %gather3A_402 {add = true} : memref<1024xf32, #tpu.memory_space<vmem>>[vector<16xi32>], vector<16xf32>,
              %add3A_410 = arith.constant 32 : i32
              %add3A_411 = vector.broadcast %add3A_410 : i32 to vector<16xi32>
              %add3A_412 = arith.addi %iota3A, %add3A_411 : vector<16xi32>
              %gather3A_413 = tpu.vector_load_idx %arg9[%add3A_412, %and3A_386] : memref<64x512xf32, #tpu.memory_space<vmem>>[vector<16xi32>, vector<16xi32>], vector<16xf32>,
              %mul3A_414 = arith.constant 64 : i32
              %mul3A_415 = vector.broadcast %mul3A_414 : i32 to vector<16xi32>
              %mul3A_416 = arith.muli %gather3A_387, %mul3A_415 : vector<16xi32>
              %add3A_417 = arith.constant 32 : i32
              %add3A_418 = vector.broadcast %add3A_417 : i32 to vector<16xi32>
              %add3A_419 = arith.addi %mul3A_416, %add3A_418 : vector<16xi32>
              %add3A_420 = arith.addi %add3A_419, %iota3A : vector<16xi32>
              tpu.vector_store_idx %arg10[%add3A_420], %gather3A_413 {add = true} : memref<1024xf32, #tpu.memory_space<vmem>>[vector<16xi32>], vector<16xf32>,
              %add3A_421 = arith.constant 48 : i32
              %add3A_422 = vector.broadcast %add3A_421 : i32 to vector<16xi32>
              %add3A_423 = arith.addi %iota3A, %add3A_422 : vector<16xi32>
              %gather3A_424 = tpu.vector_load_idx %arg9[%add3A_423, %and3A_386] : memref<64x512xf32, #tpu.memory_space<vmem>>[vector<16xi32>, vector<16xi32>], vector<16xf32>,
              %mul3A_425 = arith.constant 64 : i32
              %mul3A_426 = vector.broadcast %mul3A_425 : i32 to vector<16xi32>
              %mul3A_427 = arith.muli %gather3A_387, %mul3A_426 : vector<16xi32>
              %add3A_428 = arith.constant 48 : i32
              %add3A_429 = vector.broadcast %add3A_428 : i32 to vector<16xi32>
              %add3A_430 = arith.addi %mul3A_427, %add3A_429 : vector<16xi32>
              %add3A_431 = arith.addi %add3A_430, %iota3A : vector<16xi32>
              tpu.vector_store_idx %arg10[%add3A_431], %gather3A_424 {add = true} : memref<1024xf32, #tpu.memory_space<vmem>>[vector<16xi32>], vector<16xf32>,
              %while3A_432 = arith.constant 0 : i32
              scf.yield %while3A_432 : i32
            }
            %while3A_376 = arith.constant 1 : i32
            %while3A_377 = scf.for %while3A_378 = %while3A_373 to %while3A_369 step %while3A_376 iter_args(%while3A_379 = %while3A_375) -> (i32)  : i32 {
              %broadcast_in_dim3A_380 = arith.constant 0 : i32
              %broadcast_in_dim3A_381 = vector.broadcast %broadcast_in_dim3A_380 : i32 to vector<16xi32>
              %add3A_382 = vector.broadcast %while3A_378 : i32 to vector<16xi32>
              %add3A_383 = arith.addi %broadcast_in_dim3A_381, %add3A_382 : vector<16xi32>
              %gather3A = tpu.vector_load_idx %arg11[%add3A_383] : memref<16xi32, #tpu.memory_space<vmem>>[vector<16xi32>], vector<16xi32>,
              %and3A_384 = arith.constant 511 : i32
              %and3A_385 = vector.broadcast %and3A_384 : i32 to vector<16xi32>
              %and3A_386 = arith.andi %gather3A, %and3A_385 : vector<16xi32>
              %gather3A_387 = tpu.vector_load_idx %arg12[%add3A_383] : memref<16xi32, #tpu.memory_space<vmem>>[vector<16xi32>], vector<16xi32>,
              %add3A_388 = arith.constant 0 : i32
              %add3A_389 = vector.broadcast %add3A_388 : i32 to vector<16xi32>
              %add3A_390 = arith.addi %iota3A, %add3A_389 : vector<16xi32>
              %gather3A_391 = tpu.vector_load_idx %arg9[%add3A_390, %and3A_386] : memref<64x512xf32, #tpu.memory_space<vmem>>[vector<16xi32>, vector<16xi32>], vector<16xf32>,
              %mul3A_392 = arith.constant 64 : i32
              %mul3A_393 = vector.broadcast %mul3A_392 : i32 to vector<16xi32>
              %mul3A_394 = arith.muli %gather3A_387, %mul3A_393 : vector<16xi32>
              %add3A_395 = arith.constant 0 : i32
              %add3A_396 = vector.broadcast %add3A_395 : i32 to vector<16xi32>
              %add3A_397 = arith.addi %mul3A_394, %add3A_396 : vector<16xi32>
              %add3A_398 = arith.addi %add3A_397, %iota3A : vector<16xi32>
              tpu.vector_store_idx %arg10[%add3A_398], %gather3A_391 {add = true} : memref<1024xf32, #tpu.memory_space<vmem>>[vector<16xi32>], vector<16xf32>,
              %add3A_399 = arith.constant 16 : i32
              %add3A_400 = vector.broadcast %add3A_399 : i32 to vector<16xi32>
              %add3A_401 = arith.addi %iota3A, %add3A_400 : vector<16xi32>
              %gather3A_402 = tpu.vector_load_idx %arg9[%add3A_401, %and3A_386] : memref<64x512xf32, #tpu.memory_space<vmem>>[vector<16xi32>, vector<16xi32>], vector<16xf32>,
              %mul3A_403 = arith.constant 64 : i32
              %mul3A_404 = vector.broadcast %mul3A_403 : i32 to vector<16xi32>
              %mul3A_405 = arith.muli %gather3A_387, %mul3A_404 : vector<16xi32>
              %add3A_406 = arith.constant 16 : i32
              %add3A_407 = vector.broadcast %add3A_406 : i32 to vector<16xi32>
              %add3A_408 = arith.addi %mul3A_405, %add3A_407 : vector<16xi32>
              %add3A_409 = arith.addi %add3A_408, %iota3A : vector<16xi32>
              tpu.vector_store_idx %arg10[%add3A_409], %gather3A_402 {add = true} : memref<1024xf32, #tpu.memory_space<vmem>>[vector<16xi32>], vector<16xf32>,
              %add3A_410 = arith.constant 32 : i32
              %add3A_411 = vector.broadcast %add3A_410 : i32 to vector<16xi32>
              %add3A_412 = arith.addi %iota3A, %add3A_411 : vector<16xi32>
              %gather3A_413 = tpu.vector_load_idx %arg9[%add3A_412, %and3A_386] : memref<64x512xf32, #tpu.memory_space<vmem>>[vector<16xi32>, vector<16xi32>], vector<16xf32>,
              %mul3A_414 = arith.constant 64 : i32
              %mul3A_415 = vector.broadcast %mul3A_414 : i32 to vector<16xi32>
              %mul3A_416 = arith.muli %gather3A_387, %mul3A_415 : vector<16xi32>
              %add3A_417 = arith.constant 32 : i32
              %add3A_418 = vector.broadcast %add3A_417 : i32 to vector<16xi32>
              %add3A_419 = arith.addi %mul3A_416, %add3A_418 : vector<16xi32>
              %add3A_420 = arith.addi %add3A_419, %iota3A : vector<16xi32>
              tpu.vector_store_idx %arg10[%add3A_420], %gather3A_413 {add = true} : memref<1024xf32, #tpu.memory_space<vmem>>[vector<16xi32>], vector<16xf32>,
              %add3A_421 = arith.constant 48 : i32
              %add3A_422 = vector.broadcast %add3A_421 : i32 to vector<16xi32>
              %add3A_423 = arith.addi %iota3A, %add3A_422 : vector<16xi32>
              %gather3A_424 = tpu.vector_load_idx %arg9[%add3A_423, %and3A_386] : memref<64x512xf32, #tpu.memory_space<vmem>>[vector<16xi32>, vector<16xi32>], vector<16xf32>,
              %mul3A_425 = arith.constant 64 : i32
              %mul3A_426 = vector.broadcast %mul3A_425 : i32 to vector<16xi32>
              %mul3A_427 = arith.muli %gather3A_387, %mul3A_426 : vector<16xi32>
              %add3A_428 = arith.constant 48 : i32
              %add3A_429 = vector.broadcast %add3A_428 : i32 to vector<16xi32>
              %add3A_430 = arith.addi %mul3A_427, %add3A_429 : vector<16xi32>
              %add3A_431 = arith.addi %add3A_430, %iota3A : vector<16xi32>
              tpu.vector_store_idx %arg10[%add3A_431], %gather3A_424 {add = true} : memref<1024xf32, #tpu.memory_space<vmem>>[vector<16xi32>], vector<16xf32>,
              %while3A_432 = arith.constant 0 : i32
              scf.yield %while3A_432 : i32
            }
          } else {
          }
          %while3A_358 = arith.constant 0 : i32
          scf.yield %while3A_358 : i32
        }
      } else {
      }
    }
    %scan3A_163 = arith.constant 21 : i32
    "tpu.region"() ({
      %run_scoped3A = tpu.sem_alloc : memref<!tpu.dma_semaphore, #tpu.memory_space<semaphore_mem>>
      %dma_start3A = arith.constant 0 : i32
      %dma_start3A_170 = tpu.memref_slice %arg15[%arg1, %dma_start3A] : memref<16x1024xf32, #tpu.memory_space<vmem_shared>> -> memref<1x1024xf32, #tpu.memory_space<vmem_shared>>
      %dma_start3A_171 = tpu.memref_squeeze %dma_start3A_170 : memref<1x1024xf32, #tpu.memory_space<vmem_shared>> -> memref<1024xf32, #tpu.memory_space<vmem_shared>>
      %dma_start3A_172 = arith.constant 0 : i32
      %dma_start3A_173 = tpu.memref_slice %arg15[%arg1, %dma_start3A_172] : memref<16x1024xf32, #tpu.memory_space<vmem_shared>> -> memref<1x1024xf32, #tpu.memory_space<vmem_shared>>
      %dma_start3A_174 = tpu.memref_squeeze %dma_start3A_173 : memref<1x1024xf32, #tpu.memory_space<vmem_shared>> -> memref<1024xf32, #tpu.memory_space<vmem_shared>>
      tpu.enqueue_dma source(%arg10 : memref<1024xf32, #tpu.memory_space<vmem>>) target(%dma_start3A_174 : memref<1024xf32, #tpu.memory_space<vmem_shared>>) target_semaphore(%run_scoped3A : memref<!tpu.dma_semaphore, #tpu.memory_space<semaphore_mem>>)
      %dma_wait3A = arith.constant 0 : i32
      %dma_wait3A_175 = tpu.memref_slice %arg15[%arg1, %dma_wait3A] : memref<16x1024xf32, #tpu.memory_space<vmem_shared>> -> memref<1x1024xf32, #tpu.memory_space<vmem_shared>>
      %dma_wait3A_176 = tpu.memref_squeeze %dma_wait3A_175 : memref<1x1024xf32, #tpu.memory_space<vmem_shared>> -> memref<1024xf32, #tpu.memory_space<vmem_shared>>
      %dma_wait3A_177 = arith.constant 0 : i32
      %dma_wait3A_178 = tpu.memref_slice %arg15[%arg1, %dma_wait3A_177] : memref<16x1024xf32, #tpu.memory_space<vmem_shared>> -> memref<1x1024xf32, #tpu.memory_space<vmem_shared>>
      %dma_wait3A_179 = tpu.memref_squeeze %dma_wait3A_178 : memref<1x1024xf32, #tpu.memory_space<vmem_shared>> -> memref<1024xf32, #tpu.memory_space<vmem_shared>>
      tpu.wait_dma2 semaphore(%run_scoped3A : memref<!tpu.dma_semaphore, #tpu.memory_space<semaphore_mem>>) src(%arg10 : memref<1024xf32, #tpu.memory_space<vmem>>) dst(%dma_wait3A_179 : memref<1024xf32, #tpu.memory_space<vmem_shared>>)
      tpu.yield
    }) : () -> ()
    %barrier3A = arith.constant 0 : index
    tpu.barrier barrier_id(%barrier3A)
    %lt3A_164 = arith.constant 8 : i32
    %lt3A_165 = arith.cmpi slt, %arg1, %lt3A_164 : i32
    %convert_element_type3A_166 = arith.extui %lt3A_165 : i1 to i32
    %cond3A_167 = arith.constant 9.765625E-4 : f32
    %cond3A_168 = arith.constant 0 : i32
    %cond3A_169 = arith.cmpi ne, %convert_element_type3A_166, %cond3A_168 : i32
    scf.if %cond3A_169 {
      %mul3A_170 = arith.constant 2 : i32
      %mul3A_171 = arith.muli %arg1, %mul3A_170 : i32
      %mul3A_172 = arith.constant 64 : i32
      %mul3A_173 = arith.muli %mul3A_171, %mul3A_172 : i32
      "tpu.region"() ({
        %run_scoped3A = tpu.sem_alloc : memref<!tpu.dma_semaphore, #tpu.memory_space<semaphore_mem>>
        %dma_start3A = arith.constant 0 : i32
        %dma_start3A_853 = tpu.memref_slice %arg15[%dma_start3A, %mul3A_173] : memref<16x1024xf32, #tpu.memory_space<vmem_shared>> -> memref<16x128xf32, #tpu.memory_space<vmem_shared>>
        %dma_start3A_854 = arith.constant 0 : i32
        %dma_start3A_855 = tpu.memref_slice %arg15[%dma_start3A_854, %mul3A_173] : memref<16x1024xf32, #tpu.memory_space<vmem_shared>> -> memref<16x128xf32, #tpu.memory_space<vmem_shared>>
        tpu.enqueue_dma source(%dma_start3A_855 : memref<16x128xf32, #tpu.memory_space<vmem_shared>>) target(%arg14 : memref<16x128xf32, #tpu.memory_space<vmem>>) target_semaphore(%run_scoped3A : memref<!tpu.dma_semaphore, #tpu.memory_space<semaphore_mem>>)
        %dma_wait3A = arith.constant 0 : i32
        %dma_wait3A_856 = tpu.memref_slice %arg15[%dma_wait3A, %mul3A_173] : memref<16x1024xf32, #tpu.memory_space<vmem_shared>> -> memref<16x128xf32, #tpu.memory_space<vmem_shared>>
        %dma_wait3A_857 = arith.constant 0 : i32
        %dma_wait3A_858 = tpu.memref_slice %arg15[%dma_wait3A_857, %mul3A_173] : memref<16x1024xf32, #tpu.memory_space<vmem_shared>> -> memref<16x128xf32, #tpu.memory_space<vmem_shared>>
        tpu.wait_dma2 semaphore(%run_scoped3A : memref<!tpu.dma_semaphore, #tpu.memory_space<semaphore_mem>>) src(%dma_wait3A_858 : memref<16x128xf32, #tpu.memory_space<vmem_shared>>) dst(%arg14 : memref<16x128xf32, #tpu.memory_space<vmem>>)
        tpu.yield
      }) : () -> ()
      %get3A = arith.constant 0 : i32
      %get3A_174 = arith.index_cast %get3A : i32 to index
      %get3A_175 = arith.constant 0 : index
      %get3A_176 = tpu.vector_load %arg14[%get3A_174, %get3A_175] {strides = array<i32>} : memref<16x128xf32, #tpu.memory_space<vmem>>, vector<16xf32>,
      %add3A_177 = arith.addf %broadcast_in_dim3A_31, %get3A_176 : vector<16xf32>
      %get3A_178 = arith.constant 1 : i32
      %get3A_179 = arith.index_cast %get3A_178 : i32 to index
      %get3A_180 = arith.constant 0 : index
      %get3A_181 = tpu.vector_load %arg14[%get3A_179, %get3A_180] {strides = array<i32>} : memref<16x128xf32, #tpu.memory_space<vmem>>, vector<16xf32>,
      %add3A_182 = arith.addf %add3A_177, %get3A_181 : vector<16xf32>
      %get3A_183 = arith.constant 2 : i32
      %get3A_184 = arith.index_cast %get3A_183 : i32 to index
      %get3A_185 = arith.constant 0 : index
      %get3A_186 = tpu.vector_load %arg14[%get3A_184, %get3A_185] {strides = array<i32>} : memref<16x128xf32, #tpu.memory_space<vmem>>, vector<16xf32>,
      %add3A_187 = arith.addf %add3A_182, %get3A_186 : vector<16xf32>
      %get3A_188 = arith.constant 3 : i32
      %get3A_189 = arith.index_cast %get3A_188 : i32 to index
      %get3A_190 = arith.constant 0 : index
      %get3A_191 = tpu.vector_load %arg14[%get3A_189, %get3A_190] {strides = array<i32>} : memref<16x128xf32, #tpu.memory_space<vmem>>, vector<16xf32>,
      %add3A_192 = arith.addf %add3A_187, %get3A_191 : vector<16xf32>
      %get3A_193 = arith.constant 4 : i32
      %get3A_194 = arith.index_cast %get3A_193 : i32 to index
      %get3A_195 = arith.constant 0 : index
      %get3A_196 = tpu.vector_load %arg14[%get3A_194, %get3A_195] {strides = array<i32>} : memref<16x128xf32, #tpu.memory_space<vmem>>, vector<16xf32>,
      %add3A_197 = arith.addf %add3A_192, %get3A_196 : vector<16xf32>
      %get3A_198 = arith.constant 5 : i32
      %get3A_199 = arith.index_cast %get3A_198 : i32 to index
      %get3A_200 = arith.constant 0 : index
      %get3A_201 = tpu.vector_load %arg14[%get3A_199, %get3A_200] {strides = array<i32>} : memref<16x128xf32, #tpu.memory_space<vmem>>, vector<16xf32>,
      %add3A_202 = arith.addf %add3A_197, %get3A_201 : vector<16xf32>
      %get3A_203 = arith.constant 6 : i32
      %get3A_204 = arith.index_cast %get3A_203 : i32 to index
      %get3A_205 = arith.constant 0 : index
      %get3A_206 = tpu.vector_load %arg14[%get3A_204, %get3A_205] {strides = array<i32>} : memref<16x128xf32, #tpu.memory_space<vmem>>, vector<16xf32>,
      %add3A_207 = arith.addf %add3A_202, %get3A_206 : vector<16xf32>
      %get3A_208 = arith.constant 7 : i32
      %get3A_209 = arith.index_cast %get3A_208 : i32 to index
      %get3A_210 = arith.constant 0 : index
      %get3A_211 = tpu.vector_load %arg14[%get3A_209, %get3A_210] {strides = array<i32>} : memref<16x128xf32, #tpu.memory_space<vmem>>, vector<16xf32>,
      %add3A_212 = arith.addf %add3A_207, %get3A_211 : vector<16xf32>
      %get3A_213 = arith.constant 8 : i32
      %get3A_214 = arith.index_cast %get3A_213 : i32 to index
      %get3A_215 = arith.constant 0 : index
      %get3A_216 = tpu.vector_load %arg14[%get3A_214, %get3A_215] {strides = array<i32>} : memref<16x128xf32, #tpu.memory_space<vmem>>, vector<16xf32>,
      %add3A_217 = arith.addf %add3A_212, %get3A_216 : vector<16xf32>
      %get3A_218 = arith.constant 9 : i32
      %get3A_219 = arith.index_cast %get3A_218 : i32 to index
      %get3A_220 = arith.constant 0 : index
      %get3A_221 = tpu.vector_load %arg14[%get3A_219, %get3A_220] {strides = array<i32>} : memref<16x128xf32, #tpu.memory_space<vmem>>, vector<16xf32>,
      %add3A_222 = arith.addf %add3A_217, %get3A_221 : vector<16xf32>
      %get3A_223 = arith.constant 10 : i32
      %get3A_224 = arith.index_cast %get3A_223 : i32 to index
      %get3A_225 = arith.constant 0 : index
      %get3A_226 = tpu.vector_load %arg14[%get3A_224, %get3A_225] {strides = array<i32>} : memref<16x128xf32, #tpu.memory_space<vmem>>, vector<16xf32>,
      %add3A_227 = arith.addf %add3A_222, %get3A_226 : vector<16xf32>
      %get3A_228 = arith.constant 11 : i32
      %get3A_229 = arith.index_cast %get3A_228 : i32 to index
      %get3A_230 = arith.constant 0 : index
      %get3A_231 = tpu.vector_load %arg14[%get3A_229, %get3A_230] {strides = array<i32>} : memref<16x128xf32, #tpu.memory_space<vmem>>, vector<16xf32>,
      %add3A_232 = arith.addf %add3A_227, %get3A_231 : vector<16xf32>
      %get3A_233 = arith.constant 12 : i32
      %get3A_234 = arith.index_cast %get3A_233 : i32 to index
      %get3A_235 = arith.constant 0 : index
      %get3A_236 = tpu.vector_load %arg14[%get3A_234, %get3A_235] {strides = array<i32>} : memref<16x128xf32, #tpu.memory_space<vmem>>, vector<16xf32>,
      %add3A_237 = arith.addf %add3A_232, %get3A_236 : vector<16xf32>
      %get3A_238 = arith.constant 13 : i32
      %get3A_239 = arith.index_cast %get3A_238 : i32 to index
      %get3A_240 = arith.constant 0 : index
      %get3A_241 = tpu.vector_load %arg14[%get3A_239, %get3A_240] {strides = array<i32>} : memref<16x128xf32, #tpu.memory_space<vmem>>, vector<16xf32>,
      %add3A_242 = arith.addf %add3A_237, %get3A_241 : vector<16xf32>
      %get3A_243 = arith.constant 14 : i32
      %get3A_244 = arith.index_cast %get3A_243 : i32 to index
      %get3A_245 = arith.constant 0 : index
      %get3A_246 = tpu.vector_load %arg14[%get3A_244, %get3A_245] {strides = array<i32>} : memref<16x128xf32, #tpu.memory_space<vmem>>, vector<16xf32>,
      %add3A_247 = arith.addf %add3A_242, %get3A_246 : vector<16xf32>
      %get3A_248 = arith.constant 15 : i32
      %get3A_249 = arith.index_cast %get3A_248 : i32 to index
      %get3A_250 = arith.constant 0 : index
      %get3A_251 = tpu.vector_load %arg14[%get3A_249, %get3A_250] {strides = array<i32>} : memref<16x128xf32, #tpu.memory_space<vmem>>, vector<16xf32>,
      %add3A_252 = arith.addf %add3A_247, %get3A_251 : vector<16xf32>
      %mul3A_253 = vector.broadcast %cond3A_167 : f32 to vector<16xf32>
      %mul3A_254 = arith.mulf %add3A_252, %mul3A_253 : vector<16xf32>
      %swap3A_255 = arith.constant 0 : index
      %swap3A_256 = tpu.vector_load %arg13[%swap3A_255] {strides = array<i32>} : memref<64xf32, #tpu.memory_space<vmem>>, vector<16xf32>,
      tpu.vector_store %arg13[%swap3A_255], %mul3A_254 {strides = array<i32>} : memref<64xf32, #tpu.memory_space<vmem>>, vector<16xf32>,
      %get3A_257 = arith.constant 0 : i32
      %get3A_258 = arith.index_cast %get3A_257 : i32 to index
      %get3A_259 = arith.constant 16 : index
      %get3A_260 = tpu.vector_load %arg14[%get3A_258, %get3A_259] {strides = array<i32>} : memref<16x128xf32, #tpu.memory_space<vmem>>, vector<16xf32>,
      %add3A_261 = arith.addf %broadcast_in_dim3A_31, %get3A_260 : vector<16xf32>
      %get3A_262 = arith.constant 1 : i32
      %get3A_263 = arith.index_cast %get3A_262 : i32 to index
      %get3A_264 = arith.constant 16 : index
      %get3A_265 = tpu.vector_load %arg14[%get3A_263, %get3A_264] {strides = array<i32>} : memref<16x128xf32, #tpu.memory_space<vmem>>, vector<16xf32>,
      %add3A_266 = arith.addf %add3A_261, %get3A_265 : vector<16xf32>
      %get3A_267 = arith.constant 2 : i32
      %get3A_268 = arith.index_cast %get3A_267 : i32 to index
      %get3A_269 = arith.constant 16 : index
      %get3A_270 = tpu.vector_load %arg14[%get3A_268, %get3A_269] {strides = array<i32>} : memref<16x128xf32, #tpu.memory_space<vmem>>, vector<16xf32>,
      %add3A_271 = arith.addf %add3A_266, %get3A_270 : vector<16xf32>
      %get3A_272 = arith.constant 3 : i32
      %get3A_273 = arith.index_cast %get3A_272 : i32 to index
      %get3A_274 = arith.constant 16 : index
      %get3A_275 = tpu.vector_load %arg14[%get3A_273, %get3A_274] {strides = array<i32>} : memref<16x128xf32, #tpu.memory_space<vmem>>, vector<16xf32>,
      %add3A_276 = arith.addf %add3A_271, %get3A_275 : vector<16xf32>
      %get3A_277 = arith.constant 4 : i32
      %get3A_278 = arith.index_cast %get3A_277 : i32 to index
      %get3A_279 = arith.constant 16 : index
      %get3A_280 = tpu.vector_load %arg14[%get3A_278, %get3A_279] {strides = array<i32>} : memref<16x128xf32, #tpu.memory_space<vmem>>, vector<16xf32>,
      %add3A_281 = arith.addf %add3A_276, %get3A_280 : vector<16xf32>
      %get3A_282 = arith.constant 5 : i32
      %get3A_283 = arith.index_cast %get3A_282 : i32 to index
      %get3A_284 = arith.constant 16 : index
      %get3A_285 = tpu.vector_load %arg14[%get3A_283, %get3A_284] {strides = array<i32>} : memref<16x128xf32, #tpu.memory_space<vmem>>, vector<16xf32>,
      %add3A_286 = arith.addf %add3A_281, %get3A_285 : vector<16xf32>
      %get3A_287 = arith.constant 6 : i32
      %get3A_288 = arith.index_cast %get3A_287 : i32 to index
      %get3A_289 = arith.constant 16 : index
      %get3A_290 = tpu.vector_load %arg14[%get3A_288, %get3A_289] {strides = array<i32>} : memref<16x128xf32, #tpu.memory_space<vmem>>, vector<16xf32>,
      %add3A_291 = arith.addf %add3A_286, %get3A_290 : vector<16xf32>
      %get3A_292 = arith.constant 7 : i32
      %get3A_293 = arith.index_cast %get3A_292 : i32 to index
      %get3A_294 = arith.constant 16 : index
      %get3A_295 = tpu.vector_load %arg14[%get3A_293, %get3A_294] {strides = array<i32>} : memref<16x128xf32, #tpu.memory_space<vmem>>, vector<16xf32>,
      %add3A_296 = arith.addf %add3A_291, %get3A_295 : vector<16xf32>
      %get3A_297 = arith.constant 8 : i32
      %get3A_298 = arith.index_cast %get3A_297 : i32 to index
      %get3A_299 = arith.constant 16 : index
      %get3A_300 = tpu.vector_load %arg14[%get3A_298, %get3A_299] {strides = array<i32>} : memref<16x128xf32, #tpu.memory_space<vmem>>, vector<16xf32>,
      %add3A_301 = arith.addf %add3A_296, %get3A_300 : vector<16xf32>
      %get3A_302 = arith.constant 9 : i32
      %get3A_303 = arith.index_cast %get3A_302 : i32 to index
      %get3A_304 = arith.constant 16 : index
      %get3A_305 = tpu.vector_load %arg14[%get3A_303, %get3A_304] {strides = array<i32>} : memref<16x128xf32, #tpu.memory_space<vmem>>, vector<16xf32>,
      %add3A_306 = arith.addf %add3A_301, %get3A_305 : vector<16xf32>
      %get3A_307 = arith.constant 10 : i32
      %get3A_308 = arith.index_cast %get3A_307 : i32 to index
      %get3A_309 = arith.constant 16 : index
      %get3A_310 = tpu.vector_load %arg14[%get3A_308, %get3A_309] {strides = array<i32>} : memref<16x128xf32, #tpu.memory_space<vmem>>, vector<16xf32>,
      %add3A_311 = arith.addf %add3A_306, %get3A_310 : vector<16xf32>
      %get3A_312 = arith.constant 11 : i32
      %get3A_313 = arith.index_cast %get3A_312 : i32 to index
      %get3A_314 = arith.constant 16 : index
      %get3A_315 = tpu.vector_load %arg14[%get3A_313, %get3A_314] {strides = array<i32>} : memref<16x128xf32, #tpu.memory_space<vmem>>, vector<16xf32>,
      %add3A_316 = arith.addf %add3A_311, %get3A_315 : vector<16xf32>
      %get3A_317 = arith.constant 12 : i32
      %get3A_318 = arith.index_cast %get3A_317 : i32 to index
      %get3A_319 = arith.constant 16 : index
      %get3A_320 = tpu.vector_load %arg14[%get3A_318, %get3A_319] {strides = array<i32>} : memref<16x128xf32, #tpu.memory_space<vmem>>, vector<16xf32>,
      %add3A_321 = arith.addf %add3A_316, %get3A_320 : vector<16xf32>
      %get3A_322 = arith.constant 13 : i32
      %get3A_323 = arith.index_cast %get3A_322 : i32 to index
      %get3A_324 = arith.constant 16 : index
      %get3A_325 = tpu.vector_load %arg14[%get3A_323, %get3A_324] {strides = array<i32>} : memref<16x128xf32, #tpu.memory_space<vmem>>, vector<16xf32>,
      %add3A_326 = arith.addf %add3A_321, %get3A_325 : vector<16xf32>
      %get3A_327 = arith.constant 14 : i32
      %get3A_328 = arith.index_cast %get3A_327 : i32 to index
      %get3A_329 = arith.constant 16 : index
      %get3A_330 = tpu.vector_load %arg14[%get3A_328, %get3A_329] {strides = array<i32>} : memref<16x128xf32, #tpu.memory_space<vmem>>, vector<16xf32>,
      %add3A_331 = arith.addf %add3A_326, %get3A_330 : vector<16xf32>
      %get3A_332 = arith.constant 15 : i32
      %get3A_333 = arith.index_cast %get3A_332 : i32 to index
      %get3A_334 = arith.constant 16 : index
      %get3A_335 = tpu.vector_load %arg14[%get3A_333, %get3A_334] {strides = array<i32>} : memref<16x128xf32, #tpu.memory_space<vmem>>, vector<16xf32>,
      %add3A_336 = arith.addf %add3A_331, %get3A_335 : vector<16xf32>
      %mul3A_337 = vector.broadcast %cond3A_167 : f32 to vector<16xf32>
      %mul3A_338 = arith.mulf %add3A_336, %mul3A_337 : vector<16xf32>
      %swap3A_339 = arith.constant 16 : index
      %swap3A_340 = tpu.vector_load %arg13[%swap3A_339] {strides = array<i32>} : memref<64xf32, #tpu.memory_space<vmem>>, vector<16xf32>,
      tpu.vector_store %arg13[%swap3A_339], %mul3A_338 {strides = array<i32>} : memref<64xf32, #tpu.memory_space<vmem>>, vector<16xf32>,
      %get3A_341 = arith.constant 0 : i32
      %get3A_342 = arith.index_cast %get3A_341 : i32 to index
      %get3A_343 = arith.constant 32 : index
      %get3A_344 = tpu.vector_load %arg14[%get3A_342, %get3A_343] {strides = array<i32>} : memref<16x128xf32, #tpu.memory_space<vmem>>, vector<16xf32>,
      %add3A_345 = arith.addf %broadcast_in_dim3A_31, %get3A_344 : vector<16xf32>
      %get3A_346 = arith.constant 1 : i32
      %get3A_347 = arith.index_cast %get3A_346 : i32 to index
      %get3A_348 = arith.constant 32 : index
      %get3A_349 = tpu.vector_load %arg14[%get3A_347, %get3A_348] {strides = array<i32>} : memref<16x128xf32, #tpu.memory_space<vmem>>, vector<16xf32>,
      %add3A_350 = arith.addf %add3A_345, %get3A_349 : vector<16xf32>
      %get3A_351 = arith.constant 2 : i32
      %get3A_352 = arith.index_cast %get3A_351 : i32 to index
      %get3A_353 = arith.constant 32 : index
      %get3A_354 = tpu.vector_load %arg14[%get3A_352, %get3A_353] {strides = array<i32>} : memref<16x128xf32, #tpu.memory_space<vmem>>, vector<16xf32>,
      %add3A_355 = arith.addf %add3A_350, %get3A_354 : vector<16xf32>
      %get3A_356 = arith.constant 3 : i32
      %get3A_357 = arith.index_cast %get3A_356 : i32 to index
      %get3A_358 = arith.constant 32 : index
      %get3A_359 = tpu.vector_load %arg14[%get3A_357, %get3A_358] {strides = array<i32>} : memref<16x128xf32, #tpu.memory_space<vmem>>, vector<16xf32>,
      %add3A_360 = arith.addf %add3A_355, %get3A_359 : vector<16xf32>
      %get3A_361 = arith.constant 4 : i32
      %get3A_362 = arith.index_cast %get3A_361 : i32 to index
      %get3A_363 = arith.constant 32 : index
      %get3A_364 = tpu.vector_load %arg14[%get3A_362, %get3A_363] {strides = array<i32>} : memref<16x128xf32, #tpu.memory_space<vmem>>, vector<16xf32>,
      %add3A_365 = arith.addf %add3A_360, %get3A_364 : vector<16xf32>
      %get3A_366 = arith.constant 5 : i32
      %get3A_367 = arith.index_cast %get3A_366 : i32 to index
      %get3A_368 = arith.constant 32 : index
      %get3A_369 = tpu.vector_load %arg14[%get3A_367, %get3A_368] {strides = array<i32>} : memref<16x128xf32, #tpu.memory_space<vmem>>, vector<16xf32>,
      %add3A_370 = arith.addf %add3A_365, %get3A_369 : vector<16xf32>
      %get3A_371 = arith.constant 6 : i32
      %get3A_372 = arith.index_cast %get3A_371 : i32 to index
      %get3A_373 = arith.constant 32 : index
      %get3A_374 = tpu.vector_load %arg14[%get3A_372, %get3A_373] {strides = array<i32>} : memref<16x128xf32, #tpu.memory_space<vmem>>, vector<16xf32>,
      %add3A_375 = arith.addf %add3A_370, %get3A_374 : vector<16xf32>
      %get3A_376 = arith.constant 7 : i32
      %get3A_377 = arith.index_cast %get3A_376 : i32 to index
      %get3A_378 = arith.constant 32 : index
      %get3A_379 = tpu.vector_load %arg14[%get3A_377, %get3A_378] {strides = array<i32>} : memref<16x128xf32, #tpu.memory_space<vmem>>, vector<16xf32>,
      %add3A_380 = arith.addf %add3A_375, %get3A_379 : vector<16xf32>
      %get3A_381 = arith.constant 8 : i32
      %get3A_382 = arith.index_cast %get3A_381 : i32 to index
      %get3A_383 = arith.constant 32 : index
      %get3A_384 = tpu.vector_load %arg14[%get3A_382, %get3A_383] {strides = array<i32>} : memref<16x128xf32, #tpu.memory_space<vmem>>, vector<16xf32>,
      %add3A_385 = arith.addf %add3A_380, %get3A_384 : vector<16xf32>
      %get3A_386 = arith.constant 9 : i32
      %get3A_387 = arith.index_cast %get3A_386 : i32 to index
      %get3A_388 = arith.constant 32 : index
      %get3A_389 = tpu.vector_load %arg14[%get3A_387, %get3A_388] {strides = array<i32>} : memref<16x128xf32, #tpu.memory_space<vmem>>, vector<16xf32>,
      %add3A_390 = arith.addf %add3A_385, %get3A_389 : vector<16xf32>
      %get3A_391 = arith.constant 10 : i32
      %get3A_392 = arith.index_cast %get3A_391 : i32 to index
      %get3A_393 = arith.constant 32 : index
      %get3A_394 = tpu.vector_load %arg14[%get3A_392, %get3A_393] {strides = array<i32>} : memref<16x128xf32, #tpu.memory_space<vmem>>, vector<16xf32>,
      %add3A_395 = arith.addf %add3A_390, %get3A_394 : vector<16xf32>
      %get3A_396 = arith.constant 11 : i32
      %get3A_397 = arith.index_cast %get3A_396 : i32 to index
      %get3A_398 = arith.constant 32 : index
      %get3A_399 = tpu.vector_load %arg14[%get3A_397, %get3A_398] {strides = array<i32>} : memref<16x128xf32, #tpu.memory_space<vmem>>, vector<16xf32>,
      %add3A_400 = arith.addf %add3A_395, %get3A_399 : vector<16xf32>
      %get3A_401 = arith.constant 12 : i32
      %get3A_402 = arith.index_cast %get3A_401 : i32 to index
      %get3A_403 = arith.constant 32 : index
      %get3A_404 = tpu.vector_load %arg14[%get3A_402, %get3A_403] {strides = array<i32>} : memref<16x128xf32, #tpu.memory_space<vmem>>, vector<16xf32>,
      %add3A_405 = arith.addf %add3A_400, %get3A_404 : vector<16xf32>
      %get3A_406 = arith.constant 13 : i32
      %get3A_407 = arith.index_cast %get3A_406 : i32 to index
      %get3A_408 = arith.constant 32 : index
      %get3A_409 = tpu.vector_load %arg14[%get3A_407, %get3A_408] {strides = array<i32>} : memref<16x128xf32, #tpu.memory_space<vmem>>, vector<16xf32>,
      %add3A_410 = arith.addf %add3A_405, %get3A_409 : vector<16xf32>
      %get3A_411 = arith.constant 14 : i32
      %get3A_412 = arith.index_cast %get3A_411 : i32 to index
      %get3A_413 = arith.constant 32 : index
      %get3A_414 = tpu.vector_load %arg14[%get3A_412, %get3A_413] {strides = array<i32>} : memref<16x128xf32, #tpu.memory_space<vmem>>, vector<16xf32>,
      %add3A_415 = arith.addf %add3A_410, %get3A_414 : vector<16xf32>
      %get3A_416 = arith.constant 15 : i32
      %get3A_417 = arith.index_cast %get3A_416 : i32 to index
      %get3A_418 = arith.constant 32 : index
      %get3A_419 = tpu.vector_load %arg14[%get3A_417, %get3A_418] {strides = array<i32>} : memref<16x128xf32, #tpu.memory_space<vmem>>, vector<16xf32>,
      %add3A_420 = arith.addf %add3A_415, %get3A_419 : vector<16xf32>
      %mul3A_421 = vector.broadcast %cond3A_167 : f32 to vector<16xf32>
      %mul3A_422 = arith.mulf %add3A_420, %mul3A_421 : vector<16xf32>
      %swap3A_423 = arith.constant 32 : index
      %swap3A_424 = tpu.vector_load %arg13[%swap3A_423] {strides = array<i32>} : memref<64xf32, #tpu.memory_space<vmem>>, vector<16xf32>,
      tpu.vector_store %arg13[%swap3A_423], %mul3A_422 {strides = array<i32>} : memref<64xf32, #tpu.memory_space<vmem>>, vector<16xf32>,
      %get3A_425 = arith.constant 0 : i32
      %get3A_426 = arith.index_cast %get3A_425 : i32 to index
      %get3A_427 = arith.constant 48 : index
      %get3A_428 = tpu.vector_load %arg14[%get3A_426, %get3A_427] {strides = array<i32>} : memref<16x128xf32, #tpu.memory_space<vmem>>, vector<16xf32>,
      %add3A_429 = arith.addf %broadcast_in_dim3A_31, %get3A_428 : vector<16xf32>
      %get3A_430 = arith.constant 1 : i32
      %get3A_431 = arith.index_cast %get3A_430 : i32 to index
      %get3A_432 = arith.constant 48 : index
      %get3A_433 = tpu.vector_load %arg14[%get3A_431, %get3A_432] {strides = array<i32>} : memref<16x128xf32, #tpu.memory_space<vmem>>, vector<16xf32>,
      %add3A_434 = arith.addf %add3A_429, %get3A_433 : vector<16xf32>
      %get3A_435 = arith.constant 2 : i32
      %get3A_436 = arith.index_cast %get3A_435 : i32 to index
      %get3A_437 = arith.constant 48 : index
      %get3A_438 = tpu.vector_load %arg14[%get3A_436, %get3A_437] {strides = array<i32>} : memref<16x128xf32, #tpu.memory_space<vmem>>, vector<16xf32>,
      %add3A_439 = arith.addf %add3A_434, %get3A_438 : vector<16xf32>
      %get3A_440 = arith.constant 3 : i32
      %get3A_441 = arith.index_cast %get3A_440 : i32 to index
      %get3A_442 = arith.constant 48 : index
      %get3A_443 = tpu.vector_load %arg14[%get3A_441, %get3A_442] {strides = array<i32>} : memref<16x128xf32, #tpu.memory_space<vmem>>, vector<16xf32>,
      %add3A_444 = arith.addf %add3A_439, %get3A_443 : vector<16xf32>
      %get3A_445 = arith.constant 4 : i32
      %get3A_446 = arith.index_cast %get3A_445 : i32 to index
      %get3A_447 = arith.constant 48 : index
      %get3A_448 = tpu.vector_load %arg14[%get3A_446, %get3A_447] {strides = array<i32>} : memref<16x128xf32, #tpu.memory_space<vmem>>, vector<16xf32>,
      %add3A_449 = arith.addf %add3A_444, %get3A_448 : vector<16xf32>
      %get3A_450 = arith.constant 5 : i32
      %get3A_451 = arith.index_cast %get3A_450 : i32 to index
      %get3A_452 = arith.constant 48 : index
      %get3A_453 = tpu.vector_load %arg14[%get3A_451, %get3A_452] {strides = array<i32>} : memref<16x128xf32, #tpu.memory_space<vmem>>, vector<16xf32>,
      %add3A_454 = arith.addf %add3A_449, %get3A_453 : vector<16xf32>
      %get3A_455 = arith.constant 6 : i32
      %get3A_456 = arith.index_cast %get3A_455 : i32 to index
      %get3A_457 = arith.constant 48 : index
      %get3A_458 = tpu.vector_load %arg14[%get3A_456, %get3A_457] {strides = array<i32>} : memref<16x128xf32, #tpu.memory_space<vmem>>, vector<16xf32>,
      %add3A_459 = arith.addf %add3A_454, %get3A_458 : vector<16xf32>
      %get3A_460 = arith.constant 7 : i32
      %get3A_461 = arith.index_cast %get3A_460 : i32 to index
      %get3A_462 = arith.constant 48 : index
      %get3A_463 = tpu.vector_load %arg14[%get3A_461, %get3A_462] {strides = array<i32>} : memref<16x128xf32, #tpu.memory_space<vmem>>, vector<16xf32>,
      %add3A_464 = arith.addf %add3A_459, %get3A_463 : vector<16xf32>
      %get3A_465 = arith.constant 8 : i32
      %get3A_466 = arith.index_cast %get3A_465 : i32 to index
      %get3A_467 = arith.constant 48 : index
      %get3A_468 = tpu.vector_load %arg14[%get3A_466, %get3A_467] {strides = array<i32>} : memref<16x128xf32, #tpu.memory_space<vmem>>, vector<16xf32>,
      %add3A_469 = arith.addf %add3A_464, %get3A_468 : vector<16xf32>
      %get3A_470 = arith.constant 9 : i32
      %get3A_471 = arith.index_cast %get3A_470 : i32 to index
      %get3A_472 = arith.constant 48 : index
      %get3A_473 = tpu.vector_load %arg14[%get3A_471, %get3A_472] {strides = array<i32>} : memref<16x128xf32, #tpu.memory_space<vmem>>, vector<16xf32>,
      %add3A_474 = arith.addf %add3A_469, %get3A_473 : vector<16xf32>
      %get3A_475 = arith.constant 10 : i32
      %get3A_476 = arith.index_cast %get3A_475 : i32 to index
      %get3A_477 = arith.constant 48 : index
      %get3A_478 = tpu.vector_load %arg14[%get3A_476, %get3A_477] {strides = array<i32>} : memref<16x128xf32, #tpu.memory_space<vmem>>, vector<16xf32>,
      %add3A_479 = arith.addf %add3A_474, %get3A_478 : vector<16xf32>
      %get3A_480 = arith.constant 11 : i32
      %get3A_481 = arith.index_cast %get3A_480 : i32 to index
      %get3A_482 = arith.constant 48 : index
      %get3A_483 = tpu.vector_load %arg14[%get3A_481, %get3A_482] {strides = array<i32>} : memref<16x128xf32, #tpu.memory_space<vmem>>, vector<16xf32>,
      %add3A_484 = arith.addf %add3A_479, %get3A_483 : vector<16xf32>
      %get3A_485 = arith.constant 12 : i32
      %get3A_486 = arith.index_cast %get3A_485 : i32 to index
      %get3A_487 = arith.constant 48 : index
      %get3A_488 = tpu.vector_load %arg14[%get3A_486, %get3A_487] {strides = array<i32>} : memref<16x128xf32, #tpu.memory_space<vmem>>, vector<16xf32>,
      %add3A_489 = arith.addf %add3A_484, %get3A_488 : vector<16xf32>
      %get3A_490 = arith.constant 13 : i32
      %get3A_491 = arith.index_cast %get3A_490 : i32 to index
      %get3A_492 = arith.constant 48 : index
      %get3A_493 = tpu.vector_load %arg14[%get3A_491, %get3A_492] {strides = array<i32>} : memref<16x128xf32, #tpu.memory_space<vmem>>, vector<16xf32>,
      %add3A_494 = arith.addf %add3A_489, %get3A_493 : vector<16xf32>
      %get3A_495 = arith.constant 14 : i32
      %get3A_496 = arith.index_cast %get3A_495 : i32 to index
      %get3A_497 = arith.constant 48 : index
      %get3A_498 = tpu.vector_load %arg14[%get3A_496, %get3A_497] {strides = array<i32>} : memref<16x128xf32, #tpu.memory_space<vmem>>, vector<16xf32>,
      %add3A_499 = arith.addf %add3A_494, %get3A_498 : vector<16xf32>
      %get3A_500 = arith.constant 15 : i32
      %get3A_501 = arith.index_cast %get3A_500 : i32 to index
      %get3A_502 = arith.constant 48 : index
      %get3A_503 = tpu.vector_load %arg14[%get3A_501, %get3A_502] {strides = array<i32>} : memref<16x128xf32, #tpu.memory_space<vmem>>, vector<16xf32>,
      %add3A_504 = arith.addf %add3A_499, %get3A_503 : vector<16xf32>
      %mul3A_505 = vector.broadcast %cond3A_167 : f32 to vector<16xf32>
      %mul3A_506 = arith.mulf %add3A_504, %mul3A_505 : vector<16xf32>
      %swap3A_507 = arith.constant 48 : index
      %swap3A_508 = tpu.vector_load %arg13[%swap3A_507] {strides = array<i32>} : memref<64xf32, #tpu.memory_space<vmem>>, vector<16xf32>,
      tpu.vector_store %arg13[%swap3A_507], %mul3A_506 {strides = array<i32>} : memref<64xf32, #tpu.memory_space<vmem>>, vector<16xf32>,
      %mul3A_509 = arith.constant 2 : i32
      %mul3A_510 = arith.muli %arg1, %mul3A_509 : i32
      %add3A_511 = arith.constant 0 : i32
      %add3A_512 = arith.addi %mul3A_510, %add3A_511 : i32
      "tpu.region"() ({
        %run_scoped3A = tpu.sem_alloc : memref<!tpu.dma_semaphore, #tpu.memory_space<semaphore_mem>>
        %dma_start3A = arith.constant 0 : i32
        %dma_start3A_853 = tpu.memref_slice %arg5[%arg0, %add3A_512, %dma_start3A] : memref<2x16x64xf32, #tpu.memory_space<hbm>> -> memref<1x1x64xf32, #tpu.memory_space<hbm>>
        %dma_start3A_854 = tpu.memref_squeeze %dma_start3A_853 : memref<1x1x64xf32, #tpu.memory_space<hbm>> -> memref<64xf32, #tpu.memory_space<hbm>>
        %dma_start3A_855 = arith.constant 0 : i32
        %dma_start3A_856 = tpu.memref_slice %arg5[%arg0, %add3A_512, %dma_start3A_855] : memref<2x16x64xf32, #tpu.memory_space<hbm>> -> memref<1x1x64xf32, #tpu.memory_space<hbm>>
        %dma_start3A_857 = tpu.memref_squeeze %dma_start3A_856 : memref<1x1x64xf32, #tpu.memory_space<hbm>> -> memref<64xf32, #tpu.memory_space<hbm>>
        tpu.enqueue_dma source(%arg13 : memref<64xf32, #tpu.memory_space<vmem>>) target(%dma_start3A_857 : memref<64xf32, #tpu.memory_space<hbm>>) target_semaphore(%run_scoped3A : memref<!tpu.dma_semaphore, #tpu.memory_space<semaphore_mem>>)
        %dma_wait3A = arith.constant 0 : i32
        %dma_wait3A_858 = tpu.memref_slice %arg5[%arg0, %add3A_512, %dma_wait3A] : memref<2x16x64xf32, #tpu.memory_space<hbm>> -> memref<1x1x64xf32, #tpu.memory_space<hbm>>
        %dma_wait3A_859 = tpu.memref_squeeze %dma_wait3A_858 : memref<1x1x64xf32, #tpu.memory_space<hbm>> -> memref<64xf32, #tpu.memory_space<hbm>>
        %dma_wait3A_860 = arith.constant 0 : i32
        %dma_wait3A_861 = tpu.memref_slice %arg5[%arg0, %add3A_512, %dma_wait3A_860] : memref<2x16x64xf32, #tpu.memory_space<hbm>> -> memref<1x1x64xf32, #tpu.memory_space<hbm>>
        %dma_wait3A_862 = tpu.memref_squeeze %dma_wait3A_861 : memref<1x1x64xf32, #tpu.memory_space<hbm>> -> memref<64xf32, #tpu.memory_space<hbm>>
        tpu.wait_dma2 semaphore(%run_scoped3A : memref<!tpu.dma_semaphore, #tpu.memory_space<semaphore_mem>>) src(%arg13 : memref<64xf32, #tpu.memory_space<vmem>>) dst(%dma_wait3A_862 : memref<64xf32, #tpu.memory_space<hbm>>)
        tpu.yield
      }) : () -> ()
      %get3A_513 = arith.constant 0 : i32
      %get3A_514 = arith.index_cast %get3A_513 : i32 to index
      %get3A_515 = arith.constant 64 : index
      %get3A_516 = tpu.vector_load %arg14[%get3A_514, %get3A_515] {strides = array<i32>} : memref<16x128xf32, #tpu.memory_space<vmem>>, vector<16xf32>,
      %add3A_517 = arith.addf %broadcast_in_dim3A_31, %get3A_516 : vector<16xf32>
      %get3A_518 = arith.constant 1 : i32
      %get3A_519 = arith.index_cast %get3A_518 : i32 to index
      %get3A_520 = arith.constant 64 : index
      %get3A_521 = tpu.vector_load %arg14[%get3A_519, %get3A_520] {strides = array<i32>} : memref<16x128xf32, #tpu.memory_space<vmem>>, vector<16xf32>,
      %add3A_522 = arith.addf %add3A_517, %get3A_521 : vector<16xf32>
      %get3A_523 = arith.constant 2 : i32
      %get3A_524 = arith.index_cast %get3A_523 : i32 to index
      %get3A_525 = arith.constant 64 : index
      %get3A_526 = tpu.vector_load %arg14[%get3A_524, %get3A_525] {strides = array<i32>} : memref<16x128xf32, #tpu.memory_space<vmem>>, vector<16xf32>,
      %add3A_527 = arith.addf %add3A_522, %get3A_526 : vector<16xf32>
      %get3A_528 = arith.constant 3 : i32
      %get3A_529 = arith.index_cast %get3A_528 : i32 to index
      %get3A_530 = arith.constant 64 : index
      %get3A_531 = tpu.vector_load %arg14[%get3A_529, %get3A_530] {strides = array<i32>} : memref<16x128xf32, #tpu.memory_space<vmem>>, vector<16xf32>,
      %add3A_532 = arith.addf %add3A_527, %get3A_531 : vector<16xf32>
      %get3A_533 = arith.constant 4 : i32
      %get3A_534 = arith.index_cast %get3A_533 : i32 to index
      %get3A_535 = arith.constant 64 : index
      %get3A_536 = tpu.vector_load %arg14[%get3A_534, %get3A_535] {strides = array<i32>} : memref<16x128xf32, #tpu.memory_space<vmem>>, vector<16xf32>,
      %add3A_537 = arith.addf %add3A_532, %get3A_536 : vector<16xf32>
      %get3A_538 = arith.constant 5 : i32
      %get3A_539 = arith.index_cast %get3A_538 : i32 to index
      %get3A_540 = arith.constant 64 : index
      %get3A_541 = tpu.vector_load %arg14[%get3A_539, %get3A_540] {strides = array<i32>} : memref<16x128xf32, #tpu.memory_space<vmem>>, vector<16xf32>,
      %add3A_542 = arith.addf %add3A_537, %get3A_541 : vector<16xf32>
      %get3A_543 = arith.constant 6 : i32
      %get3A_544 = arith.index_cast %get3A_543 : i32 to index
      %get3A_545 = arith.constant 64 : index
      %get3A_546 = tpu.vector_load %arg14[%get3A_544, %get3A_545] {strides = array<i32>} : memref<16x128xf32, #tpu.memory_space<vmem>>, vector<16xf32>,
      %add3A_547 = arith.addf %add3A_542, %get3A_546 : vector<16xf32>
      %get3A_548 = arith.constant 7 : i32
      %get3A_549 = arith.index_cast %get3A_548 : i32 to index
      %get3A_550 = arith.constant 64 : index
      %get3A_551 = tpu.vector_load %arg14[%get3A_549, %get3A_550] {strides = array<i32>} : memref<16x128xf32, #tpu.memory_space<vmem>>, vector<16xf32>,
      %add3A_552 = arith.addf %add3A_547, %get3A_551 : vector<16xf32>
      %get3A_553 = arith.constant 8 : i32
      %get3A_554 = arith.index_cast %get3A_553 : i32 to index
      %get3A_555 = arith.constant 64 : index
      %get3A_556 = tpu.vector_load %arg14[%get3A_554, %get3A_555] {strides = array<i32>} : memref<16x128xf32, #tpu.memory_space<vmem>>, vector<16xf32>,
      %add3A_557 = arith.addf %add3A_552, %get3A_556 : vector<16xf32>
      %get3A_558 = arith.constant 9 : i32
      %get3A_559 = arith.index_cast %get3A_558 : i32 to index
      %get3A_560 = arith.constant 64 : index
      %get3A_561 = tpu.vector_load %arg14[%get3A_559, %get3A_560] {strides = array<i32>} : memref<16x128xf32, #tpu.memory_space<vmem>>, vector<16xf32>,
      %add3A_562 = arith.addf %add3A_557, %get3A_561 : vector<16xf32>
      %get3A_563 = arith.constant 10 : i32
      %get3A_564 = arith.index_cast %get3A_563 : i32 to index
      %get3A_565 = arith.constant 64 : index
      %get3A_566 = tpu.vector_load %arg14[%get3A_564, %get3A_565] {strides = array<i32>} : memref<16x128xf32, #tpu.memory_space<vmem>>, vector<16xf32>,
      %add3A_567 = arith.addf %add3A_562, %get3A_566 : vector<16xf32>
      %get3A_568 = arith.constant 11 : i32
      %get3A_569 = arith.index_cast %get3A_568 : i32 to index
      %get3A_570 = arith.constant 64 : index
      %get3A_571 = tpu.vector_load %arg14[%get3A_569, %get3A_570] {strides = array<i32>} : memref<16x128xf32, #tpu.memory_space<vmem>>, vector<16xf32>,
      %add3A_572 = arith.addf %add3A_567, %get3A_571 : vector<16xf32>
      %get3A_573 = arith.constant 12 : i32
      %get3A_574 = arith.index_cast %get3A_573 : i32 to index
      %get3A_575 = arith.constant 64 : index
      %get3A_576 = tpu.vector_load %arg14[%get3A_574, %get3A_575] {strides = array<i32>} : memref<16x128xf32, #tpu.memory_space<vmem>>, vector<16xf32>,
      %add3A_577 = arith.addf %add3A_572, %get3A_576 : vector<16xf32>
      %get3A_578 = arith.constant 13 : i32
      %get3A_579 = arith.index_cast %get3A_578 : i32 to index
      %get3A_580 = arith.constant 64 : index
      %get3A_581 = tpu.vector_load %arg14[%get3A_579, %get3A_580] {strides = array<i32>} : memref<16x128xf32, #tpu.memory_space<vmem>>, vector<16xf32>,
      %add3A_582 = arith.addf %add3A_577, %get3A_581 : vector<16xf32>
      %get3A_583 = arith.constant 14 : i32
      %get3A_584 = arith.index_cast %get3A_583 : i32 to index
      %get3A_585 = arith.constant 64 : index
      %get3A_586 = tpu.vector_load %arg14[%get3A_584, %get3A_585] {strides = array<i32>} : memref<16x128xf32, #tpu.memory_space<vmem>>, vector<16xf32>,
      %add3A_587 = arith.addf %add3A_582, %get3A_586 : vector<16xf32>
      %get3A_588 = arith.constant 15 : i32
      %get3A_589 = arith.index_cast %get3A_588 : i32 to index
      %get3A_590 = arith.constant 64 : index
      %get3A_591 = tpu.vector_load %arg14[%get3A_589, %get3A_590] {strides = array<i32>} : memref<16x128xf32, #tpu.memory_space<vmem>>, vector<16xf32>,
      %add3A_592 = arith.addf %add3A_587, %get3A_591 : vector<16xf32>
      %mul3A_593 = vector.broadcast %cond3A_167 : f32 to vector<16xf32>
      %mul3A_594 = arith.mulf %add3A_592, %mul3A_593 : vector<16xf32>
      %swap3A_595 = arith.constant 0 : index
      %swap3A_596 = tpu.vector_load %arg13[%swap3A_595] {strides = array<i32>} : memref<64xf32, #tpu.memory_space<vmem>>, vector<16xf32>,
      tpu.vector_store %arg13[%swap3A_595], %mul3A_594 {strides = array<i32>} : memref<64xf32, #tpu.memory_space<vmem>>, vector<16xf32>,
      %get3A_597 = arith.constant 0 : i32
      %get3A_598 = arith.index_cast %get3A_597 : i32 to index
      %get3A_599 = arith.constant 80 : index
      %get3A_600 = tpu.vector_load %arg14[%get3A_598, %get3A_599] {strides = array<i32>} : memref<16x128xf32, #tpu.memory_space<vmem>>, vector<16xf32>,
      %add3A_601 = arith.addf %broadcast_in_dim3A_31, %get3A_600 : vector<16xf32>
      %get3A_602 = arith.constant 1 : i32
      %get3A_603 = arith.index_cast %get3A_602 : i32 to index
      %get3A_604 = arith.constant 80 : index
      %get3A_605 = tpu.vector_load %arg14[%get3A_603, %get3A_604] {strides = array<i32>} : memref<16x128xf32, #tpu.memory_space<vmem>>, vector<16xf32>,
      %add3A_606 = arith.addf %add3A_601, %get3A_605 : vector<16xf32>
      %get3A_607 = arith.constant 2 : i32
      %get3A_608 = arith.index_cast %get3A_607 : i32 to index
      %get3A_609 = arith.constant 80 : index
      %get3A_610 = tpu.vector_load %arg14[%get3A_608, %get3A_609] {strides = array<i32>} : memref<16x128xf32, #tpu.memory_space<vmem>>, vector<16xf32>,
      %add3A_611 = arith.addf %add3A_606, %get3A_610 : vector<16xf32>
      %get3A_612 = arith.constant 3 : i32
      %get3A_613 = arith.index_cast %get3A_612 : i32 to index
      %get3A_614 = arith.constant 80 : index
      %get3A_615 = tpu.vector_load %arg14[%get3A_613, %get3A_614] {strides = array<i32>} : memref<16x128xf32, #tpu.memory_space<vmem>>, vector<16xf32>,
      %add3A_616 = arith.addf %add3A_611, %get3A_615 : vector<16xf32>
      %get3A_617 = arith.constant 4 : i32
      %get3A_618 = arith.index_cast %get3A_617 : i32 to index
      %get3A_619 = arith.constant 80 : index
      %get3A_620 = tpu.vector_load %arg14[%get3A_618, %get3A_619] {strides = array<i32>} : memref<16x128xf32, #tpu.memory_space<vmem>>, vector<16xf32>,
      %add3A_621 = arith.addf %add3A_616, %get3A_620 : vector<16xf32>
      %get3A_622 = arith.constant 5 : i32
      %get3A_623 = arith.index_cast %get3A_622 : i32 to index
      %get3A_624 = arith.constant 80 : index
      %get3A_625 = tpu.vector_load %arg14[%get3A_623, %get3A_624] {strides = array<i32>} : memref<16x128xf32, #tpu.memory_space<vmem>>, vector<16xf32>,
      %add3A_626 = arith.addf %add3A_621, %get3A_625 : vector<16xf32>
      %get3A_627 = arith.constant 6 : i32
      %get3A_628 = arith.index_cast %get3A_627 : i32 to index
      %get3A_629 = arith.constant 80 : index
      %get3A_630 = tpu.vector_load %arg14[%get3A_628, %get3A_629] {strides = array<i32>} : memref<16x128xf32, #tpu.memory_space<vmem>>, vector<16xf32>,
      %add3A_631 = arith.addf %add3A_626, %get3A_630 : vector<16xf32>
      %get3A_632 = arith.constant 7 : i32
      %get3A_633 = arith.index_cast %get3A_632 : i32 to index
      %get3A_634 = arith.constant 80 : index
      %get3A_635 = tpu.vector_load %arg14[%get3A_633, %get3A_634] {strides = array<i32>} : memref<16x128xf32, #tpu.memory_space<vmem>>, vector<16xf32>,
      %add3A_636 = arith.addf %add3A_631, %get3A_635 : vector<16xf32>
      %get3A_637 = arith.constant 8 : i32
      %get3A_638 = arith.index_cast %get3A_637 : i32 to index
      %get3A_639 = arith.constant 80 : index
      %get3A_640 = tpu.vector_load %arg14[%get3A_638, %get3A_639] {strides = array<i32>} : memref<16x128xf32, #tpu.memory_space<vmem>>, vector<16xf32>,
      %add3A_641 = arith.addf %add3A_636, %get3A_640 : vector<16xf32>
      %get3A_642 = arith.constant 9 : i32
      %get3A_643 = arith.index_cast %get3A_642 : i32 to index
      %get3A_644 = arith.constant 80 : index
      %get3A_645 = tpu.vector_load %arg14[%get3A_643, %get3A_644] {strides = array<i32>} : memref<16x128xf32, #tpu.memory_space<vmem>>, vector<16xf32>,
      %add3A_646 = arith.addf %add3A_641, %get3A_645 : vector<16xf32>
      %get3A_647 = arith.constant 10 : i32
      %get3A_648 = arith.index_cast %get3A_647 : i32 to index
      %get3A_649 = arith.constant 80 : index
      %get3A_650 = tpu.vector_load %arg14[%get3A_648, %get3A_649] {strides = array<i32>} : memref<16x128xf32, #tpu.memory_space<vmem>>, vector<16xf32>,
      %add3A_651 = arith.addf %add3A_646, %get3A_650 : vector<16xf32>
      %get3A_652 = arith.constant 11 : i32
      %get3A_653 = arith.index_cast %get3A_652 : i32 to index
      %get3A_654 = arith.constant 80 : index
      %get3A_655 = tpu.vector_load %arg14[%get3A_653, %get3A_654] {strides = array<i32>} : memref<16x128xf32, #tpu.memory_space<vmem>>, vector<16xf32>,
      %add3A_656 = arith.addf %add3A_651, %get3A_655 : vector<16xf32>
      %get3A_657 = arith.constant 12 : i32
      %get3A_658 = arith.index_cast %get3A_657 : i32 to index
      %get3A_659 = arith.constant 80 : index
      %get3A_660 = tpu.vector_load %arg14[%get3A_658, %get3A_659] {strides = array<i32>} : memref<16x128xf32, #tpu.memory_space<vmem>>, vector<16xf32>,
      %add3A_661 = arith.addf %add3A_656, %get3A_660 : vector<16xf32>
      %get3A_662 = arith.constant 13 : i32
      %get3A_663 = arith.index_cast %get3A_662 : i32 to index
      %get3A_664 = arith.constant 80 : index
      %get3A_665 = tpu.vector_load %arg14[%get3A_663, %get3A_664] {strides = array<i32>} : memref<16x128xf32, #tpu.memory_space<vmem>>, vector<16xf32>,
      %add3A_666 = arith.addf %add3A_661, %get3A_665 : vector<16xf32>
      %get3A_667 = arith.constant 14 : i32
      %get3A_668 = arith.index_cast %get3A_667 : i32 to index
      %get3A_669 = arith.constant 80 : index
      %get3A_670 = tpu.vector_load %arg14[%get3A_668, %get3A_669] {strides = array<i32>} : memref<16x128xf32, #tpu.memory_space<vmem>>, vector<16xf32>,
      %add3A_671 = arith.addf %add3A_666, %get3A_670 : vector<16xf32>
      %get3A_672 = arith.constant 15 : i32
      %get3A_673 = arith.index_cast %get3A_672 : i32 to index
      %get3A_674 = arith.constant 80 : index
      %get3A_675 = tpu.vector_load %arg14[%get3A_673, %get3A_674] {strides = array<i32>} : memref<16x128xf32, #tpu.memory_space<vmem>>, vector<16xf32>,
      %add3A_676 = arith.addf %add3A_671, %get3A_675 : vector<16xf32>
      %mul3A_677 = vector.broadcast %cond3A_167 : f32 to vector<16xf32>
      %mul3A_678 = arith.mulf %add3A_676, %mul3A_677 : vector<16xf32>
      %swap3A_679 = arith.constant 16 : index
      %swap3A_680 = tpu.vector_load %arg13[%swap3A_679] {strides = array<i32>} : memref<64xf32, #tpu.memory_space<vmem>>, vector<16xf32>,
      tpu.vector_store %arg13[%swap3A_679], %mul3A_678 {strides = array<i32>} : memref<64xf32, #tpu.memory_space<vmem>>, vector<16xf32>,
      %get3A_681 = arith.constant 0 : i32
      %get3A_682 = arith.index_cast %get3A_681 : i32 to index
      %get3A_683 = arith.constant 96 : index
      %get3A_684 = tpu.vector_load %arg14[%get3A_682, %get3A_683] {strides = array<i32>} : memref<16x128xf32, #tpu.memory_space<vmem>>, vector<16xf32>,
      %add3A_685 = arith.addf %broadcast_in_dim3A_31, %get3A_684 : vector<16xf32>
      %get3A_686 = arith.constant 1 : i32
      %get3A_687 = arith.index_cast %get3A_686 : i32 to index
      %get3A_688 = arith.constant 96 : index
      %get3A_689 = tpu.vector_load %arg14[%get3A_687, %get3A_688] {strides = array<i32>} : memref<16x128xf32, #tpu.memory_space<vmem>>, vector<16xf32>,
      %add3A_690 = arith.addf %add3A_685, %get3A_689 : vector<16xf32>
      %get3A_691 = arith.constant 2 : i32
      %get3A_692 = arith.index_cast %get3A_691 : i32 to index
      %get3A_693 = arith.constant 96 : index
      %get3A_694 = tpu.vector_load %arg14[%get3A_692, %get3A_693] {strides = array<i32>} : memref<16x128xf32, #tpu.memory_space<vmem>>, vector<16xf32>,
      %add3A_695 = arith.addf %add3A_690, %get3A_694 : vector<16xf32>
      %get3A_696 = arith.constant 3 : i32
      %get3A_697 = arith.index_cast %get3A_696 : i32 to index
      %get3A_698 = arith.constant 96 : index
      %get3A_699 = tpu.vector_load %arg14[%get3A_697, %get3A_698] {strides = array<i32>} : memref<16x128xf32, #tpu.memory_space<vmem>>, vector<16xf32>,
      %add3A_700 = arith.addf %add3A_695, %get3A_699 : vector<16xf32>
      %get3A_701 = arith.constant 4 : i32
      %get3A_702 = arith.index_cast %get3A_701 : i32 to index
      %get3A_703 = arith.constant 96 : index
      %get3A_704 = tpu.vector_load %arg14[%get3A_702, %get3A_703] {strides = array<i32>} : memref<16x128xf32, #tpu.memory_space<vmem>>, vector<16xf32>,
      %add3A_705 = arith.addf %add3A_700, %get3A_704 : vector<16xf32>
      %get3A_706 = arith.constant 5 : i32
      %get3A_707 = arith.index_cast %get3A_706 : i32 to index
      %get3A_708 = arith.constant 96 : index
      %get3A_709 = tpu.vector_load %arg14[%get3A_707, %get3A_708] {strides = array<i32>} : memref<16x128xf32, #tpu.memory_space<vmem>>, vector<16xf32>,
      %add3A_710 = arith.addf %add3A_705, %get3A_709 : vector<16xf32>
      %get3A_711 = arith.constant 6 : i32
      %get3A_712 = arith.index_cast %get3A_711 : i32 to index
      %get3A_713 = arith.constant 96 : index
      %get3A_714 = tpu.vector_load %arg14[%get3A_712, %get3A_713] {strides = array<i32>} : memref<16x128xf32, #tpu.memory_space<vmem>>, vector<16xf32>,
      %add3A_715 = arith.addf %add3A_710, %get3A_714 : vector<16xf32>
      %get3A_716 = arith.constant 7 : i32
      %get3A_717 = arith.index_cast %get3A_716 : i32 to index
      %get3A_718 = arith.constant 96 : index
      %get3A_719 = tpu.vector_load %arg14[%get3A_717, %get3A_718] {strides = array<i32>} : memref<16x128xf32, #tpu.memory_space<vmem>>, vector<16xf32>,
      %add3A_720 = arith.addf %add3A_715, %get3A_719 : vector<16xf32>
      %get3A_721 = arith.constant 8 : i32
      %get3A_722 = arith.index_cast %get3A_721 : i32 to index
      %get3A_723 = arith.constant 96 : index
      %get3A_724 = tpu.vector_load %arg14[%get3A_722, %get3A_723] {strides = array<i32>} : memref<16x128xf32, #tpu.memory_space<vmem>>, vector<16xf32>,
      %add3A_725 = arith.addf %add3A_720, %get3A_724 : vector<16xf32>
      %get3A_726 = arith.constant 9 : i32
      %get3A_727 = arith.index_cast %get3A_726 : i32 to index
      %get3A_728 = arith.constant 96 : index
      %get3A_729 = tpu.vector_load %arg14[%get3A_727, %get3A_728] {strides = array<i32>} : memref<16x128xf32, #tpu.memory_space<vmem>>, vector<16xf32>,
      %add3A_730 = arith.addf %add3A_725, %get3A_729 : vector<16xf32>
      %get3A_731 = arith.constant 10 : i32
      %get3A_732 = arith.index_cast %get3A_731 : i32 to index
      %get3A_733 = arith.constant 96 : index
      %get3A_734 = tpu.vector_load %arg14[%get3A_732, %get3A_733] {strides = array<i32>} : memref<16x128xf32, #tpu.memory_space<vmem>>, vector<16xf32>,
      %add3A_735 = arith.addf %add3A_730, %get3A_734 : vector<16xf32>
      %get3A_736 = arith.constant 11 : i32
      %get3A_737 = arith.index_cast %get3A_736 : i32 to index
      %get3A_738 = arith.constant 96 : index
      %get3A_739 = tpu.vector_load %arg14[%get3A_737, %get3A_738] {strides = array<i32>} : memref<16x128xf32, #tpu.memory_space<vmem>>, vector<16xf32>,
      %add3A_740 = arith.addf %add3A_735, %get3A_739 : vector<16xf32>
      %get3A_741 = arith.constant 12 : i32
      %get3A_742 = arith.index_cast %get3A_741 : i32 to index
      %get3A_743 = arith.constant 96 : index
      %get3A_744 = tpu.vector_load %arg14[%get3A_742, %get3A_743] {strides = array<i32>} : memref<16x128xf32, #tpu.memory_space<vmem>>, vector<16xf32>,
      %add3A_745 = arith.addf %add3A_740, %get3A_744 : vector<16xf32>
      %get3A_746 = arith.constant 13 : i32
      %get3A_747 = arith.index_cast %get3A_746 : i32 to index
      %get3A_748 = arith.constant 96 : index
      %get3A_749 = tpu.vector_load %arg14[%get3A_747, %get3A_748] {strides = array<i32>} : memref<16x128xf32, #tpu.memory_space<vmem>>, vector<16xf32>,
      %add3A_750 = arith.addf %add3A_745, %get3A_749 : vector<16xf32>
      %get3A_751 = arith.constant 14 : i32
      %get3A_752 = arith.index_cast %get3A_751 : i32 to index
      %get3A_753 = arith.constant 96 : index
      %get3A_754 = tpu.vector_load %arg14[%get3A_752, %get3A_753] {strides = array<i32>} : memref<16x128xf32, #tpu.memory_space<vmem>>, vector<16xf32>,
      %add3A_755 = arith.addf %add3A_750, %get3A_754 : vector<16xf32>
      %get3A_756 = arith.constant 15 : i32
      %get3A_757 = arith.index_cast %get3A_756 : i32 to index
      %get3A_758 = arith.constant 96 : index
      %get3A_759 = tpu.vector_load %arg14[%get3A_757, %get3A_758] {strides = array<i32>} : memref<16x128xf32, #tpu.memory_space<vmem>>, vector<16xf32>,
      %add3A_760 = arith.addf %add3A_755, %get3A_759 : vector<16xf32>
      %mul3A_761 = vector.broadcast %cond3A_167 : f32 to vector<16xf32>
      %mul3A_762 = arith.mulf %add3A_760, %mul3A_761 : vector<16xf32>
      %swap3A_763 = arith.constant 32 : index
      %swap3A_764 = tpu.vector_load %arg13[%swap3A_763] {strides = array<i32>} : memref<64xf32, #tpu.memory_space<vmem>>, vector<16xf32>,
      tpu.vector_store %arg13[%swap3A_763], %mul3A_762 {strides = array<i32>} : memref<64xf32, #tpu.memory_space<vmem>>, vector<16xf32>,
      %get3A_765 = arith.constant 0 : i32
      %get3A_766 = arith.index_cast %get3A_765 : i32 to index
      %get3A_767 = arith.constant 112 : index
      %get3A_768 = tpu.vector_load %arg14[%get3A_766, %get3A_767] {strides = array<i32>} : memref<16x128xf32, #tpu.memory_space<vmem>>, vector<16xf32>,
      %add3A_769 = arith.addf %broadcast_in_dim3A_31, %get3A_768 : vector<16xf32>
      %get3A_770 = arith.constant 1 : i32
      %get3A_771 = arith.index_cast %get3A_770 : i32 to index
      %get3A_772 = arith.constant 112 : index
      %get3A_773 = tpu.vector_load %arg14[%get3A_771, %get3A_772] {strides = array<i32>} : memref<16x128xf32, #tpu.memory_space<vmem>>, vector<16xf32>,
      %add3A_774 = arith.addf %add3A_769, %get3A_773 : vector<16xf32>
      %get3A_775 = arith.constant 2 : i32
      %get3A_776 = arith.index_cast %get3A_775 : i32 to index
      %get3A_777 = arith.constant 112 : index
      %get3A_778 = tpu.vector_load %arg14[%get3A_776, %get3A_777] {strides = array<i32>} : memref<16x128xf32, #tpu.memory_space<vmem>>, vector<16xf32>,
      %add3A_779 = arith.addf %add3A_774, %get3A_778 : vector<16xf32>
      %get3A_780 = arith.constant 3 : i32
      %get3A_781 = arith.index_cast %get3A_780 : i32 to index
      %get3A_782 = arith.constant 112 : index
      %get3A_783 = tpu.vector_load %arg14[%get3A_781, %get3A_782] {strides = array<i32>} : memref<16x128xf32, #tpu.memory_space<vmem>>, vector<16xf32>,
      %add3A_784 = arith.addf %add3A_779, %get3A_783 : vector<16xf32>
      %get3A_785 = arith.constant 4 : i32
      %get3A_786 = arith.index_cast %get3A_785 : i32 to index
      %get3A_787 = arith.constant 112 : index
      %get3A_788 = tpu.vector_load %arg14[%get3A_786, %get3A_787] {strides = array<i32>} : memref<16x128xf32, #tpu.memory_space<vmem>>, vector<16xf32>,
      %add3A_789 = arith.addf %add3A_784, %get3A_788 : vector<16xf32>
      %get3A_790 = arith.constant 5 : i32
      %get3A_791 = arith.index_cast %get3A_790 : i32 to index
      %get3A_792 = arith.constant 112 : index
      %get3A_793 = tpu.vector_load %arg14[%get3A_791, %get3A_792] {strides = array<i32>} : memref<16x128xf32, #tpu.memory_space<vmem>>, vector<16xf32>,
      %add3A_794 = arith.addf %add3A_789, %get3A_793 : vector<16xf32>
      %get3A_795 = arith.constant 6 : i32
      %get3A_796 = arith.index_cast %get3A_795 : i32 to index
      %get3A_797 = arith.constant 112 : index
      %get3A_798 = tpu.vector_load %arg14[%get3A_796, %get3A_797] {strides = array<i32>} : memref<16x128xf32, #tpu.memory_space<vmem>>, vector<16xf32>,
      %add3A_799 = arith.addf %add3A_794, %get3A_798 : vector<16xf32>
      %get3A_800 = arith.constant 7 : i32
      %get3A_801 = arith.index_cast %get3A_800 : i32 to index
      %get3A_802 = arith.constant 112 : index
      %get3A_803 = tpu.vector_load %arg14[%get3A_801, %get3A_802] {strides = array<i32>} : memref<16x128xf32, #tpu.memory_space<vmem>>, vector<16xf32>,
      %add3A_804 = arith.addf %add3A_799, %get3A_803 : vector<16xf32>
      %get3A_805 = arith.constant 8 : i32
      %get3A_806 = arith.index_cast %get3A_805 : i32 to index
      %get3A_807 = arith.constant 112 : index
      %get3A_808 = tpu.vector_load %arg14[%get3A_806, %get3A_807] {strides = array<i32>} : memref<16x128xf32, #tpu.memory_space<vmem>>, vector<16xf32>,
      %add3A_809 = arith.addf %add3A_804, %get3A_808 : vector<16xf32>
      %get3A_810 = arith.constant 9 : i32
      %get3A_811 = arith.index_cast %get3A_810 : i32 to index
      %get3A_812 = arith.constant 112 : index
      %get3A_813 = tpu.vector_load %arg14[%get3A_811, %get3A_812] {strides = array<i32>} : memref<16x128xf32, #tpu.memory_space<vmem>>, vector<16xf32>,
      %add3A_814 = arith.addf %add3A_809, %get3A_813 : vector<16xf32>
      %get3A_815 = arith.constant 10 : i32
      %get3A_816 = arith.index_cast %get3A_815 : i32 to index
      %get3A_817 = arith.constant 112 : index
      %get3A_818 = tpu.vector_load %arg14[%get3A_816, %get3A_817] {strides = array<i32>} : memref<16x128xf32, #tpu.memory_space<vmem>>, vector<16xf32>,
      %add3A_819 = arith.addf %add3A_814, %get3A_818 : vector<16xf32>
      %get3A_820 = arith.constant 11 : i32
      %get3A_821 = arith.index_cast %get3A_820 : i32 to index
      %get3A_822 = arith.constant 112 : index
      %get3A_823 = tpu.vector_load %arg14[%get3A_821, %get3A_822] {strides = array<i32>} : memref<16x128xf32, #tpu.memory_space<vmem>>, vector<16xf32>,
      %add3A_824 = arith.addf %add3A_819, %get3A_823 : vector<16xf32>
      %get3A_825 = arith.constant 12 : i32
      %get3A_826 = arith.index_cast %get3A_825 : i32 to index
      %get3A_827 = arith.constant 112 : index
      %get3A_828 = tpu.vector_load %arg14[%get3A_826, %get3A_827] {strides = array<i32>} : memref<16x128xf32, #tpu.memory_space<vmem>>, vector<16xf32>,
      %add3A_829 = arith.addf %add3A_824, %get3A_828 : vector<16xf32>
      %get3A_830 = arith.constant 13 : i32
      %get3A_831 = arith.index_cast %get3A_830 : i32 to index
      %get3A_832 = arith.constant 112 : index
      %get3A_833 = tpu.vector_load %arg14[%get3A_831, %get3A_832] {strides = array<i32>} : memref<16x128xf32, #tpu.memory_space<vmem>>, vector<16xf32>,
      %add3A_834 = arith.addf %add3A_829, %get3A_833 : vector<16xf32>
      %get3A_835 = arith.constant 14 : i32
      %get3A_836 = arith.index_cast %get3A_835 : i32 to index
      %get3A_837 = arith.constant 112 : index
      %get3A_838 = tpu.vector_load %arg14[%get3A_836, %get3A_837] {strides = array<i32>} : memref<16x128xf32, #tpu.memory_space<vmem>>, vector<16xf32>,
      %add3A_839 = arith.addf %add3A_834, %get3A_838 : vector<16xf32>
      %get3A_840 = arith.constant 15 : i32
      %get3A_841 = arith.index_cast %get3A_840 : i32 to index
      %get3A_842 = arith.constant 112 : index
      %get3A_843 = tpu.vector_load %arg14[%get3A_841, %get3A_842] {strides = array<i32>} : memref<16x128xf32, #tpu.memory_space<vmem>>, vector<16xf32>,
      %add3A_844 = arith.addf %add3A_839, %get3A_843 : vector<16xf32>
      %mul3A_845 = vector.broadcast %cond3A_167 : f32 to vector<16xf32>
      %mul3A_846 = arith.mulf %add3A_844, %mul3A_845 : vector<16xf32>
      %swap3A_847 = arith.constant 48 : index
      %swap3A_848 = tpu.vector_load %arg13[%swap3A_847] {strides = array<i32>} : memref<64xf32, #tpu.memory_space<vmem>>, vector<16xf32>,
      tpu.vector_store %arg13[%swap3A_847], %mul3A_846 {strides = array<i32>} : memref<64xf32, #tpu.memory_space<vmem>>, vector<16xf32>,
      %mul3A_849 = arith.constant 2 : i32
      %mul3A_850 = arith.muli %arg1, %mul3A_849 : i32
      %add3A_851 = arith.constant 1 : i32
      %add3A_852 = arith.addi %mul3A_850, %add3A_851 : i32
      "tpu.region"() ({
        %run_scoped3A = tpu.sem_alloc : memref<!tpu.dma_semaphore, #tpu.memory_space<semaphore_mem>>
        %dma_start3A = arith.constant 0 : i32
        %dma_start3A_853 = tpu.memref_slice %arg5[%arg0, %add3A_852, %dma_start3A] : memref<2x16x64xf32, #tpu.memory_space<hbm>> -> memref<1x1x64xf32, #tpu.memory_space<hbm>>
        %dma_start3A_854 = tpu.memref_squeeze %dma_start3A_853 : memref<1x1x64xf32, #tpu.memory_space<hbm>> -> memref<64xf32, #tpu.memory_space<hbm>>
        %dma_start3A_855 = arith.constant 0 : i32
        %dma_start3A_856 = tpu.memref_slice %arg5[%arg0, %add3A_852, %dma_start3A_855] : memref<2x16x64xf32, #tpu.memory_space<hbm>> -> memref<1x1x64xf32, #tpu.memory_space<hbm>>
        %dma_start3A_857 = tpu.memref_squeeze %dma_start3A_856 : memref<1x1x64xf32, #tpu.memory_space<hbm>> -> memref<64xf32, #tpu.memory_space<hbm>>
        tpu.enqueue_dma source(%arg13 : memref<64xf32, #tpu.memory_space<vmem>>) target(%dma_start3A_857 : memref<64xf32, #tpu.memory_space<hbm>>) target_semaphore(%run_scoped3A : memref<!tpu.dma_semaphore, #tpu.memory_space<semaphore_mem>>)
        %dma_wait3A = arith.constant 0 : i32
        %dma_wait3A_858 = tpu.memref_slice %arg5[%arg0, %add3A_852, %dma_wait3A] : memref<2x16x64xf32, #tpu.memory_space<hbm>> -> memref<1x1x64xf32, #tpu.memory_space<hbm>>
        %dma_wait3A_859 = tpu.memref_squeeze %dma_wait3A_858 : memref<1x1x64xf32, #tpu.memory_space<hbm>> -> memref<64xf32, #tpu.memory_space<hbm>>
        %dma_wait3A_860 = arith.constant 0 : i32
        %dma_wait3A_861 = tpu.memref_slice %arg5[%arg0, %add3A_852, %dma_wait3A_860] : memref<2x16x64xf32, #tpu.memory_space<hbm>> -> memref<1x1x64xf32, #tpu.memory_space<hbm>>
        %dma_wait3A_862 = tpu.memref_squeeze %dma_wait3A_861 : memref<1x1x64xf32, #tpu.memory_space<hbm>> -> memref<64xf32, #tpu.memory_space<hbm>>
        tpu.wait_dma2 semaphore(%run_scoped3A : memref<!tpu.dma_semaphore, #tpu.memory_space<semaphore_mem>>) src(%arg13 : memref<64xf32, #tpu.memory_space<vmem>>) dst(%dma_wait3A_862 : memref<64xf32, #tpu.memory_space<hbm>>)
        tpu.yield
      }) : () -> ()
    } else {
    }
    return
  }
}

</mosaic_0001>

<sc_bundles>
// kernel: _pooled.3.cloned.1.call-start
scs
__scs_entry_jumppad:
0x0: {  	(pc) =	sbr.rel $0x88, $3  }
0x1: {  	(tag) =	ssettag $0x0;
	lr =	simm.s32 $0x1  }
0x2: {  	[smem:$0x3F9F] =	sst lr;
	_ =	strace $0xD0000000  }
0x3: {  	_ = 	snop  }
0x4: {  	_ = 	snop  }
0x5: {  	_ = 	snop  }
0x6: {  	_ = 	snop  }
0x7: {  	_ = 	snop  }
__scs_overlays_trampoline_lowered:
0x8: {  	[smem:$0x3FAE] =	sst s0  }
0x9: {  	[smem:$0x3FAF] =	sst s1  }
0xa: {  	[smem:$0x3FB0] =	sst s2  }
0xb: {  	[smem:$0x3FB1] =	sst s3  }
0xc: {  	[smem:$0x3FB2] =	sst s4  }
0xd: {  	[smem:$0x3FB3] =	sst s5  }
0xe: {  	[smem:$0x3FB4] =	sst s6  }
0xf: {  	[smem:$0x3FB5] =	sst s7  }
0x10: {  	[smem:$0x3FB6] =	sst s8  }
0x11: {  	[smem:$0x3FB7] =	sst s9;
	s0 =	simm.s32 @!p0 $0x0  }
0x12: {  	s1 =	sld [smem:$0x3F9D];
	s0 =	simm.s32 @p0 $0x1  }
0x13: {  	[smem:$0x3FB8] =	sst s0;
	s0 =	simm.s32 @!p1 $0x0  }
0x14: {  	s2 =	sld [smem:$0x3F9C];
	s0 =	simm.s32 @p1 $0x1  }
0x15: {  	[smem:$0x3FB9] =	sst s0;
	s0 =	simm.s32 @!p2 $0x0  }
0x16: {  	s3 =	sld [smem:$0x3FDB];
	s0 =	simm.s32 @p2 $0x1  }
0x17: {  	s4 =	simm.s32 $0x1BF5;
	[smem:$0x3FBB] =	sst s0  }
0x18: {  	s0 =	sld [smem:$0x3F9E];
	_ =	swait.ge [sflag:s4], $0x0  }
0x19: {  	s7 =	sld [smem:$0x3F9F]  }
0x1a: {  	s8 =	sadd.s32 $0xFFFFE003, lr  }
0x1b: {  	s9 =	sadd.s32 $0xFFFFFEF7, lr;
	s5 =	simm.s32 $0xFFFFFFFF;
	p2 =	slt.u32 s8, $0xFFFFF086  }
0x1c: {  	p1 =	slt.u32 s9, $0xF7A;
	s5 =	simm.s32 @!p2 $0x0  }
0x1d: {  	s5 =	simm.s32 @p1 $0x1;
	p0 =	seq.s32 s7, s2  }
0x1e: {  	s7 =	smul.u32 @!p0 $0xF7A, s2;
	p2 =	seq.s32 @!p0 s5, $0x0  }
0x1f: {  	s9 =	smul.u32 $0xF7A, s1;
	s8 =	simm.s32 @!p0 $0x1BF5;
	p2 =	por !p2, p0  }
0x20: {  	[sflag:s8] =	ssyncset.s32 @!p0 $0xFFFFF086;
	s6 =	sadd.s32 @!p0 s3, s7;
	s7 =	simm.s32 @!p0 $0x108  }
0x21: {  	s3 =	sadd.s32 s3, s9;
	s6 =	sadd.s32 @!p0 $0x88, s6;
	s7 =	simm.s32 @p2 $0x1082  }
0x22: {  	[simem:s7], [sflag:s8] =	dma.local @!p0 [hbm:s6], $0xF7A  }
0x23: {  	s9 =	sor.u32 $0xD0000000, s2;
	s6 =	simm.s32 $0x108;
	_ =	swait.ge @!p0 [sflag:s8], $0x0  }
0x24: {  	s3 =	sadd.s32 $0x88, s3;
	s6 =	simm.s32 @!p1 $0x1082;
	[sflag:s4] =	ssyncset.s32 $0xFFFFF086  }
0x25: {  	[simem:s6], [sflag:s4] =	dma.local [hbm:s3], $0xF7A  }
0x26: {  	[smem:$0x3F9F] =	sst s1;
	(tag) =	ssettag s2;
	_ =	strace s9  }
0x27: {  	s1 =	sld [smem:$0x3FAF]  }
0x28: {  	s2 =	sld [smem:$0x3FB0]  }
0x29: {  	s4 =	sld [smem:$0x3FB2]  }
0x2a: {  	p0 =	seq.s32 s5, $0x0;
	s5 =	sld [smem:$0x3FB3]  }
0x2b: {  	s6 =	sld [smem:$0x3FB4]  }
0x2c: {  	s7 =	sld [smem:$0x3FB5]  }
0x2d: {  	s3 =	simm.s32 $0x108;
	s8 =	sld [smem:$0x3FB6]  }
0x2e: {  	s3 =	simm.s32 @!p0 $0x1082;
	s9 =	sld [smem:$0x3FB7]  }
0x2f: {  	lr =	sadd.s32 s0, s3;
	s0 =	sld [smem:$0x3FAE]  }
0x30: {  	s3 =	sld [smem:$0x3FB1]  }
0x31: {  	[smem:$0x3FBA] =	sst s10  }
0x32: {  	s10 =	sld [smem:$0x3FB8];
	_ =	sdelay $0x3  }
0x33: {  	p0 =	seq.s32 s10, $0x1;
	s10 =	sld [smem:$0x3FBA];
	_ =	sdelay $0x3  }
0x34: {  	[smem:$0x3FBA] =	sst s10  }
0x35: {  	s10 =	sld [smem:$0x3FB9];
	_ =	sdelay $0x3  }
0x36: {  	p1 =	seq.s32 s10, $0x1;
	s10 =	sld [smem:$0x3FBA];
	_ =	sdelay $0x3  }
0x37: {  	[smem:$0x3FBA] =	sst s10  }
0x38: {  	s10 =	sld [smem:$0x3FBB]  }
0x39: {  	_ = 	snop;
	(pc) =	sbr.ind lr, $3  }
0x3a: {  	_ = 	snop  }
0x3b: {  	_ = 	snop  }
0x3c: {  	p2 =	seq.s32 s10, $0x1;
	s10 =	sld [smem:$0x3FBA]  }
0x3d: {  	_ =	shalt  }
0x3e: {  	_ =	shalt  }
0x3f: {  	_ =	shalt  }
0x40: {  	_ =	shalt  }
0x41: {  	_ =	shalt  }
0x42: {  	_ =	shalt  }
0x43: {  	_ =	shalt  }
0x44: {  	_ =	shalt  }
0x45: {  	_ =	shalt  }
0x46: {  	_ =	shalt  }
0x47: {  	_ =	shalt  }
0x48: {  	_ =	shalt  }
0x49: {  	_ =	shalt  }
0x4a: {  	_ =	shalt  }
0x4b: {  	_ =	shalt  }
0x4c: {  	_ =	shalt  }
0x4d: {  	_ =	shalt  }
0x4e: {  	_ =	shalt  }
0x4f: {  	_ =	shalt  }
0x50: {  	_ =	shalt  }
0x51: {  	_ =	shalt  }
0x52: {  	_ =	shalt  }
0x53: {  	_ =	shalt  }
0x54: {  	_ =	shalt  }
0x55: {  	_ =	shalt  }
0x56: {  	_ =	shalt  }
0x57: {  	_ =	shalt  }
0x58: {  	_ =	shalt  }
0x59: {  	_ =	shalt  }
0x5a: {  	_ =	shalt  }
0x5b: {  	_ =	shalt  }
0x5c: {  	_ =	shalt  }
0x5d: {  	_ =	shalt  }
0x5e: {  	_ =	shalt  }
0x5f: {  	_ =	shalt  }
0x60: {  	_ =	shalt  }
0x61: {  	_ =	shalt  }
0x62: {  	_ =	shalt  }
0x63: {  	_ =	shalt  }
0x64: {  	_ =	shalt  }
0x65: {  	_ =	shalt  }
0x66: {  	_ =	shalt  }
0x67: {  	_ =	shalt  }
0x68: {  	_ =	shalt  }
0x69: {  	_ =	shalt  }
0x6a: {  	_ =	shalt  }
0x6b: {  	_ =	shalt  }
0x6c: {  	_ =	shalt  }
0x6d: {  	_ =	shalt  }
0x6e: {  	_ =	shalt  }
0x6f: {  	_ =	shalt  }
0x70: {  	_ =	shalt  }
0x71: {  	_ =	shalt  }
0x72: {  	_ =	shalt  }
0x73: {  	_ =	shalt  }
0x74: {  	_ =	shalt  }
0x75: {  	_ =	shalt  }
0x76: {  	_ =	shalt  }
0x77: {  	_ =	shalt  }
0x78: {  	_ =	shalt  }
0x79: {  	_ =	shalt  }
0x7a: {  	_ =	shalt  }
0x7b: {  	_ =	shalt  }
0x7c: {  	_ =	shalt  }
0x7d: {  	_ =	shalt  }
0x7e: {  	_ =	shalt  }
0x7f: {  	_ =	shalt  }
0x80: {  	_ =	shalt  }
0x81: {  	_ =	shalt  }
0x82: {  	_ =	shalt  }
0x83: {  	_ =	shalt  }
0x84: {  	_ =	shalt  }
0x85: {  	_ =	shalt  }
0x86: {  	_ =	shalt  }
0x87: {  	_ =	shalt  }
.Lfunc_end0:
.L_simem_size_0:
called_computation_lowered:
.L_overlay_start_0:
0x88: {  	s2 =	sld [smem:$0x3FD9]  }
0x89: {  	s3 =	sld [smem:$0x3FFE];
	_ =	sdelay $0x1  }
0x8a: {  	s1 =	srdreg.scid  }
0x8b: {  	s0 =	sand.u32 $0x1, s1  }
0x8c: {  	s17 =	sshll.u32 s0, $0xA;
	s2 =	sadd.s32 s3, s2  }
0x8d: {  	s2 =	sadd.s32 s2, s17  }
0x8e: {  	[smem:$0x3FC6] =	sst s2  }
0x8f: {  	_ = 	snop  }
0x90: {  	s2 =	sld [smem:$0x3FC8]  }
0x91: {  	s18 =	sld [smem:$0x3FD0];
	(tm) =	ssettm $0x1  }
0x92: {  	s4 =	sld [smem:$0x3FFB];
	_ =	sdelay $0x3  }
0x93: {  	_ =	strace s4  }
0x94: {  	s4 =	sld [smem:$0x3FFC];
	_ =	sdelay $0x3  }
0x95: {  	_ =	strace s4  }
0x96: {  	s4 =	sld [smem:$0x3FFD];
	_ =	sdelay $0x3  }
0x97: {  	_ =	strace s4  }
0x98: {  	_ =	strace $0x8FFFFFFF  }
0x99: {  	s19 =	sld [smem:$0x3FDB];
	_ =	sdelay $0x1  }
0x9a: {  	s5 =	simm.s32 $_scs_section_size  }
0x9b: {  	s6 =	simm.s32 $_size__tile_overlayer_lowered;
	s7 =	simm.s32 $_tile_overlayer_lowered  }
0x9c: {  	s22 =	simm.s32 $0x1BFF;
	s21 =	sshll.u32 s7, $0x1;
	s4 =	sadd.s32 s5, s19  }
0x9d: {  	s8 =	simm.s32 $0x0;
	s20 =	sshll.u32 s6, $0x1;
	s6 =	sadd.s32 s21, s4  }
0x9e: {  	[timem:s8], [sflag:s22] =	dma.local [hbm:s6], s20  }
0x9f: {  	_ =	swait.ge [sflag:s22], s20  }
0xa0: {  	s5 =	ssub.s32 $0x0, s20;
	[sflag:s22] =	ssyncset.done $0x0  }
0xa1: {  	[sflag:s22] =	ssyncadd.s32 s5;
	_ =	sdelay $0x1  }
0xa2: {  	s23 =	simm.s32 $0x1B8B  }
0xa3: {  	_ =	swait.ge [sflag:s23], $0x1  }
0xa4: {  	[sflag:s23] =	ssyncset.done $0x0  }
0xa5: {  	s25 =	simm.s32 $0x1B8E;
	s24 =	sld [smem:$0x3FFE];
	[sflag:s23] =	ssyncadd.s32 $0xFFFFFFFF  }
0xa6: {  	s26 =	simm.s32 $execute0_lowered;
	[smem:$0x3FD2] =	sst s25  }
0xa7: {  	s6 =	sshll.u32 s26, $0x1;
	_ =	strace $0x80000046;
	[dreg:$0x1] =	wrdreg $0xFFFFFFFF  }
0xa8: {  	s28 =	simm.s32 $_size_execute0_lowered;
	s4 =	sadd.s32 s4, s6;
	[dreg:$0x0] =	wrdreg $0x0  }
0xa9: {  	s6 =	sshll.u32 s28, $0x1;
	[dreg:$0x2] =	wrdreg s4  }
0xaa: {  	[dreg:$0x3] =	wrdreg s6  }
0xab: {  	[dreg:$0x4] =	wrdreg $0xC0  }
0xac: {  	_ =	task [dreg:s8], $0x5FFFF  }
0xad: {  	[dreg:$0x1] =	wrdreg $0xFFFFFFFF  }
0xae: {  	[dreg:$0x0] =	wrdreg $0x60  }
0xaf: {  	[dreg:$0x2] =	wrdreg s24  }
0xb0: {  	[dreg:$0x3] =	wrdreg s2  }
0xb1: {  	[dreg:$0x4] =	wrdreg s18  }
0xb2: {  	[dreg:$0x5] =	wrdreg $0x1CE000  }
0xb3: {  	[dreg:$0x6] =	wrdreg $0x9  }
0xb4: {  	_ =	task.clear_ibuf [dreg:s8], $0x7FFFF;
	_ =	strace $0x90000046  }
0xb5: {  	s29 =	simm.s32 $0x9;
	_ =	strace $0x80000048  }
0xb6: {  	_ =	swait.ge [sflag:s29], $0x1  }
0xb7: {  	[sflag:s29] =	ssyncadd.s32 $0xFFFFFFFF  }
0xb8: {  	_ =	strace $0x90000048  }
0xb9: {  	_ =	sfence  }
0xba: {  	s30 =	sld [smem:$0x0];
	_ =	sdelay $0x2  }
0xbb: {  	s31 =	sshll.u32 s1, $0xD;
	s1 =	sshrl.u32 s1, $0x2  }
0xbc: {  	s3 =	sand.u32 $0x4000, s31;
	s1 =	sadd.s32 s1, s30  }
0xbd: {  	s0 =	sor.u32 s3, s0;
	s1 =	sshll.u32 s1, $0x11  }
0xbe: {  	s0 =	sor.u32 s1, s0  }
0xbf: {  	s0 =	sadd.s32 $0x8F2B, s0  }
0xc0: {  	[sflag:s0] =	ssyncadd.remote.s32 $0x1  }
0xc1: {  	_ =	sfence.sel $0xFFFF  }
0xc2: {  	[dreg:$0x0] =	wrdreg $0xFFFFFFFF;
	(pc) =	sbr.abs _section_cstart, $3  }
0xc3: {  	[dreg:$0x1] =	wrdreg $0xFFFFFFFF  }
0xc4: {  	_ =	task.clear_ibuf [dreg:s8], $0x2FFFF;
	_ =	strace $0x9FFFFFFF  }
0xc5: {  	(tm) =	ssettm $0x7FFFFFFF  }
tec
execute0_lowered:
.L_overlay_start_1:
0x0: {  	(tag) =	ssettag $0x1  }
0x1: {  	s1 =	rddreg [dreg:$0x0]  }
0x2: {  	v0 =	vimm.s32 $0x1380;
	vm14 =	vcmask $0x300;
	s0 =	rddreg [dreg:$0x1]  }
0x3: {  	vm13 =	vcmask $0x704;
	vm12 =	vcmask $0xB08;
	vm11 =	vcmask $0xF0C;
	s2 =	rddreg [dreg:$0x2]  }
0x4: {  	vm10 =	vcmask $0x1310;
	s5 =	rddreg [dreg:$0x3];
	vm9 =	vcmask $0x1714;
	vm8 =	vcmask $0x1B18  }
0x5: {  	s4 =	srdreg.scid;
	s3 =	stileid.u32;
	vm7 =	vcmask $0x1F1C;
	vm6 =	vcmask $0x2320;
	vm5 =	vcmask $0x2724  }
0x6: {  	s6 =	simm.s32 $0x0;
	vm0 =	vcmask $0x2B28;
	vm1 =	vcmask $0x2F2C;
	vm2 =	vcmask $0x3330;
	s7 =	sand.u32 $0x1, s4;
	s23 =	sshll.u32 s3, $0x1  }
0x7: {  	vm3 =	vcmask $0x3734;
	vm4 =	vcmask $0x3B38;
	v5 =	vimm.s32 $0x3380;
	[smem:$0x7FF] =	sst s6;
	s24 =	sadd.s32 $0x400, s1;
	s6 =	sadd.s32 $0xC00, s1  }
0x8: {  	v6 =	vimm.s32 $0x5380;
	v7 =	vimm.s32 $0x7380;
	v0 =	vsel vm14, $0x0, v0;
	s10 =	sshll.u32 s3, $0xA;
	s11 =	sshll.u32 s3, $0x5;
	s12 =	sshll.u32 s3, $0x7  }
0x9: {  	v5 =	vsel vm14, $0x2000, v5;
	v6 =	vsel vm14, $0x4000, v6;
	v7 =	vsel vm14, $0x6000, v7;
	s14 =	sadd.s32 $0x800, s1;
	s15 =	sadd.s32 $0x900, s1;
	s16 =	sadd.s32 $0xA00, s1  }
0xa: {  	s17 =	sadd.s32 $0xB00, s1;
	s19 =	sadd.s32 $0xC80, s1;
	s20 =	sadd.s32 $0xD00, s1;
	v0 =	vsel vm13, $0x80, v0;
	v5 =	vsel vm13, $0x2080, v5;
	v6 =	vsel vm13, $0x4080, v6  }
0xb: {  	s21 =	sadd.s32 $0xD80, s1;
	_ =	strace $0x80000047;
	[dreg:$0x5] =	wrdreg s24;
	v7 =	vsel vm13, $0x6080, v7;
	v0 =	vsel vm12, $0x100, v0;
	v5 =	vsel vm12, $0x2100, v5  }
0xc: {  	s22 =	sadd.s32 $0xE00, s1;
	p0 =	sgt.u32 s3, $0x7;
	[dreg:$0xe] =	wrdreg s14;
	v6 =	vsel vm12, $0x4100, v6;
	v7 =	vsel vm12, $0x6100, v7;
	v0 =	vsel vm11, $0x180, v0  }
0xd: {  	s4 =	sor.u32 s7, s23;
	s8 =	ssub.s32 $0x2, s7;
	[dreg:$0xf] =	wrdreg s15;
	v5 =	vsel vm11, $0x2180, v5;
	v6 =	vsel vm11, $0x4180, v6;
	v7 =	vsel vm11, $0x6180, v7  }
0xe: {  	s26 =	sand.u32 $0x2000, s10;
	s7 =	sshll.u32 s7, $0x8;
	[dreg:$0x10] =	wrdreg s16;
	v0 =	vsel vm10, $0x200, v0;
	v5 =	vsel vm10, $0x2200, v5;
	v6 =	vsel vm10, $0x4200, v6  }
0xf: {  	s11 =	sand.u32 $0xE0, s11;
	s12 =	sand.u32 $0x380, s12;
	[dreg:$0x11] =	wrdreg s17;
	v7 =	vsel vm10, $0x6200, v7;
	v0 =	vsel vm9, $0x280, v0;
	v5 =	vsel vm9, $0x2280, v5  }
0x10: {  	s23 =	sadd.s32 $0xE80, s1;
	s24 =	sadd.s32 $0xF00, s1;
	s14 =	simm.s32 $0x1C500;
	v6 =	vsel vm9, $0x4280, v6;
	v7 =	vsel vm9, $0x6280, v7;
	v0 =	vsel vm8, $0x300, v0  }
0x11: {  	s15 =	simm.s32 $0x0;
	s9 =	sshrl.u32 s8, $0x1;
	s25 =	sshll.u32 s4, $0x9;
	v5 =	vsel vm8, $0x2300, v5;
	v6 =	vsel vm8, $0x4300, v6;
	v7 =	vsel vm8, $0x6300, v7  }
0x12: {  	s7 =	sor.u32 s7, s11;
	s11 =	sadd.s32 $0x600, s1;
	s28 =	sor.u32 $0x40, s4;
	v0 =	vsel vm7, $0x380, v0;
	v5 =	vsel vm7, $0x2380, v5;
	v6 =	vsel vm7, $0x4380, v6  }
0x13: {  	s29 =	sor.u32 $0x20, s4;
	s30 =	sor.u32 $0x60, s4;
	s8 =	ssub.s32 s8, s9;
	v7 =	vsel vm7, $0x6380, v7;
	v1 =	vsel vm6, $0x1000, v0;
	v0 =	vmov s4  }
0x14: {  	s9 =	sadd.s32 s26, s5;
	s5 =	sadd.s32 s10, s5;
	[dreg:$0xc] =	wrdreg s11;
	v5 =	vsel vm6, $0x3000, v5;
	v6 =	vsel vm6, $0x5000, v6;
	v7 =	vsel vm6, $0x7000, v7  }
0x15: {  	s31 =	sor.u32 $0x80, s4;
	s10 =	sadd.s32 $0x500, s1;
	[dreg:$0x8] =	wrdreg s5;
	v2 =	vsel vm5, $0x1080, v1;
	v1 =	vimm.s32 $0x0;
	v5 =	vsel vm5, $0x3080, v5  }
0x16: {  	s13 =	sadd.s32 s0, s25;
	s2 =	sadd.s32 s2, s7;
	[dreg:$0xb] =	wrdreg s10;
	v6 =	vsel vm5, $0x5080, v6;
	v7 =	vsel vm5, $0x7080, v7;
	v3 =	vsel vm0, $0x1100, v2  }
0x17: {  	s25 =	sadd.s32 $0xF80, s1;
	s11 =	simm.s32 $0x1;
	[dreg:$0x6] =	wrdreg s13;
	v2 =	vimm.f32 $0.0e+00;
	v5 =	vsel vm0, $0x3100, v5;
	v6 =	vsel vm0, $0x5100, v6  }
0x18: {  	s9 =	sadd.s32 s12, s9;
	s12 =	sadd.s32 $0x700, s1;
	[dreg:$0x9] =	wrdreg s2;
	v7 =	vsel vm0, $0x7100, v7;
	v4 =	vsel vm1, $0x1180, v3;
	v3 =	vlaneseq.u32  }
0x19: {  	s1 =	simm.s32 @!p0 $0x0;
	s18 =	sadd.s32 $0x4000, s13;
	[dreg:$0x7] =	wrdreg s9;
	v5 =	vsel vm1, $0x3180, v5;
	v6 =	vsel vm1, $0x5180, v6;
	v7 =	vsel vm1, $0x7180, v7  }
.Ltmp0:
0x1a: {  	s26 =	sadd.s32 $0x10, s2;
	[dreg:$0xd] =	wrdreg s12;
	v4 =	vsel vm2, $0x1200, v4;
	v5 =	vsel vm2, $0x3200, v5;
	v6 =	vsel vm2, $0x5200, v6;
	(pc) =	sbr.rel .LBB2_1-.Ltmp0, $4  }
0x1b: {  	s10 =	simm.s32 $0xC080;
	s5 =	simm.s32 $0x14080;
	[dreg:$0x12] =	wrdreg s18;
	v9 =	vsel vm2, $0x7200, v7;
	v10 =	vor.u32 $0x30, v3;
	v4 =	vsel vm3, $0x1280, v4  }
0x1c: {  	s13 =	simm.s32 $0x1C480;
	s9 =	smax.u32 s8, $0x1;
	[dreg:$0x13] =	wrdreg s26;
	v5 =	vsel vm3, $0x3280, v5;
	v8 =	vsel vm3, $0x5280, v6;
	v6 =	vor.u32 $0x10, v3  }
0x1d: {  	s1 =	simm.s32 @p0 $0x1;
	s12 =	simm.s32 $0x1C080;
	[dreg:$0xa] =	wrdreg s9;
	v9 =	vsel vm3, $0x7280, v9;
	v4 =	vsel vm4, $0x1300, v4;
	v5 =	vsel vm4, $0x3300, v5  }
0x1e: {  	[smem:$0x7FD] =	sst s1;
	s1 =	simm.s32 $0x4080;
	s9 =	simm.s32 $0x4;
	v7 =	vsel vm4, $0x5300, v8;
	v8 =	vor.u32 $0x20, v3;
	v9 =	vsel vm4, $0x7300, v9  }
.LBB2_34:
0x1f: {  	s15 =	sadd.s32 $0x1, s15;
	s2 =	rddreg [dreg:$0xa]  }
0x20: {  	p0 =	sne.s32 s15, s2  }
.Ltmp1:
0x21: {  	_ = 	snop;
	(pc) =	sbr.rel @!p0 .LBB2_35-.Ltmp1, $1  }
0x22: {  	_ =	sdelay $0x3  }
.LBB2_1:
0x23: {  	s2 =	rddreg [dreg:$0x6];
	s3 =	simm.s32 $0x1000;
	s7 =	simm.s32 $0x7A1400  }
0x24: {  	[tilespmem:s1], [sflag:$0x1] =	stream.strided.gather [hbm4b:s2+s3], $0x8000, s7, s3, $0x38;
	[tilespmem:$0x1D200] =	vst v63  }
0x25: {  	s18 =	rddreg [dreg:$0x12]  }
0x26: {  	[tilespmem:s10], [sflag:$0x2] =	stream.strided.gather [hbm4b:s18+s3], $0x8000, s7, s3, $0x38;
	[tilespmem:$0x1D200] =	vst v63  }
0x27: {  	s26 =	rddreg [dreg:$0x5];
	s3 =	simm.s32 $0x0  }
0x28: {  	[tilespmem:s5], [sflag:$0x4] =	stream.linear.gather [hbm4b:s26+s3], $0x800, $0x38;
	[tilespmem:$0x1D200] =	vst v63  }
0x29: {  	s8 =	simm.s32 $0x15080;
	s7 =	rddreg [dreg:$0xb]  }
0x2a: {  	[tilespmem:s8], [sflag:$0x4] =	stream.linear.gather [hbm4b:s7+s3], $0x800, $0x38;
	[tilespmem:$0x1D200] =	vst v63  }
0x2b: {  	s16 =	rddreg [dreg:$0xc];
	s17 =	simm.s32 $0x16080  }
0x2c: {  	[tilespmem:s17], [sflag:$0x4] =	stream.linear.gather [hbm4b:s16+s3], $0x800, $0x38;
	[tilespmem:$0x1D200] =	vst v63  }
0x2d: {  	s18 =	rddreg [dreg:$0xd];
	s26 =	simm.s32 $0x17080  }
0x2e: {  	[tilespmem:s26], [sflag:$0x4] =	stream.linear.gather [hbm4b:s18+s3], $0x800, $0x38;
	[tilespmem:$0x1D200] =	vst v63  }
0x2f: {  	s7 =	rddreg [dreg:$0xe];
	s8 =	simm.s32 $0x18080  }
0x30: {  	[tilespmem:s8], [sflag:$0x4] =	stream.linear.gather [hbm4b:s7+s3], $0x800, $0x38;
	[tilespmem:$0x1D200] =	vst v63  }
0x31: {  	s16 =	rddreg [dreg:$0xf];
	s17 =	simm.s32 $0x19080  }
0x32: {  	[tilespmem:s17], [sflag:$0x4] =	stream.linear.gather [hbm4b:s16+s3], $0x800, $0x38;
	[tilespmem:$0x1D200] =	vst v63  }
0x33: {  	s18 =	rddreg [dreg:$0x10];
	s26 =	simm.s32 $0x1A080  }
0x34: {  	[tilespmem:s26], [sflag:$0x4] =	stream.linear.gather [hbm4b:s18+s3], $0x800, $0x38;
	[tilespmem:$0x1D200] =	vst v63  }
0x35: {  	s8 =	rddreg [dreg:$0x11];
	s16 =	simm.s32 $0x1B080;
	s17 =	simm.s32 $0x0  }
0x36: {  	[tilespmem:s16], [sflag:$0x4] =	stream.linear.gather [hbm4b:s8+s3], $0x800, $0x38;
	[tilespmem:$0x1D200] =	vst v63  }
0x37: {  	s2 =	sand.u32 $0x7000, s17;
	s18 =	simm.s32 $0x0;
	s8 =	sand.u32 $0x400, s3  }
0x38: {  	s7 =	sand.u32 $0x380, s18;
	_ =	swait.ge [sflag:s9], $0x4000;
	s2 =	sor.u32 s8, s2  }
0x39: {  	s26 =	sand.u32 $0x70, s3;
	[sflag:s9] =	ssyncset.done $0x0;
	s2 =	sor.u32 s7, s2  }
0x3a: {  	[sflag:s9] =	ssyncadd.s32 $0xFFFFC000;
	s2 =	sor.u32 s26, s2  }
0x3b: {  	v11 =	vld [tilespmem:s2+$0x14080];
	_ =	sdelay $0x4  }
0x3c: {  	v13 =	vshrl.u32 v11, $0x9  }
0x3d: {  	v13 =	vand.u32 $0x1F, v13  }
0x3e: {  	vm0 =	veq.s32 v13, v0  }
0x3f: {  	v60 =	vsel vm0, $0x1, v1  }
0x40: {  	(xrf0) =	vadd.scan.msk.s32 $0xffff, v60  }
0x41: {  	v12 =	vmov s3  }
0x42: {  	v12 =	vshrl.u32 v12, $0xA  }
0x43: {  	v12 =	vshll.u32 v12, $0x14;
	s16 =	simm.s32 $0x20;
	s9 =	simm.s32 $0x80  }
0x44: {  	v12 =	vbroadcast v12, $0x0;
	s17 =	simm.s32 $0x8;
	s7 =	sand.u32 $0x7000, s16;
	s2 =	sand.u32 $0x400, s9  }
0x45: {  	s18 =	simm.s32 $0x10;
	s8 =	sand.u32 $0x380, s17;
	s2 =	sor.u32 s2, s7  }
0x46: {  	s26 =	sand.u32 $0x70, s18;
	s2 =	sor.u32 s8, s2;
	v11 =	vor.u32 v12, v11;
	v63, _, _ =	vpop (xrf0)  }
0x47: {  	s2 =	sor.u32 s26, s2;
	[tilespmem:s3+$0x0] =	vst.msk vm0, v11;
	(v2sf) =	vpush v63, $0xF  }
0x48: {  	v11 =	vld [tilespmem:s2+$0x14080];
	_ =	sdelay $0x4  }
0x49: {  	v62 =	vshrl.u32 v11, $0x9  }
0x4a: {  	v13 =	vand.u32 $0x1F, v62  }
0x4b: {  	v61 =	vmov s18;
	vm0 =	veq.s32 v13, v0  }
0x4c: {  	v12 =	vshrl.u32 v61, $0xA;
	v14 =	vsel vm0, $0x1, v1  }
0x4d: {  	v12 =	vshll.u32 v12, $0x14;
	(xrf0) =	vadd.scan.msk.s32 $0xffff, v14  }
0x4e: {  	v12 =	vbroadcast v12, $0x0  }
0x4f: {  	s17 =	simm.s32 $0x40;
	s16 =	simm.s32 $0x10;
	s9 =	simm.s32 $0x3  }
0x50: {  	s7 =	simm.s32 $0x100;
	s8 =	simm.s32 $0x0;
	s2 =	simm.s32 $0x20;
	v11 =	vor.u32 v12, v11  }
.LBB2_2:
0x51: {  	p1 =	sne.s32 s9, $0x3FF;
	s17 =	sand.u32 $0x7000, s17;
	s18 =	sand.u32 $0x400, s7  }
0x52: {  	s16 =	sand.u32 $0x380, s16;
	s17 =	sor.u32 s18, s17;
	s18 =	spop (v2sf)  }
0x53: {  	s26 =	sand.u32 $0x70, s2;
	s16 =	sor.u32 s16, s17;
	v12, _, _ =	vpop (xrf0);
	s8 =	sadd.s32 s8, s18  }
0x54: {  	s16 =	sor.u32 s26, s16;
	[tilespmem:s8+$0x0] =	vst.msk vm0, v11;
	(v2sf) =	vpush v12, $0xF  }
0x55: {  	v12 =	vmov s2;
	v11 =	vld [tilespmem:s16+$0x14080]  }
0x56: {  	v12 =	vshrl.u32 v12, $0xA  }
0x57: {  	v12 =	vshll.u32 v12, $0x14  }
0x58: {  	v12 =	vbroadcast v12, $0x0;
	_ =	sdelay $0x1  }
0x59: {  	v13 =	vshrl.u32 v11, $0x9;
	v11 =	vor.u32 v12, v11  }
0x5a: {  	v12 =	vand.u32 $0x1F, v13  }
0x5b: {  	vm0 =	veq.s32 v12, v0  }
.Ltmp2:
0x5c: {  	v12 =	vsel vm0, $0x1, v1;
	(pc) =	sbr.rel @p1 .LBB2_2-.Ltmp2, $3  }
0x5d: {  	(xrf0) =	vadd.scan.msk.s32 $0xffff, v12;
	_ =	sdelay $0x1  }
0x5e: {  	s7 =	sadd.s32 $0x80, s7;
	s2 =	sadd.s32 $0x10, s2  }
0x5f: {  	s17 =	sshll.u32 s9, $0x5;
	s16 =	sshll.u32 s9, $0x3;
	s9 =	sadd.s32 $0x1, s9  }
0x60: {  	_ =	sdelay $0x1  }
0x61: {  	v12, _, _ =	vpop (xrf0)  }
0x62: {  	(v2sf) =	vpush v12, $0xF;
	_ =	sdelay $0x4  }
0x63: {  	s9 =	sand.u32 $0x7000, s17;
	s7 =	sand.u32 $0x400, s7  }
0x64: {  	s16 =	sand.u32 $0x380, s16;
	s26 =	spop (v2sf);
	s7 =	sor.u32 s7, s9  }
0x65: {  	s3 =	sand.u32 $0x70, s2;
	s7 =	sor.u32 s16, s7;
	s8 =	sadd.s32 s8, s26  }
0x66: {  	s7 =	sor.u32 s3, s7;
	[tilespmem:s8+$0x0] =	vst.msk vm0, v11  }
0x67: {  	v11 =	vld [tilespmem:s7+$0x14080];
	_ =	sdelay $0x1  }
0x68: {  	v63 =	vmov s2  }
0x69: {  	v12 =	vshrl.u32 v63, $0xA  }
0x6a: {  	v12 =	vshll.u32 v12, $0x14  }
0x6b: {  	v12 =	vbroadcast v12, $0x0;
	v13 =	vshrl.u32 v11, $0x9  }
0x6c: {  	v13 =	vand.u32 $0x1F, v13;
	s9 =	spop (v2sf)  }
0x6d: {  	v11 =	vor.u32 v12, v11;
	vm15 =	veq.s32 v13, v0;
	s2 =	sadd.s32 s8, s9  }
0x6e: {  	[tilespmem:s2+$0x0] =	vst.msk vm15, v11  }
0x6f: {  	[tilespmem:$0x1C080] =	vst v2  }
0x70: {  	[tilespmem:$0x1C090] =	vst v2  }
0x71: {  	[tilespmem:$0x1C0A0] =	vst v2  }
0x72: {  	[tilespmem:$0x1C0B0] =	vst v2  }
0x73: {  	[tilespmem:$0x1C0C0] =	vst v2  }
0x74: {  	[tilespmem:$0x1C0D0] =	vst v2  }
0x75: {  	[tilespmem:$0x1C0E0] =	vst v2  }
0x76: {  	[tilespmem:$0x1C0F0] =	vst v2  }
0x77: {  	[tilespmem:$0x1C100] =	vst v2  }
0x78: {  	[tilespmem:$0x1C110] =	vst v2  }
0x79: {  	[tilespmem:$0x1C120] =	vst v2  }
0x7a: {  	[tilespmem:$0x1C130] =	vst v2  }
0x7b: {  	[tilespmem:$0x1C140] =	vst v2  }
0x7c: {  	[tilespmem:$0x1C150] =	vst v2  }
0x7d: {  	[tilespmem:$0x1C160] =	vst v2  }
0x7e: {  	[tilespmem:$0x1C170] =	vst v2  }
0x7f: {  	[tilespmem:$0x1C180] =	vst v2  }
0x80: {  	[tilespmem:$0x1C190] =	vst v2  }
0x81: {  	[tilespmem:$0x1C1A0] =	vst v2  }
0x82: {  	[tilespmem:$0x1C1B0] =	vst v2  }
0x83: {  	[tilespmem:$0x1C1C0] =	vst v2  }
0x84: {  	[tilespmem:$0x1C1D0] =	vst v2  }
0x85: {  	[tilespmem:$0x1C1E0] =	vst v2  }
0x86: {  	[tilespmem:$0x1C1F0] =	vst v2  }
0x87: {  	[tilespmem:$0x1C200] =	vst v2  }
0x88: {  	[tilespmem:$0x1C210] =	vst v2  }
0x89: {  	[tilespmem:$0x1C220] =	vst v2  }
0x8a: {  	[tilespmem:$0x1C230] =	vst v2  }
0x8b: {  	[tilespmem:$0x1C240] =	vst v2  }
0x8c: {  	[tilespmem:$0x1C250] =	vst v2  }
0x8d: {  	[tilespmem:$0x1C260] =	vst v2  }
0x8e: {  	v11 =	vsel vm15, $0x1, v1;
	[tilespmem:$0x1C270] =	vst v2  }
0x8f: {  	(xrf0) =	vadd.scan.msk.s32 $0xffff, v11;
	[tilespmem:$0x1C280] =	vst v2  }
0x90: {  	[tilespmem:$0x1C290] =	vst v2  }
0x91: {  	[tilespmem:$0x1C2A0] =	vst v2  }
0x92: {  	[tilespmem:$0x1C2B0] =	vst v2  }
0x93: {  	[tilespmem:$0x1C2C0] =	vst v2  }
0x94: {  	[tilespmem:$0x1C2D0] =	vst v2  }
0x95: {  	[tilespmem:$0x1C2E0] =	vst v2;
	v11, _, _ =	vpop (xrf0)  }
0x96: {  	[tilespmem:$0x1C2F0] =	vst v2;
	(v2sf) =	vpush v11, $0xF  }
0x97: {  	[tilespmem:$0x1C300] =	vst v2  }
0x98: {  	[tilespmem:$0x1C310] =	vst v2  }
0x99: {  	[tilespmem:$0x1C320] =	vst v2  }
0x9a: {  	[tilespmem:$0x1C330] =	vst v2  }
0x9b: {  	[tilespmem:$0x1C340] =	vst v2  }
0x9c: {  	[tilespmem:$0x1C350] =	vst v2  }
0x9d: {  	[tilespmem:$0x1C360] =	vst v2  }
0x9e: {  	[tilespmem:$0x1C370] =	vst v2  }
0x9f: {  	[tilespmem:$0x1C380] =	vst v2  }
0xa0: {  	[tilespmem:$0x1C390] =	vst v2  }
0xa1: {  	[tilespmem:$0x1C3A0] =	vst v2  }
0xa2: {  	[tilespmem:$0x1C3B0] =	vst v2  }
0xa3: {  	[tilespmem:$0x1C3C0] =	vst v2  }
0xa4: {  	[tilespmem:$0x1C3D0] =	vst v2  }
0xa5: {  	[tilespmem:$0x1C3E0] =	vst v2;
	s16 =	spop (v2sf)  }
0xa6: {  	[tilespmem:$0x1C3F0] =	vst v2;
	s2 =	sadd.s32 s2, s16  }
0xa7: {  	[tilespmem:$0x1C400] =	vst v2;
	s7 =	sadd.s32 $0xF, s2  }
0xa8: {  	[tilespmem:$0x1C410] =	vst v2;
	s17 =	sand.u32 $0xF, s7  }
0xa9: {  	[tilespmem:$0x1C420] =	vst v2;
	s18 =	sshra.s32 s7, $0x1F;
	p1 =	slt.s32 s7, $0x1;
	p2 =	sne.s32 s17, $0x0  }
.Ltmp3:
0xaa: {  	[tilespmem:$0x1C430] =	vst v2;
	s26 =	sshrl.u32 s18, $0x1C;
	p1 =	por !p1, !p2;
	(pc) =	sbr.rel .LBB2_4-.Ltmp3, $4  }
0xab: {  	s8 =	simm.s32 $0x1;
	[tilespmem:$0x1C440] =	vst v2;
	s7 =	sadd.s32 s26, s7;
	p1 =	por !p1, !p1  }
0xac: {  	[tilespmem:$0x1C450] =	vst v2;
	s7 =	sshra.s32 s7, $0x4;
	s8 =	simm.s32 @!p1 $0x0  }
0xad: {  	[tilespmem:$0x1C460] =	vst v2;
	s16 =	ssub.s32 s7, s8  }
0xae: {  	[tilespmem:$0x1C470] =	vst v2;
	v11 =	vmov s2;
	s17 =	simm.s32 $0x0;
	p1 =	slt.s32 s16, $0x1  }
.LBB2_31:
0xaf: {  	s17 =	sadd.s32 $0x1, s17  }
0xb0: {  	p0 =	sne.s32 s17, $0x15  }
.Ltmp4:
0xb1: {  	_ = 	snop;
	(pc) =	sbr.rel @!p0 .LBB2_32-.Ltmp4, $1  }
0xb2: {  	_ =	sdelay $0x3  }
.LBB2_4:
0xb3: {  	s7 =	smul.u32 $0x60, s17;
	_ =	sdelay $0x1  }
0xb4: {  	s18 =	sadd.s32 s28, s7  }
0xb5: {  	p2 =	sgt.u32 s18, $0x7A0  }
0xb6: {  	_ =	swait.ge [sflag:s11], $0x8000;
	p3 =	sne.s32 @p2 s18, $0x7A1  }
0xb7: {  	[sflag:s11] =	ssyncset.done $0x0;
	p4 =	por p3, !p2  }
0xb8: {  	[sflag:s11] =	ssyncadd.s32 $0xFFFF8000;
	s2 =	simm.s32 @!p4 $0x0;
	s8 =	simm.s32 @!p4 $0x14080  }
0xb9: {  	[tilespmem:s8], [sflag:$0x3] =	stream.linear.gather @!p4 [hbm4b:s6+s2], $0x400, $0x38;
	[tilespmem:$0x1D200] =	vst v63  }
0xba: {  	s8 =	simm.s32 @!p4 $0x15080  }
0xbb: {  	[tilespmem:s8], [sflag:$0x3] =	stream.linear.gather @!p4 [hbm4b:s19+s2], $0x400, $0x38;
	[tilespmem:$0x1D200] =	vst v63  }
0xbc: {  	s8 =	simm.s32 @!p4 $0x16080  }
0xbd: {  	[tilespmem:s8], [sflag:$0x3] =	stream.linear.gather @!p4 [hbm4b:s20+s2], $0x400, $0x38;
	[tilespmem:$0x1D200] =	vst v63  }
0xbe: {  	s8 =	simm.s32 @!p4 $0x17080  }
0xbf: {  	[tilespmem:s8], [sflag:$0x3] =	stream.linear.gather @!p4 [hbm4b:s21+s2], $0x400, $0x38;
	[tilespmem:$0x1D200] =	vst v63  }
0xc0: {  	s8 =	simm.s32 @!p4 $0x18080  }
0xc1: {  	[tilespmem:s8], [sflag:$0x3] =	stream.linear.gather @!p4 [hbm4b:s22+s2], $0x400, $0x38;
	[tilespmem:$0x1D200] =	vst v63  }
0xc2: {  	s8 =	simm.s32 @!p4 $0x19080  }
0xc3: {  	[tilespmem:s8], [sflag:$0x3] =	stream.linear.gather @!p4 [hbm4b:s23+s2], $0x400, $0x38;
	[tilespmem:$0x1D200] =	vst v63  }
0xc4: {  	s8 =	simm.s32 @!p4 $0x1A080  }
0xc5: {  	[tilespmem:s8], [sflag:$0x3] =	stream.linear.gather @!p4 [hbm4b:s24+s2], $0x400, $0x38;
	[tilespmem:$0x1D200] =	vst v63  }
.Ltmp5:
0xc6: {  	s8 =	simm.s32 @!p4 $0x1B080;
	(pc) =	sbr.rel @p1 .LBB2_13-.Ltmp5, $4  }
0xc7: {  	[tilespmem:s8], [sflag:$0x3] =	stream.linear.gather @!p4 [hbm4b:s25+s2], $0x400, $0x38;
	[tilespmem:$0x1D200] =	vst v63  }
0xc8: {  	s9 =	simm.s32 @!p2 $0x7A1400;
	s2 =	sshll.u32 @!p2 s18, $0x9  }
0xc9: {  	s26 =	simm.s32 @!p2 $0x14080;
	s8 =	simm.s32 @!p2 $0x1000;
	s2 =	sadd.s32 @!p2 s0, s2  }
0xca: {  	[tilespmem:s26], [sflag:$0x3] =	stream.strided.gather @!p2 [hbm4b:s2+s8], $0x8000, s9, s8, $0x38;
	[tilespmem:$0x1D200] =	vst v63  }
.Ltmp6:
0xcb: {  	(pc) =	sbr.rel .LBB2_6-.Ltmp6, $3  }
0xcc: {  	_ =	sdelay $0x1  }
0xcd: {  	s2 =	sor.u32 s4, s7  }
0xce: {  	v12 =	vmov s2;
	s2 =	simm.s32 $0x0  }
.LBB2_8:
0xcf: {  	_ = 	snop  }
.LBB2_11:
0xd0: {  	_ =	sdelay $0x3  }
0xd1: {  	[tilespmem:v15+s12+$0x0] =	vst.idx.add.f32.msk @p5 $0xffff, v14  }
0xd2: {  	v14 =	vld.idx.msk [tilespmem:v13+s13+$0x0], $0xffff;
	_ =	sdelay $0x4  }
0xd3: {  	v15 =	vshll.u32 v14, $0x3  }
0xd4: {  	v14 =	vand.u32 $0x7F, v14;
	v15 =	vand.u32 $0xC00, v15  }
0xd5: {  	v13 =	vld.idx.msk [tilespmem:v13+s14+$0x0], $0xffff;
	v14 =	vor.u32 v14, v15  }
0xd6: {  	v15 =	vor.u32 v4, v14;
	_ =	sdelay $0x3  }
0xd7: {  	v13 =	vshll.u32 v13, $0x6  }
0xd8: {  	v16 =	vor.u32 v3, v13;
	v15 =	vld.idx.msk [tilespmem:v15+s1+$0x0], $0xffff  }
0xd9: {  	v17 =	vor.u32 v5, v14;
	_ =	sdelay $0x3  }
0xda: {  	[tilespmem:v16+s12+$0x0] =	vst.idx.add.f32.msk $0xffff, v15  }
0xdb: {  	v61 =	vor.u32 v6, v13;
	v15 =	vld.idx.msk [tilespmem:v17+s1+$0x0], $0xffff  }
0xdc: {  	v62 =	vor.u32 v7, v14;
	_ =	sdelay $0x3  }
0xdd: {  	[tilespmem:v61+s12+$0x0] =	vst.idx.add.f32.msk $0xffff, v15  }
0xde: {  	v63 =	vor.u32 v8, v13;
	v15 =	vld.idx.msk [tilespmem:v62+s1+$0x0], $0xffff  }
0xdf: {  	v14 =	vor.u32 v9, v14;
	_ =	sdelay $0x3  }
0xe0: {  	[tilespmem:v63+s12+$0x0] =	vst.idx.add.f32.msk $0xffff, v15  }
0xe1: {  	v13 =	vor.u32 v10, v13;
	v14 =	vld.idx.msk [tilespmem:v14+s1+$0x0], $0xffff;
	_ =	sdelay $0x4  }
0xe2: {  	[tilespmem:v13+s12+$0x0] =	vst.idx.add.f32.msk $0xffff, v14  }
.LBB2_12:
0xe3: {  	s2 =	sadd.s32 $0x1, s2  }
0xe4: {  	p5 =	sne.s32 s2, s16  }
.Ltmp7:
0xe5: {  	_ = 	snop;
	(pc) =	sbr.rel @!p5 .LBB2_13-.Ltmp7, $1  }
0xe6: {  	_ =	sdelay $0x3  }
.LBB2_6:
0xe7: {  	s8 =	sshll.u32 s2, $0x4  }
0xe8: {  	v13 =	vld [tilespmem:s8+$0x0];
	_ =	sdelay $0x4  }
0xe9: {  	v14 =	vand.u32 $0xFFFFF, v13  }
0xea: {  	v15 =	vor.u32 s8, v3;
	v16 =	vshrl.u32 v14, $0x9  }
0xeb: {  	vm0 =	vlt.s32 v15, v11;
	vm1 =	veq.s32 v16, v12  }
0xec: {  	vm0 =	vmand vm0, vm1  }
0xed: {  	v15 =	vsel vm0, $0x1, v1  }
0xee: {  	(xrf0) =	vadd.scan.msk.s32 $0xffff, v15;
	_ =	sdelay $0x5  }
0xef: {  	v15, _, _ =	vpop (xrf0)  }
0xf0: {  	(v2sf) =	vpush v15, $0xF;
	_ =	sdelay $0xe  }
0xf1: {  	s9 =	spop (v2sf)  }
0xf2: {  	p5 =	slt.s32 s9, $0x1  }
.Ltmp8:
0xf3: {  	_ = 	snop;
	(pc) =	sbr.rel @p5 .LBB2_12-.Ltmp8, $1  }
0xf4: {  	_ =	sdelay $0x3  }
0xf5: {  	p6 =	sne.s32 s9, $0x1  }
.Ltmp9:
0xf6: {  	_ = 	snop;
	(pc) =	sbr.rel @!p6 .LBB2_8-.Ltmp9, $3  }
0xf7: {  	_ =	sdelay $0x1  }
0xf8: {  	[tilespmem:s13+$0x0] =	vst.msk vm0, v14;
	v13 =	vshra.s32 v13, $0x14;
	s26 =	simm.s32 $0x0  }
0xf9: {  	s8 =	simm.s32 $0x1;
	p5 =	por $0x0, $0x0;
	[tilespmem:s14+$0x0] =	vst.msk vm0, v13;
	v13 =	vmov s26  }
0xfa: {  	_ =	sdelay $0x3  }
0xfb: {  	v14 =	vld.idx.msk [tilespmem:v13+s13+$0x0], $0xffff;
	_ =	sdelay $0x4  }
0xfc: {  	v15 =	vshll.u32 v14, $0x3  }
0xfd: {  	v14 =	vand.u32 $0x7F, v14;
	v15 =	vand.u32 $0xC00, v15  }
0xfe: {  	v13 =	vld.idx.msk [tilespmem:v13+s14+$0x0], $0xffff;
	v14 =	vor.u32 v14, v15  }
0xff: {  	v15 =	vor.u32 v4, v14;
	_ =	sdelay $0x3  }
0x100: {  	v13 =	vshll.u32 v13, $0x6  }
0x101: {  	v16 =	vor.u32 v3, v13;
	v15 =	vld.idx.msk [tilespmem:v15+s1+$0x0], $0xffff  }
0x102: {  	v17 =	vor.u32 v5, v14;
	_ =	sdelay $0x3  }
0x103: {  	[tilespmem:v16+s12+$0x0] =	vst.idx.add.f32.msk $0xffff, v15  }
0x104: {  	v16 =	vor.u32 v6, v13;
	v15 =	vld.idx.msk [tilespmem:v17+s1+$0x0], $0xffff  }
0x105: {  	v17 =	vor.u32 v7, v14;
	_ =	sdelay $0x3  }
0x106: {  	[tilespmem:v16+s12+$0x0] =	vst.idx.add.f32.msk $0xffff, v15  }
0x107: {  	v16 =	vor.u32 v8, v13;
	v15 =	vld.idx.msk [tilespmem:v17+s1+$0x0], $0xffff  }
0x108: {  	v14 =	vor.u32 v9, v14;
	_ =	sdelay $0x3  }
0x109: {  	p6 =	sne.s32 s9, $0x2;
	[tilespmem:v16+s12+$0x0] =	vst.idx.add.f32.msk $0xffff, v15  }
.Ltmp10:
0x10a: {  	v15 =	vor.u32 v10, v13;
	v14 =	vld.idx.msk [tilespmem:v14+s1+$0x0], $0xffff;
	(pc) =	sbr.rel @!p6 .LBB2_11-.Ltmp10, $2  }
0x10b: {  	v13 =	vmov s8;
	_ =	sdelay $0x2  }
0x10c: {  	s26 =	simm.s32 $0x2;
	p5 =	por $0x1, $0x1  }
.LBB2_10:
0x10d: {  	[tilespmem:v15+s12+$0x0] =	vst.idx.add.f32.msk $0xffff, v14;
	s8 =	smov.u32 s26;
	s26 =	sadd.s32 $0x1, s26  }
0x10e: {  	p6 =	sne.s32 s9, s26;
	v14 =	vld.idx.msk [tilespmem:v13+s13+$0x0], $0xffff;
	_ =	sdelay $0x5  }
0x10f: {  	v15 =	vshll.u32 v14, $0x3  }
0x110: {  	v14 =	vand.u32 $0x7F, v14;
	v15 =	vand.u32 $0xC00, v15  }
0x111: {  	v14 =	vor.u32 v14, v15;
	v13 =	vld.idx.msk [tilespmem:v13+s14+$0x0], $0xffff  }
0x112: {  	v15 =	vor.u32 v4, v14;
	_ =	sdelay $0x4  }
0x113: {  	v13 =	vshll.u32 v13, $0x6;
	v15 =	vld.idx.msk [tilespmem:v15+s1+$0x0], $0xffff  }
0x114: {  	v16 =	vor.u32 v3, v13  }
0x115: {  	v17 =	vor.u32 v5, v14;
	_ =	sdelay $0x3  }
0x116: {  	[tilespmem:v16+s12+$0x0] =	vst.idx.add.f32.msk $0xffff, v15  }
0x117: {  	v15 =	vld.idx.msk [tilespmem:v17+s1+$0x0], $0xffff  }
0x118: {  	v16 =	vor.u32 v6, v13  }
0x119: {  	v17 =	vor.u32 v7, v14;
	_ =	sdelay $0x3  }
0x11a: {  	[tilespmem:v16+s12+$0x0] =	vst.idx.add.f32.msk $0xffff, v15  }
0x11b: {  	v15 =	vld.idx.msk [tilespmem:v17+s1+$0x0], $0xffff  }
0x11c: {  	v16 =	vor.u32 v8, v13  }
0x11d: {  	v14 =	vor.u32 v9, v14;
	_ =	sdelay $0x2  }
.Ltmp11:
0x11e: {  	(pc) =	sbr.rel @p6 .LBB2_10-.Ltmp11, $4  }
0x11f: {  	[tilespmem:v16+s12+$0x0] =	vst.idx.add.f32.msk $0xffff, v15  }
0x120: {  	v14 =	vld.idx.msk [tilespmem:v14+s1+$0x0], $0xffff  }
0x121: {  	v15 =	vor.u32 v10, v13  }
0x122: {  	v13 =	vmov s8  }
.Ltmp12:
0x123: {  	_ = 	snop;
	(pc) =	sbr.rel .LBB2_11-.Ltmp12, $1  }
0x124: {  	_ =	sdelay $0x3  }
.LBB2_13:
0x125: {  	s2 =	sadd.s32 s29, s7  }
0x126: {  	p0 =	sgt.u32 s2, $0x7A0  }
0x127: {  	p5 =	sne.s32 @p0 s2, $0x7A1  }
0x128: {  	p5 =	por p5, !p0  }
0x129: {  	s8 =	simm.s32 @!p5 $0x2  }
0x12a: {  	_ =	swait.ge @!p5 [sflag:s8], $0x2000  }
0x12b: {  	s9 =	sadd.s32 s30, s7;
	[sflag:s8] =	ssyncset.done @!p5 $0x0  }
0x12c: {  	[sflag:s8] =	ssyncadd.s32 @!p5 $0xFFFFE000;
	s8 =	simm.s32 @!p0 $0x2;
	p5 =	sgt.u32 s9, $0x7A0  }
0x12d: {  	_ =	swait.ge @!p0 [sflag:s8], $0x8000;
	p6 =	sne.s32 @p5 s9, $0x7A1  }
0x12e: {  	[sflag:s8] =	ssyncset.done @!p0 $0x0;
	p6 =	por p6, !p5  }
0x12f: {  	[sflag:s8] =	ssyncadd.s32 @!p0 $0xFFFF8000;
	s8 =	simm.s32 @!p6 $0x0;
	s26 =	simm.s32 @!p6 $0x4080  }
0x130: {  	[tilespmem:s26], [sflag:$0x1] =	stream.linear.gather @!p6 [hbm4b:s6+s8], $0x400, $0x38;
	[tilespmem:$0x1D200] =	vst v63  }
0x131: {  	s26 =	simm.s32 @!p6 $0x5080  }
0x132: {  	[tilespmem:s26], [sflag:$0x1] =	stream.linear.gather @!p6 [hbm4b:s19+s8], $0x400, $0x38;
	[tilespmem:$0x1D200] =	vst v63  }
0x133: {  	s26 =	simm.s32 @!p6 $0x6080  }
0x134: {  	[tilespmem:s26], [sflag:$0x1] =	stream.linear.gather @!p6 [hbm4b:s20+s8], $0x400, $0x38;
	[tilespmem:$0x1D200] =	vst v63  }
0x135: {  	s26 =	simm.s32 @!p6 $0x7080  }
0x136: {  	[tilespmem:s26], [sflag:$0x1] =	stream.linear.gather @!p6 [hbm4b:s21+s8], $0x400, $0x38;
	[tilespmem:$0x1D200] =	vst v63  }
0x137: {  	s26 =	simm.s32 @!p6 $0x8080  }
0x138: {  	[tilespmem:s26], [sflag:$0x1] =	stream.linear.gather @!p6 [hbm4b:s22+s8], $0x400, $0x38;
	[tilespmem:$0x1D200] =	vst v63  }
0x139: {  	s26 =	simm.s32 @!p6 $0x9080  }
0x13a: {  	[tilespmem:s26], [sflag:$0x1] =	stream.linear.gather @!p6 [hbm4b:s23+s8], $0x400, $0x38;
	[tilespmem:$0x1D200] =	vst v63  }
0x13b: {  	s26 =	simm.s32 @!p6 $0xA080  }
0x13c: {  	[tilespmem:s26], [sflag:$0x1] =	stream.linear.gather @!p6 [hbm4b:s24+s8], $0x400, $0x38;
	[tilespmem:$0x1D200] =	vst v63  }
0x13d: {  	s26 =	simm.s32 @!p6 $0xB080  }
0x13e: {  	[tilespmem:s26], [sflag:$0x1] =	stream.linear.gather @!p6 [hbm4b:s25+s8], $0x400, $0x38;
	[tilespmem:$0x1D200] =	vst v63  }
0x13f: {  	s3 =	simm.s32 @!p5 $0x4080;
	p0 =	sgt.u32 s2, $0x7A1;
	s8 =	sshll.u32 @!p5 s9, $0x9  }
0x140: {  	s9 =	simm.s32 @!p5 $0x1000;
	s26 =	simm.s32 @!p5 $0x7A1400;
	s8 =	sadd.s32 @!p5 s0, s8  }
0x141: {  	[tilespmem:s3], [sflag:$0x1] =	stream.strided.gather @!p5 [hbm4b:s8+s9], $0x8000, s26, s9, $0x38;
	[tilespmem:$0x1D200] =	vst v63  }
0x142: {  	p5 =	slt.s32 @!p0 s16, $0x1  }
0x143: {  	p0 =	por p0, p5  }
.Ltmp13:
0x144: {  	_ = 	snop;
	(pc) =	sbr.rel @p0 .LBB2_22-.Ltmp13, $1  }
0x145: {  	_ =	sdelay $0x3  }
.Ltmp14:
0x146: {  	(pc) =	sbr.rel .LBB2_15-.Ltmp14, $2  }
0x147: {  	_ =	sdelay $0x2  }
0x148: {  	v12 =	vmov s2;
	s2 =	simm.s32 $0x0  }
.LBB2_17:
0x149: {  	_ = 	snop  }
.LBB2_20:
0x14a: {  	_ =	sdelay $0x3  }
0x14b: {  	[tilespmem:v15+s12+$0x0] =	vst.idx.add.f32.msk @p5 $0xffff, v14  }
0x14c: {  	v14 =	vld.idx.msk [tilespmem:v13+s13+$0x0], $0xffff;
	_ =	sdelay $0x4  }
0x14d: {  	v15 =	vshll.u32 v14, $0x3  }
0x14e: {  	v14 =	vand.u32 $0x7F, v14;
	v15 =	vand.u32 $0xC00, v15  }
0x14f: {  	v13 =	vld.idx.msk [tilespmem:v13+s14+$0x0], $0xffff;
	v14 =	vor.u32 v14, v15  }
0x150: {  	v15 =	vor.u32 v4, v14;
	_ =	sdelay $0x3  }
0x151: {  	v13 =	vshll.u32 v13, $0x6  }
0x152: {  	v16 =	vor.u32 v3, v13;
	v15 =	vld.idx.msk [tilespmem:v15+s10+$0x0], $0xffff  }
0x153: {  	v17 =	vor.u32 v5, v14;
	_ =	sdelay $0x3  }
0x154: {  	[tilespmem:v16+s12+$0x0] =	vst.idx.add.f32.msk $0xffff, v15  }
0x155: {  	v61 =	vor.u32 v6, v13;
	v15 =	vld.idx.msk [tilespmem:v17+s10+$0x0], $0xffff  }
0x156: {  	v62 =	vor.u32 v7, v14;
	_ =	sdelay $0x3  }
0x157: {  	[tilespmem:v61+s12+$0x0] =	vst.idx.add.f32.msk $0xffff, v15  }
0x158: {  	v63 =	vor.u32 v8, v13;
	v15 =	vld.idx.msk [tilespmem:v62+s10+$0x0], $0xffff  }
0x159: {  	v14 =	vor.u32 v9, v14;
	_ =	sdelay $0x3  }
0x15a: {  	[tilespmem:v63+s12+$0x0] =	vst.idx.add.f32.msk $0xffff, v15  }
0x15b: {  	v13 =	vor.u32 v10, v13;
	v14 =	vld.idx.msk [tilespmem:v14+s10+$0x0], $0xffff;
	_ =	sdelay $0x4  }
0x15c: {  	[tilespmem:v13+s12+$0x0] =	vst.idx.add.f32.msk $0xffff, v14  }
.LBB2_21:
0x15d: {  	s2 =	sadd.s32 $0x1, s2  }
0x15e: {  	p0 =	sne.s32 s2, s16  }
.Ltmp15:
0x15f: {  	_ = 	snop;
	(pc) =	sbr.rel @!p0 .LBB2_22-.Ltmp15, $1  }
0x160: {  	_ =	sdelay $0x3  }
.LBB2_15:
0x161: {  	s3 =	sshll.u32 s2, $0x4  }
0x162: {  	v13 =	vld [tilespmem:s3+$0x0];
	_ =	sdelay $0x4  }
0x163: {  	v14 =	vand.u32 $0xFFFFF, v13  }
0x164: {  	v15 =	vor.u32 s3, v3;
	v16 =	vshrl.u32 v14, $0x9  }
0x165: {  	vm0 =	vlt.s32 v15, v11;
	vm1 =	veq.s32 v16, v12  }
0x166: {  	vm0 =	vmand vm0, vm1  }
0x167: {  	v15 =	vsel vm0, $0x1, v1  }
0x168: {  	(xrf0) =	vadd.scan.msk.s32 $0xffff, v15;
	_ =	sdelay $0x5  }
0x169: {  	v15, _, _ =	vpop (xrf0)  }
0x16a: {  	(v2sf) =	vpush v15, $0xF;
	_ =	sdelay $0xe  }
0x16b: {  	s9 =	spop (v2sf)  }
0x16c: {  	p0 =	slt.s32 s9, $0x1  }
.Ltmp16:
0x16d: {  	_ = 	snop;
	(pc) =	sbr.rel @p0 .LBB2_21-.Ltmp16, $1  }
0x16e: {  	_ =	sdelay $0x3  }
0x16f: {  	p0 =	sne.s32 s9, $0x1  }
.Ltmp17:
0x170: {  	_ = 	snop;
	(pc) =	sbr.rel @!p0 .LBB2_17-.Ltmp17, $3  }
0x171: {  	_ =	sdelay $0x1  }
0x172: {  	[tilespmem:s13+$0x0] =	vst.msk vm0, v14;
	v13 =	vshra.s32 v13, $0x14;
	s3 =	simm.s32 $0x0  }
0x173: {  	s8 =	simm.s32 $0x1;
	p5 =	por $0x0, $0x0;
	[tilespmem:s14+$0x0] =	vst.msk vm0, v13;
	v13 =	vmov s3  }
0x174: {  	_ =	sdelay $0x3  }
0x175: {  	v14 =	vld.idx.msk [tilespmem:v13+s13+$0x0], $0xffff;
	_ =	sdelay $0x4  }
0x176: {  	v15 =	vshll.u32 v14, $0x3  }
0x177: {  	v14 =	vand.u32 $0x7F, v14;
	v15 =	vand.u32 $0xC00, v15  }
0x178: {  	v13 =	vld.idx.msk [tilespmem:v13+s14+$0x0], $0xffff;
	v14 =	vor.u32 v14, v15  }
0x179: {  	v15 =	vor.u32 v4, v14;
	_ =	sdelay $0x3  }
0x17a: {  	v13 =	vshll.u32 v13, $0x6  }
0x17b: {  	v16 =	vor.u32 v3, v13;
	v15 =	vld.idx.msk [tilespmem:v15+s10+$0x0], $0xffff  }
0x17c: {  	v17 =	vor.u32 v5, v14;
	_ =	sdelay $0x3  }
0x17d: {  	[tilespmem:v16+s12+$0x0] =	vst.idx.add.f32.msk $0xffff, v15  }
0x17e: {  	v16 =	vor.u32 v6, v13;
	v15 =	vld.idx.msk [tilespmem:v17+s10+$0x0], $0xffff  }
0x17f: {  	v17 =	vor.u32 v7, v14;
	_ =	sdelay $0x3  }
0x180: {  	[tilespmem:v16+s12+$0x0] =	vst.idx.add.f32.msk $0xffff, v15  }
0x181: {  	v16 =	vor.u32 v8, v13;
	v15 =	vld.idx.msk [tilespmem:v17+s10+$0x0], $0xffff  }
0x182: {  	v14 =	vor.u32 v9, v14;
	_ =	sdelay $0x3  }
0x183: {  	p0 =	sne.s32 s9, $0x2;
	[tilespmem:v16+s12+$0x0] =	vst.idx.add.f32.msk $0xffff, v15  }
.Ltmp18:
0x184: {  	v15 =	vor.u32 v10, v13;
	v14 =	vld.idx.msk [tilespmem:v14+s10+$0x0], $0xffff;
	(pc) =	sbr.rel @!p0 .LBB2_20-.Ltmp18, $2  }
0x185: {  	v13 =	vmov s8;
	_ =	sdelay $0x2  }
0x186: {  	s26 =	simm.s32 $0x2;
	p5 =	por $0x1, $0x1  }
.LBB2_19:
0x187: {  	[tilespmem:v15+s12+$0x0] =	vst.idx.add.f32.msk $0xffff, v14;
	s8 =	smov.u32 s26;
	s26 =	sadd.s32 $0x1, s26  }
0x188: {  	p6 =	sne.s32 s9, s26;
	v14 =	vld.idx.msk [tilespmem:v13+s13+$0x0], $0xffff;
	_ =	sdelay $0x5  }
0x189: {  	v15 =	vshll.u32 v14, $0x3  }
0x18a: {  	v14 =	vand.u32 $0x7F, v14;
	v15 =	vand.u32 $0xC00, v15  }
0x18b: {  	v14 =	vor.u32 v14, v15;
	v13 =	vld.idx.msk [tilespmem:v13+s14+$0x0], $0xffff  }
0x18c: {  	v15 =	vor.u32 v4, v14;
	_ =	sdelay $0x4  }
0x18d: {  	v13 =	vshll.u32 v13, $0x6;
	v15 =	vld.idx.msk [tilespmem:v15+s10+$0x0], $0xffff  }
0x18e: {  	v16 =	vor.u32 v3, v13  }
0x18f: {  	v17 =	vor.u32 v5, v14;
	_ =	sdelay $0x3  }
0x190: {  	[tilespmem:v16+s12+$0x0] =	vst.idx.add.f32.msk $0xffff, v15  }
0x191: {  	v15 =	vld.idx.msk [tilespmem:v17+s10+$0x0], $0xffff  }
0x192: {  	v16 =	vor.u32 v6, v13  }
0x193: {  	v17 =	vor.u32 v7, v14;
	_ =	sdelay $0x3  }
0x194: {  	[tilespmem:v16+s12+$0x0] =	vst.idx.add.f32.msk $0xffff, v15  }
0x195: {  	v15 =	vld.idx.msk [tilespmem:v17+s10+$0x0], $0xffff  }
0x196: {  	v16 =	vor.u32 v8, v13  }
0x197: {  	v14 =	vor.u32 v9, v14;
	_ =	sdelay $0x2  }
.Ltmp19:
0x198: {  	(pc) =	sbr.rel @p6 .LBB2_19-.Ltmp19, $4  }
0x199: {  	[tilespmem:v16+s12+$0x0] =	vst.idx.add.f32.msk $0xffff, v15  }
0x19a: {  	v14 =	vld.idx.msk [tilespmem:v14+s10+$0x0], $0xffff  }
0x19b: {  	v15 =	vor.u32 v10, v13  }
0x19c: {  	v13 =	vmov s8  }
.Ltmp20:
0x19d: {  	_ = 	snop;
	(pc) =	sbr.rel .LBB2_20-.Ltmp20, $1  }
0x19e: {  	_ =	sdelay $0x3  }
.LBB2_22:
0x19f: {  	p0 =	por @p2 $0x0, $0x0  }
0x1a0: {  	p4 =	por @!p4 $0x1, $0x1;
	p3 =	por !p3, !p2;
	s2 =	simm.s32 @!p2 $0x3  }
0x1a1: {  	p4 =	por @!p3 p0, p0;
	p0 =	por @!p2 $0x0, $0x0;
	_ =	swait.ge @!p2 [sflag:s2], $0x8000  }
0x1a2: {  	s3 =	sadd.s32 s31, s7;
	p4 =	por @!p2 p0, p0;
	[sflag:s2] =	ssyncset.done @!p2 $0x0  }
0x1a3: {  	[sflag:s2] =	ssyncadd.s32 @!p2 $0xFFFF8000;
	s2 =	simm.s32 @p4 $0x3;
	p2 =	sgt.u32 s3, $0x7A0  }
0x1a4: {  	_ =	swait.ge @p4 [sflag:s2], $0x2000;
	p0 =	sne.s32 @p2 s3, $0x7A1  }
0x1a5: {  	[sflag:s2] =	ssyncset.done @p4 $0x0;
	p3 =	por p0, !p2  }
0x1a6: {  	[sflag:s2] =	ssyncadd.s32 @p4 $0xFFFFE000;
	s2 =	simm.s32 @!p3 $0x0;
	s7 =	simm.s32 @!p3 $0xC080  }
0x1a7: {  	[tilespmem:s7], [sflag:$0x2] =	stream.linear.gather @!p3 [hbm4b:s6+s2], $0x400, $0x38;
	[tilespmem:$0x1D200] =	vst v63  }
0x1a8: {  	s7 =	simm.s32 @!p3 $0xD080  }
0x1a9: {  	[tilespmem:s7], [sflag:$0x2] =	stream.linear.gather @!p3 [hbm4b:s19+s2], $0x400, $0x38;
	[tilespmem:$0x1D200] =	vst v63  }
0x1aa: {  	s7 =	simm.s32 @!p3 $0xE080  }
0x1ab: {  	[tilespmem:s7], [sflag:$0x2] =	stream.linear.gather @!p3 [hbm4b:s20+s2], $0x400, $0x38;
	[tilespmem:$0x1D200] =	vst v63  }
0x1ac: {  	s7 =	simm.s32 @!p3 $0xF080  }
0x1ad: {  	[tilespmem:s7], [sflag:$0x2] =	stream.linear.gather @!p3 [hbm4b:s21+s2], $0x400, $0x38;
	[tilespmem:$0x1D200] =	vst v63  }
0x1ae: {  	s7 =	simm.s32 @!p3 $0x10080  }
0x1af: {  	[tilespmem:s7], [sflag:$0x2] =	stream.linear.gather @!p3 [hbm4b:s22+s2], $0x400, $0x38;
	[tilespmem:$0x1D200] =	vst v63  }
0x1b0: {  	s7 =	simm.s32 @!p3 $0x11080  }
0x1b1: {  	[tilespmem:s7], [sflag:$0x2] =	stream.linear.gather @!p3 [hbm4b:s23+s2], $0x400, $0x38;
	[tilespmem:$0x1D200] =	vst v63  }
0x1b2: {  	s7 =	simm.s32 @!p3 $0x12080  }
0x1b3: {  	[tilespmem:s7], [sflag:$0x2] =	stream.linear.gather @!p3 [hbm4b:s24+s2], $0x400, $0x38;
	[tilespmem:$0x1D200] =	vst v63  }
0x1b4: {  	s7 =	simm.s32 @!p3 $0x13080  }
0x1b5: {  	[tilespmem:s7], [sflag:$0x2] =	stream.linear.gather @!p3 [hbm4b:s25+s2], $0x400, $0x38;
	[tilespmem:$0x1D200] =	vst v63  }
0x1b6: {  	s8 =	simm.s32 @!p2 $0xC080;
	p0 =	sgt.u32 s18, $0x7A1;
	s2 =	sshll.u32 @!p2 s3, $0x9  }
0x1b7: {  	s3 =	simm.s32 @!p2 $0x1000;
	s7 =	simm.s32 @!p2 $0x7A1400;
	s2 =	sadd.s32 @!p2 s0, s2  }
0x1b8: {  	[tilespmem:s8], [sflag:$0x2] =	stream.strided.gather @!p2 [hbm4b:s2+s3], $0x8000, s7, s3, $0x38;
	[tilespmem:$0x1D200] =	vst v63  }
0x1b9: {  	p2 =	slt.s32 @!p0 s16, $0x1  }
0x1ba: {  	p0 =	por p0, p2  }
.Ltmp21:
0x1bb: {  	_ = 	snop;
	(pc) =	sbr.rel @p0 .LBB2_31-.Ltmp21, $1  }
0x1bc: {  	_ =	sdelay $0x3  }
.Ltmp22:
0x1bd: {  	(pc) =	sbr.rel .LBB2_24-.Ltmp22, $2  }
0x1be: {  	_ =	sdelay $0x2  }
0x1bf: {  	v12 =	vmov s18;
	s2 =	simm.s32 $0x0  }
.LBB2_26:
0x1c0: {  	_ = 	snop  }
.LBB2_29:
0x1c1: {  	_ =	sdelay $0x3  }
0x1c2: {  	[tilespmem:v15+s12+$0x0] =	vst.idx.add.f32.msk @p2 $0xffff, v14  }
0x1c3: {  	v14 =	vld.idx.msk [tilespmem:v13+s13+$0x0], $0xffff;
	_ =	sdelay $0x4  }
0x1c4: {  	v15 =	vshll.u32 v14, $0x3  }
0x1c5: {  	v14 =	vand.u32 $0x7F, v14;
	v15 =	vand.u32 $0xC00, v15  }
0x1c6: {  	v13 =	vld.idx.msk [tilespmem:v13+s14+$0x0], $0xffff;
	v14 =	vor.u32 v14, v15  }
0x1c7: {  	v15 =	vor.u32 v4, v14;
	_ =	sdelay $0x3  }
0x1c8: {  	v13 =	vshll.u32 v13, $0x6  }
0x1c9: {  	v16 =	vor.u32 v3, v13;
	v15 =	vld.idx.msk [tilespmem:v15+s5+$0x0], $0xffff  }
0x1ca: {  	v17 =	vor.u32 v5, v14;
	_ =	sdelay $0x3  }
0x1cb: {  	[tilespmem:v16+s12+$0x0] =	vst.idx.add.f32.msk $0xffff, v15  }
0x1cc: {  	v61 =	vor.u32 v6, v13;
	v15 =	vld.idx.msk [tilespmem:v17+s5+$0x0], $0xffff  }
0x1cd: {  	v62 =	vor.u32 v7, v14;
	_ =	sdelay $0x3  }
0x1ce: {  	[tilespmem:v61+s12+$0x0] =	vst.idx.add.f32.msk $0xffff, v15  }
0x1cf: {  	v63 =	vor.u32 v8, v13;
	v15 =	vld.idx.msk [tilespmem:v62+s5+$0x0], $0xffff  }
0x1d0: {  	v14 =	vor.u32 v9, v14;
	_ =	sdelay $0x3  }
0x1d1: {  	[tilespmem:v63+s12+$0x0] =	vst.idx.add.f32.msk $0xffff, v15  }
0x1d2: {  	v13 =	vor.u32 v10, v13;
	v14 =	vld.idx.msk [tilespmem:v14+s5+$0x0], $0xffff;
	_ =	sdelay $0x4  }
0x1d3: {  	[tilespmem:v13+s12+$0x0] =	vst.idx.add.f32.msk $0xffff, v14  }
.LBB2_30:
0x1d4: {  	s2 =	sadd.s32 $0x1, s2  }
0x1d5: {  	p0 =	sne.s32 s2, s16  }
.Ltmp23:
0x1d6: {  	_ = 	snop;
	(pc) =	sbr.rel @!p0 .LBB2_31-.Ltmp23, $1  }
0x1d7: {  	_ =	sdelay $0x3  }
.LBB2_24:
0x1d8: {  	s3 =	sshll.u32 s2, $0x4  }
0x1d9: {  	v13 =	vld [tilespmem:s3+$0x0];
	_ =	sdelay $0x4  }
0x1da: {  	v14 =	vand.u32 $0xFFFFF, v13  }
0x1db: {  	v15 =	vor.u32 s3, v3;
	v16 =	vshrl.u32 v14, $0x9  }
0x1dc: {  	vm0 =	vlt.s32 v15, v11;
	vm1 =	veq.s32 v16, v12  }
0x1dd: {  	vm0 =	vmand vm0, vm1  }
0x1de: {  	v15 =	vsel vm0, $0x1, v1  }
0x1df: {  	(xrf0) =	vadd.scan.msk.s32 $0xffff, v15;
	_ =	sdelay $0x5  }
0x1e0: {  	v15, _, _ =	vpop (xrf0)  }
0x1e1: {  	(v2sf) =	vpush v15, $0xF;
	_ =	sdelay $0xe  }
0x1e2: {  	s7 =	spop (v2sf)  }
0x1e3: {  	p0 =	slt.s32 s7, $0x1  }
.Ltmp24:
0x1e4: {  	_ = 	snop;
	(pc) =	sbr.rel @p0 .LBB2_30-.Ltmp24, $1  }
0x1e5: {  	_ =	sdelay $0x3  }
0x1e6: {  	p0 =	sne.s32 s7, $0x1  }
.Ltmp25:
0x1e7: {  	_ = 	snop;
	(pc) =	sbr.rel @!p0 .LBB2_26-.Ltmp25, $3  }
0x1e8: {  	_ =	sdelay $0x1  }
0x1e9: {  	[tilespmem:s13+$0x0] =	vst.msk vm0, v14;
	v13 =	vshra.s32 v13, $0x14;
	s3 =	simm.s32 $0x0  }
0x1ea: {  	s8 =	simm.s32 $0x1;
	p2 =	por $0x0, $0x0;
	[tilespmem:s14+$0x0] =	vst.msk vm0, v13;
	v13 =	vmov s3  }
0x1eb: {  	_ =	sdelay $0x3  }
0x1ec: {  	v14 =	vld.idx.msk [tilespmem:v13+s13+$0x0], $0xffff;
	_ =	sdelay $0x4  }
0x1ed: {  	v15 =	vshll.u32 v14, $0x3  }
0x1ee: {  	v14 =	vand.u32 $0x7F, v14;
	v15 =	vand.u32 $0xC00, v15  }
0x1ef: {  	v13 =	vld.idx.msk [tilespmem:v13+s14+$0x0], $0xffff;
	v14 =	vor.u32 v14, v15  }
0x1f0: {  	v15 =	vor.u32 v4, v14;
	_ =	sdelay $0x3  }
0x1f1: {  	v13 =	vshll.u32 v13, $0x6  }
0x1f2: {  	v16 =	vor.u32 v3, v13;
	v15 =	vld.idx.msk [tilespmem:v15+s5+$0x0], $0xffff  }
0x1f3: {  	v17 =	vor.u32 v5, v14;
	_ =	sdelay $0x3  }
0x1f4: {  	[tilespmem:v16+s12+$0x0] =	vst.idx.add.f32.msk $0xffff, v15  }
0x1f5: {  	v16 =	vor.u32 v6, v13;
	v15 =	vld.idx.msk [tilespmem:v17+s5+$0x0], $0xffff  }
0x1f6: {  	v17 =	vor.u32 v7, v14;
	_ =	sdelay $0x3  }
0x1f7: {  	[tilespmem:v16+s12+$0x0] =	vst.idx.add.f32.msk $0xffff, v15  }
0x1f8: {  	v16 =	vor.u32 v8, v13;
	v15 =	vld.idx.msk [tilespmem:v17+s5+$0x0], $0xffff  }
0x1f9: {  	v14 =	vor.u32 v9, v14;
	_ =	sdelay $0x3  }
0x1fa: {  	p0 =	sne.s32 s7, $0x2;
	[tilespmem:v16+s12+$0x0] =	vst.idx.add.f32.msk $0xffff, v15  }
.Ltmp26:
0x1fb: {  	v15 =	vor.u32 v10, v13;
	v14 =	vld.idx.msk [tilespmem:v14+s5+$0x0], $0xffff;
	(pc) =	sbr.rel @!p0 .LBB2_29-.Ltmp26, $2  }
0x1fc: {  	v13 =	vmov s8;
	_ =	sdelay $0x2  }
0x1fd: {  	s9 =	simm.s32 $0x2;
	p2 =	por $0x1, $0x1  }
.LBB2_28:
0x1fe: {  	[tilespmem:v15+s12+$0x0] =	vst.idx.add.f32.msk $0xffff, v14;
	s8 =	smov.u32 s9;
	s9 =	sadd.s32 $0x1, s9  }
0x1ff: {  	p3 =	sne.s32 s7, s9;
	v14 =	vld.idx.msk [tilespmem:v13+s13+$0x0], $0xffff;
	_ =	sdelay $0x5  }
0x200: {  	v15 =	vshll.u32 v14, $0x3  }
0x201: {  	v14 =	vand.u32 $0x7F, v14;
	v15 =	vand.u32 $0xC00, v15  }
0x202: {  	v14 =	vor.u32 v14, v15;
	v13 =	vld.idx.msk [tilespmem:v13+s14+$0x0], $0xffff  }
0x203: {  	v15 =	vor.u32 v4, v14;
	_ =	sdelay $0x4  }
0x204: {  	v13 =	vshll.u32 v13, $0x6;
	v15 =	vld.idx.msk [tilespmem:v15+s5+$0x0], $0xffff  }
0x205: {  	v16 =	vor.u32 v3, v13  }
0x206: {  	v17 =	vor.u32 v5, v14;
	_ =	sdelay $0x3  }
0x207: {  	[tilespmem:v16+s12+$0x0] =	vst.idx.add.f32.msk $0xffff, v15  }
0x208: {  	v15 =	vld.idx.msk [tilespmem:v17+s5+$0x0], $0xffff  }
0x209: {  	v16 =	vor.u32 v6, v13  }
0x20a: {  	v17 =	vor.u32 v7, v14;
	_ =	sdelay $0x3  }
0x20b: {  	[tilespmem:v16+s12+$0x0] =	vst.idx.add.f32.msk $0xffff, v15  }
0x20c: {  	v15 =	vld.idx.msk [tilespmem:v17+s5+$0x0], $0xffff  }
0x20d: {  	v16 =	vor.u32 v8, v13  }
0x20e: {  	v14 =	vor.u32 v9, v14;
	_ =	sdelay $0x2  }
.Ltmp27:
0x20f: {  	(pc) =	sbr.rel @p3 .LBB2_28-.Ltmp27, $4  }
0x210: {  	[tilespmem:v16+s12+$0x0] =	vst.idx.add.f32.msk $0xffff, v15  }
0x211: {  	v14 =	vld.idx.msk [tilespmem:v14+s5+$0x0], $0xffff  }
0x212: {  	v15 =	vor.u32 v10, v13  }
0x213: {  	v13 =	vmov s8  }
.Ltmp28:
0x214: {  	_ = 	snop;
	(pc) =	sbr.rel .LBB2_29-.Ltmp28, $1  }
0x215: {  	_ =	sdelay $0x3  }
.LBB2_32:
0x216: {  	s2 =	rddreg [dreg:$0x7]  }
0x217: {  	s3 =	simm.s32 $0x80;
	s7 =	simm.s32 $0x400;
	s9 =	simm.s32 $0x4  }
0x218: {  	[spmem:s2] =	stream.strided.scatter [tilespmem:s12], [sflag:$0x4], $0x400, s7, s3, $0x38;
	[tilespmem:$0x1D200] =	vst v63  }
0x219: {  	_ =	swait.ge [sflag:s9], $0x400  }
0x21a: {  	[sflag:s9] =	ssyncset.done $0x0  }
0x21b: {  	[sflag:s9] =	ssyncadd.s32 $0xFFFFFC00  }
0x21c: {  	[bflag:$0x0] =	sbarrier.arrive $0xFFFF  }
0x21d: {  	s26 =	sld [smem:$0x7FD];
	_ =	sdelay $0x2  }
0x21e: {  	p0 =	seq.s32 s26, $0x1  }
.Ltmp29:
0x21f: {  	_ = 	snop;
	(pc) =	sbr.rel @p0 .LBB2_34-.Ltmp29, $1  }
0x220: {  	_ =	sdelay $0x3  }
0x221: {  	s2 =	rddreg [dreg:$0x8]  }
0x222: {  	s3 =	simm.s32 $0x400;
	s7 =	simm.s32 $0x2000;
	s8 =	simm.s32 $0x1C600  }
0x223: {  	[tilespmem:s8], [sflag:$0x4] =	stream.strided.gather [spmem:s2], $0x800, s7, s3, $0x38;
	[tilespmem:$0x1D200] =	vst v63  }
0x224: {  	_ =	swait.ge [sflag:s9], $0x800  }
0x225: {  	[sflag:s9] =	ssyncset.done $0x0  }
0x226: {  	[sflag:s9] =	ssyncadd.s32 $0xFFFFF800  }
0x227: {  	v11 =	vld [tilespmem:$0x1C600]  }
0x228: {  	v12 =	vld [tilespmem:$0x1C680]  }
0x229: {  	v13 =	vld [tilespmem:$0x1C700]  }
0x22a: {  	v14 =	vld [tilespmem:$0x1C780]  }
0x22b: {  	v15 =	vld [tilespmem:$0x1C800]  }
0x22c: {  	v16 =	vld [tilespmem:$0x1C880]  }
0x22d: {  	v17 =	vld [tilespmem:$0x1C900]  }
0x22e: {  	v18 =	vld [tilespmem:$0x1C980]  }
0x22f: {  	v19 =	vld [tilespmem:$0x1CA00]  }
0x230: {  	v20 =	vld [tilespmem:$0x1CA80]  }
0x231: {  	v21 =	vld [tilespmem:$0x1CB00]  }
0x232: {  	v22 =	vld [tilespmem:$0x1CB80]  }
0x233: {  	v23 =	vld [tilespmem:$0x1CC00]  }
0x234: {  	v24 =	vld [tilespmem:$0x1CC80]  }
0x235: {  	v25 =	vld [tilespmem:$0x1CD00]  }
0x236: {  	v26 =	vld [tilespmem:$0x1CD80]  }
0x237: {  	v27 =	vld [tilespmem:$0x1C610]  }
0x238: {  	v28 =	vld [tilespmem:$0x1C690]  }
0x239: {  	v29 =	vld [tilespmem:$0x1C710]  }
0x23a: {  	v30 =	vld [tilespmem:$0x1C790]  }
0x23b: {  	v31 =	vld [tilespmem:$0x1C810]  }
0x23c: {  	v32 =	vld [tilespmem:$0x1C890]  }
0x23d: {  	v33 =	vld [tilespmem:$0x1C910]  }
0x23e: {  	v34 =	vld [tilespmem:$0x1C990]  }
0x23f: {  	v35 =	vld [tilespmem:$0x1CA10]  }
0x240: {  	v36 =	vld [tilespmem:$0x1CA90]  }
0x241: {  	v37 =	vld [tilespmem:$0x1CB10]  }
0x242: {  	v38 =	vld [tilespmem:$0x1CB90]  }
0x243: {  	v39 =	vld [tilespmem:$0x1CC10]  }
0x244: {  	v40 =	vld [tilespmem:$0x1CC90]  }
0x245: {  	v41 =	vld [tilespmem:$0x1CD10]  }
0x246: {  	v42 =	vld [tilespmem:$0x1CD90]  }
0x247: {  	v44 =	vld [tilespmem:$0x1C630]  }
0x248: {  	v43 =	vld [tilespmem:$0x1C620]  }
0x249: {  	v46 =	vld [tilespmem:$0x1C6B0]  }
0x24a: {  	v45 =	vld [tilespmem:$0x1C6A0];
	v11 =	vadd.f32 $0.0e+00, v11  }
0x24b: {  	v53 =	vld [tilespmem:$0x1C730];
	v27 =	vadd.f32 $0.0e+00, v27  }
0x24c: {  	v47 =	vld [tilespmem:$0x1C720];
	v44 =	vadd.f32 $0.0e+00, v44;
	v11 =	vadd.f32 v12, v11  }
0x24d: {  	v55 =	vld [tilespmem:$0x1C7B0];
	v52 =	vadd.f32 $0.0e+00, v43;
	v27 =	vadd.f32 v28, v27  }
0x24e: {  	v54 =	vld [tilespmem:$0x1C7A0];
	v44 =	vadd.f32 v46, v44;
	v11 =	vadd.f32 v13, v11  }
0x24f: {  	v57 =	vld [tilespmem:$0x1C830];
	v12 =	vadd.f32 v45, v52;
	v27 =	vadd.f32 v29, v27  }
0x250: {  	v56 =	vld [tilespmem:$0x1C820];
	v43 =	vadd.f32 v53, v44;
	v11 =	vadd.f32 v14, v11  }
0x251: {  	v59 =	vld [tilespmem:$0x1C8B0];
	v12 =	vadd.f32 v47, v12;
	v27 =	vadd.f32 v30, v27  }
0x252: {  	v58 =	vld [tilespmem:$0x1C8A0];
	v13 =	vadd.f32 v55, v43;
	v11 =	vadd.f32 v15, v11  }
0x253: {  	v61 =	vld [tilespmem:$0x1C930];
	v12 =	vadd.f32 v54, v12;
	v27 =	vadd.f32 v31, v27  }
0x254: {  	v60 =	vld [tilespmem:$0x1C920];
	v13 =	vadd.f32 v57, v13;
	v11 =	vadd.f32 v16, v11  }
0x255: {  	v63 =	vld [tilespmem:$0x1C9B0];
	v12 =	vadd.f32 v56, v12;
	v27 =	vadd.f32 v32, v27  }
0x256: {  	v62 =	vld [tilespmem:$0x1C9A0];
	v13 =	vadd.f32 v59, v13;
	v11 =	vadd.f32 v17, v11  }
0x257: {  	v12 =	vadd.f32 v58, v12;
	v32 =	vld [tilespmem:$0x1CA30];
	v30 =	vadd.f32 v33, v27  }
0x258: {  	v31 =	vld [tilespmem:$0x1CA20];
	v13 =	vadd.f32 v61, v13;
	v11 =	vadd.f32 v18, v11  }
0x259: {  	v12 =	vadd.f32 v60, v12;
	v17 =	vadd.f32 v34, v30;
	v34 =	vld [tilespmem:$0x1CAB0]  }
0x25a: {  	v33 =	vld [tilespmem:$0x1CAA0];
	v13 =	vadd.f32 v63, v13;
	v11 =	vadd.f32 v19, v11  }
0x25b: {  	v44 =	vld [tilespmem:$0x1CB30];
	v12 =	vadd.f32 v62, v12;
	v17 =	vadd.f32 v35, v17  }
0x25c: {  	v43 =	vld [tilespmem:$0x1CB20];
	v13 =	vadd.f32 v32, v13;
	v11 =	vadd.f32 v20, v11  }
0x25d: {  	v46 =	vld [tilespmem:$0x1CBB0];
	v12 =	vadd.f32 v31, v12;
	v17 =	vadd.f32 v36, v17  }
0x25e: {  	v45 =	vld [tilespmem:$0x1CBA0];
	v13 =	vadd.f32 v34, v13;
	v11 =	vadd.f32 v21, v11  }
0x25f: {  	v48 =	vld [tilespmem:$0x1CC30];
	v12 =	vadd.f32 v33, v12;
	v17 =	vadd.f32 v37, v17  }
0x260: {  	v47 =	vld [tilespmem:$0x1CC20];
	v13 =	vadd.f32 v44, v13;
	v11 =	vadd.f32 v22, v11  }
0x261: {  	v50 =	vld [tilespmem:$0x1CCB0];
	v12 =	vadd.f32 v43, v12;
	v17 =	vadd.f32 v38, v17  }
0x262: {  	v49 =	vld [tilespmem:$0x1CCA0];
	v13 =	vadd.f32 v46, v13;
	v11 =	vadd.f32 v23, v11  }
0x263: {  	v52 =	vld [tilespmem:$0x1CD30];
	v12 =	vadd.f32 v45, v12;
	v17 =	vadd.f32 v39, v17  }
0x264: {  	v51 =	vld [tilespmem:$0x1CD20];
	v13 =	vadd.f32 v48, v13;
	v11 =	vadd.f32 v24, v11  }
0x265: {  	v54 =	vld [tilespmem:$0x1CDB0];
	v12 =	vadd.f32 v47, v12;
	v17 =	vadd.f32 v40, v17  }
0x266: {  	v53 =	vld [tilespmem:$0x1CDA0];
	v13 =	vadd.f32 v50, v13;
	v11 =	vadd.f32 v25, v11  }
0x267: {  	v12 =	vadd.f32 v49, v12;
	v17 =	vadd.f32 v41, v17  }
0x268: {  	v13 =	vadd.f32 v52, v13;
	v11 =	vadd.f32 v26, v11  }
0x269: {  	v12 =	vadd.f32 v51, v12;
	v55 =	vadd.f32 v42, v17  }
0x26a: {  	v13 =	vadd.f32 v54, v13;
	v11 =	vmul.f32 $9.765625000e-04, v11  }
0x26b: {  	v12 =	vadd.f32 v53, v12;
	v14 =	vmul.f32 $9.765625000e-04, v55  }
0x26c: {  	v56 =	vmul.f32 $9.765625000e-04, v13;
	[tilespmem:$0x1C580] =	vst v11  }
0x26d: {  	v11 =	vmul.f32 $9.765625000e-04, v12;
	[tilespmem:$0x1C590] =	vst v14  }
0x26e: {  	[tilespmem:$0x1C5B0] =	vst v56  }
0x26f: {  	s16 =	simm.s32 $0x0;
	s18 =	simm.s32 $0x1C580;
	s17 =	rddreg [dreg:$0x9];
	[tilespmem:$0x1C5A0] =	vst v11  }
0x270: {  	[hbm4b:s17+s16] =	stream.linear.scatter [tilespmem:s18], [sflag:$0x4], $0x80, $0x38;
	[tilespmem:$0x1D200] =	vst v63  }
0x271: {  	_ =	swait.ge [sflag:s9], $0x80  }
0x272: {  	[sflag:s9] =	ssyncset.done $0x0  }
0x273: {  	[sflag:s9] =	ssyncadd.s32 $0xFFFFFF80  }
0x274: {  	v11 =	vld [tilespmem:$0x1C640]  }
0x275: {  	v57 =	vld [tilespmem:$0x1C6C0]  }
0x276: {  	v58 =	vld [tilespmem:$0x1C740]  }
0x277: {  	v14 =	vld [tilespmem:$0x1C7C0]  }
0x278: {  	v15 =	vld [tilespmem:$0x1C840]  }
0x279: {  	v16 =	vld [tilespmem:$0x1C8C0]  }
0x27a: {  	v17 =	vld [tilespmem:$0x1C940]  }
0x27b: {  	v18 =	vld [tilespmem:$0x1C9C0]  }
0x27c: {  	v19 =	vld [tilespmem:$0x1CA40]  }
0x27d: {  	v20 =	vld [tilespmem:$0x1CAC0]  }
0x27e: {  	v21 =	vld [tilespmem:$0x1CB40]  }
0x27f: {  	v22 =	vld [tilespmem:$0x1CBC0]  }
0x280: {  	v23 =	vld [tilespmem:$0x1CC40]  }
0x281: {  	v24 =	vld [tilespmem:$0x1CCC0]  }
0x282: {  	v25 =	vld [tilespmem:$0x1CD40]  }
0x283: {  	v26 =	vld [tilespmem:$0x1CDC0]  }
0x284: {  	v59 =	vld [tilespmem:$0x1C650]  }
0x285: {  	v60 =	vld [tilespmem:$0x1C6D0]  }
0x286: {  	v61 =	vld [tilespmem:$0x1C750]  }
0x287: {  	v62 =	vld [tilespmem:$0x1C7D0]  }
0x288: {  	v63 =	vld [tilespmem:$0x1C850]  }
0x289: {  	v32 =	vld [tilespmem:$0x1C8D0]  }
0x28a: {  	v33 =	vld [tilespmem:$0x1C950]  }
0x28b: {  	v34 =	vld [tilespmem:$0x1C9D0]  }
0x28c: {  	v48 =	vld [tilespmem:$0x1CA50]  }
0x28d: {  	v36 =	vld [tilespmem:$0x1CAD0]  }
0x28e: {  	v37 =	vld [tilespmem:$0x1CB50]  }
0x28f: {  	v38 =	vld [tilespmem:$0x1CBD0]  }
0x290: {  	v39 =	vld [tilespmem:$0x1CC50]  }
0x291: {  	v40 =	vld [tilespmem:$0x1CCD0]  }
0x292: {  	v41 =	vld [tilespmem:$0x1CD50]  }
0x293: {  	v42 =	vld [tilespmem:$0x1CDD0]  }
0x294: {  	v49 =	vld [tilespmem:$0x1C660]  }
0x295: {  	v50 =	vld [tilespmem:$0x1C670]  }
0x296: {  	v51 =	vld [tilespmem:$0x1C6E0]  }
0x297: {  	v52 =	vld [tilespmem:$0x1C6F0];
	v11 =	vadd.f32 $0.0e+00, v11  }
0x298: {  	v53 =	vld [tilespmem:$0x1C760];
	v27 =	vadd.f32 $0.0e+00, v59  }
0x299: {  	v55 =	vld [tilespmem:$0x1C770];
	v54 =	vadd.f32 $0.0e+00, v49;
	v11 =	vadd.f32 v57, v11  }
0x29a: {  	v56 =	vld [tilespmem:$0x1C7E0];
	v44 =	vadd.f32 $0.0e+00, v50;
	v27 =	vadd.f32 v60, v27  }
0x29b: {  	v12 =	vadd.f32 v51, v54;
	v57 =	vld [tilespmem:$0x1C7F0];
	v11 =	vadd.f32 v58, v11  }
0x29c: {  	v59 =	vld [tilespmem:$0x1C860];
	v27 =	vadd.f32 v61, v27;
	v58 =	vadd.f32 v52, v44  }
0x29d: {  	v60 =	vld [tilespmem:$0x1C870];
	v12 =	vadd.f32 v53, v12;
	v11 =	vadd.f32 v14, v11  }
0x29e: {  	v61 =	vld [tilespmem:$0x1C8E0];
	v27 =	vadd.f32 v62, v27;
	v29 =	vadd.f32 v55, v58  }
0x29f: {  	v12 =	vadd.f32 v56, v12;
	v62 =	vld [tilespmem:$0x1C8F0];
	v11 =	vadd.f32 v15, v11  }
0x2a0: {  	v27 =	vadd.f32 v63, v27;
	v13 =	vadd.f32 v57, v29;
	v63 =	vld [tilespmem:$0x1C960]  }
0x2a1: {  	v31 =	vld [tilespmem:$0x1C970];
	v12 =	vadd.f32 v59, v12;
	v11 =	vadd.f32 v16, v11  }
0x2a2: {  	v27 =	vadd.f32 v32, v27;
	v13 =	vadd.f32 v60, v13;
	v32 =	vld [tilespmem:$0x1C9E0]  }
0x2a3: {  	v43 =	vld [tilespmem:$0x1C9F0];
	v12 =	vadd.f32 v61, v12;
	v11 =	vadd.f32 v17, v11  }
0x2a4: {  	v44 =	vld [tilespmem:$0x1CA60];
	v27 =	vadd.f32 v33, v27;
	v13 =	vadd.f32 v62, v13  }
0x2a5: {  	v45 =	vld [tilespmem:$0x1CA70];
	v12 =	vadd.f32 v63, v12;
	v11 =	vadd.f32 v18, v11  }
0x2a6: {  	v46 =	vld [tilespmem:$0x1CAE0];
	v27 =	vadd.f32 v34, v27;
	v13 =	vadd.f32 v31, v13  }
0x2a7: {  	v47 =	vld [tilespmem:$0x1CAF0];
	v12 =	vadd.f32 v32, v12;
	v11 =	vadd.f32 v19, v11  }
0x2a8: {  	v49 =	vld [tilespmem:$0x1CB60];
	v48 =	vadd.f32 v48, v27;
	v13 =	vadd.f32 v43, v13  }
0x2a9: {  	v50 =	vld [tilespmem:$0x1CB70];
	v12 =	vadd.f32 v44, v12;
	v11 =	vadd.f32 v20, v11  }
0x2aa: {  	v51 =	vld [tilespmem:$0x1CBE0];
	v19 =	vadd.f32 v36, v48;
	v13 =	vadd.f32 v45, v13  }
0x2ab: {  	v52 =	vld [tilespmem:$0x1CBF0];
	v12 =	vadd.f32 v46, v12;
	v11 =	vadd.f32 v21, v11  }
0x2ac: {  	v53 =	vld [tilespmem:$0x1CC60];
	v19 =	vadd.f32 v37, v19;
	v13 =	vadd.f32 v47, v13  }
0x2ad: {  	v54 =	vld [tilespmem:$0x1CC70];
	v12 =	vadd.f32 v49, v12;
	v11 =	vadd.f32 v22, v11  }
0x2ae: {  	v55 =	vld [tilespmem:$0x1CCE0];
	v19 =	vadd.f32 v38, v19;
	v13 =	vadd.f32 v50, v13  }
0x2af: {  	v56 =	vld [tilespmem:$0x1CCF0];
	v12 =	vadd.f32 v51, v12;
	v11 =	vadd.f32 v23, v11  }
0x2b0: {  	v57 =	vld [tilespmem:$0x1CD60];
	v19 =	vadd.f32 v39, v19;
	v13 =	vadd.f32 v52, v13  }
0x2b1: {  	v58 =	vld [tilespmem:$0x1CD70];
	v12 =	vadd.f32 v53, v12;
	v11 =	vadd.f32 v24, v11  }
0x2b2: {  	v59 =	vld [tilespmem:$0x1CDE0];
	v19 =	vadd.f32 v40, v19;
	v13 =	vadd.f32 v54, v13  }
0x2b3: {  	v60 =	vld [tilespmem:$0x1CDF0];
	v12 =	vadd.f32 v55, v12;
	v11 =	vadd.f32 v25, v11  }
0x2b4: {  	v19 =	vadd.f32 v41, v19;
	v13 =	vadd.f32 v56, v13  }
0x2b5: {  	v12 =	vadd.f32 v57, v12;
	v11 =	vadd.f32 v26, v11  }
0x2b6: {  	v61 =	vadd.f32 v42, v19;
	v13 =	vadd.f32 v58, v13  }
0x2b7: {  	v12 =	vadd.f32 v59, v12;
	v11 =	vmul.f32 $9.765625000e-04, v11  }
0x2b8: {  	v13 =	vadd.f32 v60, v13;
	v62 =	vmul.f32 $9.765625000e-04, v61  }
0x2b9: {  	[tilespmem:$0x1C580] =	vst v11;
	v11 =	vmul.f32 $9.765625000e-04, v12  }
0x2ba: {  	[tilespmem:$0x1C590] =	vst v62;
	v63 =	vmul.f32 $9.765625000e-04, v13  }
0x2bb: {  	[tilespmem:$0x1C5A0] =	vst v11  }
.Ltmp30:
0x2bc: {  	s26 =	rddreg [dreg:$0x13];
	[tilespmem:$0x1C5B0] =	vst v63;
	(pc) =	sbr.rel .LBB2_34-.Ltmp30, $4  }
0x2bd: {  	[hbm4b:s26+s16] =	stream.linear.scatter [tilespmem:s18], [sflag:$0x4], $0x80, $0x38;
	[tilespmem:$0x1D200] =	vst v63  }
0x2be: {  	_ =	swait.ge [sflag:s9], $0x80  }
0x2bf: {  	[sflag:s9] =	ssyncset.done $0x0  }
0x2c0: {  	[sflag:s9] =	ssyncadd.s32 $0xFFFFFF80  }
.LBB2_35:
0x2c1: {  	_ =	sfence.sel $0x180000  }
0x2c2: {  	[bflag:$0x0] =	sbarrier.arrive $0xFFFF  }
0x2c3: {  	_ =	strace $0x90000047  }
0x2c4: {  	s0 =	stileid.u32;
	[bflag:$0x2] =	sbarrier.arrive $0xFFFF  }
0x2c5: {  	p0 =	sne.s32 s0, $0x0;
	s0 =	rddreg [dreg:$0x4]  }
0x2c6: {  	s0 =	sadd.s32 @!p0 $0x100000, s0  }
0x2c7: {  	[sflag:s0] =	ssyncadd.tile.s32 @!p0 $0x1;
	_ =	shalt  }
.Lfunc_end2:
_tile_overlayer_lowered:
.L_overlay_start_2:
0x2c8: {  	(tag) =	ssettag $0x2  }
0x2c9: {  	s0 =	rddreg [dreg:$0x0];
	s2 =	stileid.u32  }
0x2ca: {  	s1 =	rddreg [dreg:$0x1];
	p0 =	sne.s32 s2, $0x0  }
0x2cb: {  	s3 =	rddreg [dreg:$0x2];
	[bflag:$0x3] =	sbarrier.arrive $0xFFFF;
	s2 =	simm.s32 @!p0 $0x1C04  }
0x2cc: {  	[timem:s3], [sflag:s2] =	dma.local @!p0 [hbm:s0], s1  }
0x2cd: {  	s0 =	simm.s32 @!p0 $0x4  }
0x2ce: {  	_ =	swait.ge @!p0 [sflag:s0], s1  }
0x2cf: {  	s1 =	ssub.s32 @!p0 $0x0, s1;
	[sflag:s0] =	ssyncset.done @!p0 $0x0  }
0x2d0: {  	[sflag:s0] =	ssyncadd.s32 @!p0 s1  }
0x2d1: {  	[bflag:$0x3] =	sbarrier.arrive $0xFFFF  }
0x2d2: {  	_ =	shalt  }

</sc_bundles>
